<compile_context>
chip_gen: v7x
topology: tpu7x:2x2x1
jax: 0.10.2.dev20260603
libtpu: 0.0.44.dev20260713+nightly
codegen_flags: <defaults>
</compile_context>

<pallas_src>
import dataclasses
import functools

import jax
import jax.numpy as jnp
from jax import lax
from jax.experimental import pallas as pl
from jax.experimental.pallas import tpu as pltpu
from jax.experimental.pallas import tpu_sc as plsc

N = 10000
E = 320000
D = 128

NTILES = 32
G = 80
NB = 129
EPAD = NB * G - E // NTILES
NP = 10240
RPT = NP // 16
L = 16


def _prep_body(x_ref, w_ref, a_ref, h_ref, al_ref):
    h = jnp.dot(x_ref[...], w_ref[...], preferred_element_type=jnp.float32)
    h_ref[...] = h
    al_ref[...] = jnp.dot(h, a_ref[...], preferred_element_type=jnp.float32)


def _tc_prep(x, W, A):
    return pl.pallas_call(
        _prep_body,
        out_shape=(
            jax.ShapeDtypeStruct((N, D), jnp.float32),
            jax.ShapeDtypeStruct((N, 2), jnp.float32),
        ),
    )(x, W, A)


def _sc_edges(h, tab, sd_r):
    mesh = plsc.VectorSubcoreMesh(core_axis_name="c", subcore_axis_name="s")
    cp = pltpu.CompilerParams()
    if "needs_layout_passes" in pltpu.CompilerParams.__dataclass_fields__:
        cp = dataclasses.replace(cp, needs_layout_passes=False)

    @functools.partial(
        pl.kernel,
        compiler_params=cp,
        out_type=(
            jax.ShapeDtypeStruct((2, NP, D), jnp.float32),
            jax.ShapeDtypeStruct((2, NP), jnp.float32),
        ),
        mesh=mesh,
        scratch_types=[
            pltpu.VMEM((2, G), jnp.int32),
            pltpu.VMEM((2, G), jnp.int32),
            pltpu.VMEM((2, G), jnp.int32),
            pltpu.VMEM((G,), jnp.int32),
            pltpu.VMEM((G,), jnp.int32),
            pltpu.VMEM((G,), jnp.int32),
            pltpu.VMEM((NP,), jnp.int32),
            pltpu.VMEM((G,), jnp.float32),
            pltpu.VMEM((G,), jnp.float32),
            pltpu.VMEM((G,), jnp.float32),
            pltpu.VMEM((G, D), jnp.float32),
            pltpu.VMEM((G, D), jnp.float32),
            pltpu.VMEM((G, D), jnp.float32),
            pltpu.VMEM((RPT,), jnp.float32),
            pltpu.VMEM_SHARED((NP, D), jnp.float32),
            pltpu.VMEM_SHARED((NP,), jnp.float32),
            pltpu.SemaphoreType.DMA,
            pltpu.SemaphoreType.DMA,
            pltpu.SemaphoreType.DMA,
            pltpu.SemaphoreType.DMA,
            pltpu.SemaphoreType.DMA,
            pltpu.SemaphoreType.DMA,
            pltpu.SemaphoreType.DMA,
            pltpu.SemaphoreType.DMA,
            pltpu.SemaphoreType.DMA,
        ],
    )
    def k(h_hbm, tab_hbm, sd_hbm, aggp_hbm, denp_hbm,
          sd0, sd1, sd2, dS0, dS1, dS2, tab_v, w0, w1, w2, r0, r1, r2,
          denb_v, agg_sh, den_sh,
          si0, si1, si2, sr0, sr1, sr2, ss0, ss1, ss2):
        sd = (sd0, sd1, sd2)
        dstS = (dS0, dS1, dS2)
        w = (w0, w1, w2)
        rows = (r0, r1, r2)
        semi = (si0, si1, si2)
        semr = (sr0, sr1, sr2)
        sems = (ss0, ss1, ss2)

        c = lax.axis_index("c")
        s = lax.axis_index("s")
        t = c * 16 + s
        base = s * RPT

        pltpu.sync_copy(tab_hbm, tab_v)

        def issue_idx(b, i):
            pltpu.async_copy(sd_hbm.at[t, b], sd[i], semi[i])

        def wait_idx(b, i):
            pltpu.make_async_copy(sd_hbm.at[t, b], sd[i], semi[i]).wait()

        def issue_g(i):
            pltpu.async_copy(h_hbm.at[sd[i].at[0]], rows[i], semr[i])

        def wait_g(i):
            pltpu.make_async_copy(h_hbm.at[sd[i].at[0]], rows[i],
                                  semr[i]).wait()

        def process(i):
            sdb, wv, rv, dstsb = sd[i], w[i], rows[i], dstS[i]
            himask = jnp.full((L,), -65536, jnp.int32)
            for j in range(G // L):
                isrc = sdb[0, pl.ds(j * L, L)]
                idst = sdb[1, pl.ds(j * L, L)]
                dstsb[pl.ds(j * L, L)] = idst
                g1 = plsc.load_gather(tab_v, [isrc])
                g2 = plsc.load_gather(tab_v, [idst])
                av = plsc.bitcast(g1 & himask, jnp.float32)
                dv = plsc.bitcast(lax.shift_left(g2, 16), jnp.float32)
                e = av + dv
                e = jnp.where(e >= 0.0, e, 0.2 * e)
                wv[pl.ds(j * L, L)] = jnp.exp(e)

            pltpu.async_copy(wv, den_sh.at[dstsb], sems[i], add=True)

            @plsc.parallel_loop(0, G, unroll=4)
            def _(r):
                wb = plsc.load_gather(wv, [jnp.full((L,), r, jnp.int32)])
                for j in range(D // L):
                    rv[r, pl.ds(j * L, L)] = rv[r, pl.ds(j * L, L)] * wb

            pltpu.async_copy(rv, agg_sh.at[dstsb], sems[i], add=True)

        def wait_scatters(i):
            pltpu.make_async_copy(w[i], den_sh.at[dstS[i]], sems[i]).wait()
            pltpu.make_async_copy(rows[i], agg_sh.at[dstS[i]], sems[i]).wait()

        zf = jnp.zeros((L,), jnp.float32)

        @pl.loop(0, G)
        def _(i):
            for j in range(D // L):
                rows[0][i, pl.ds(j * L, L)] = zf

        for j in range(G // L):
            w[0][pl.ds(j * L, L)] = zf

        zh = []
        for k5 in range(RPT // G):
            sl = pl.ds(base + k5 * G, G)
            zh.append(pltpu.async_copy(rows[0], agg_sh.at[sl], semr[0]))
            zh.append(pltpu.async_copy(w[0], den_sh.at[sl], semr[1]))
        for hh in zh:
            hh.wait()

        issue_idx(0, 0)
        wait_idx(0, 0)
        issue_g(0)
        issue_idx(1, 1)

        plsc.subcore_barrier()

        QL = NB // 3

        @pl.loop(0, QL)
        def _(q):
            for j in range(3):
                b = 3 * q + j
                i = j
                p1 = (j + 1) % 3
                p2 = (j + 2) % 3

                def refill():
                    wait_idx(b + 1, p1)
                    issue_g(p1)

                def refill_after_drain():
                    wait_idx(b + 1, p1)
                    wait_scatters(p1)
                    issue_g(p1)

                if j < 2:
                    if j == 0:
                        pl.when(q > 0)(lambda: wait_scatters(p1))
                        refill()
                    else:
                        pl.when(q > 0)(lambda: wait_scatters(p1))
                        refill()
                else:
                    pl.when(q < QL - 1)(refill_after_drain)

                if j == 0:
                    issue_idx(b + 2, p2)
                elif j == 1:
                    pl.when(q < QL - 1)(lambda: issue_idx(b + 2, p2))
                else:
                    pl.when(q < QL - 1)(lambda: issue_idx(b + 2, p2))

                wait_g(i)
                process(i)

        for i in range(3):
            wait_scatters(i)

        plsc.subcore_barrier()

        eh = []
        for k5 in range(RPT // G):
            sl = pl.ds(base + k5 * G, G)
            if k5 >= 3:
                eh[k5 - 3].wait()
            pltpu.sync_copy(agg_sh.at[sl], rows[k5 % 3])
            eh.append(pltpu.async_copy(rows[k5 % 3], aggp_hbm.at[c, sl],
                                       semr[k5 % 3]))

        sl = pl.ds(base, RPT)
        pltpu.sync_copy(den_sh.at[sl], denb_v)
        pltpu.sync_copy(denb_v, denp_hbm.at[c, sl])
        for hh in eh[-3:]:
            hh.wait()

    return k(h, tab, sd_r)


_FB = 2000


def _fin_body(aggp_ref, denp_ref, out_ref):
    agg = aggp_ref[0] + aggp_ref[1]
    den = denp_ref[0] + denp_ref[1] + 1e-16
    o = agg / den
    out_ref[...] = jnp.where(o >= 0.0, o, 0.2 * o)


def _tc_fin(aggp, denp):
    return pl.pallas_call(
        _fin_body,
        grid=(N // _FB,),
        in_specs=[
            pl.BlockSpec((2, _FB, D), lambda i: (0, i, 0)),
            pl.BlockSpec((2, _FB, 1), lambda i: (0, i, 0)),
        ],
        out_specs=pl.BlockSpec((_FB, D), lambda i: (i, 0)),
        out_shape=jax.ShapeDtypeStruct((N, D), jnp.float32),
    )(aggp, denp)


def kernel(x, edge_index, W, a_src, a_dst):
    A = jnp.stack([a_src, a_dst], axis=1)
    h, al = _tc_prep(x, W, A)
    alT = al.T
    asrc_p = jnp.pad(alT[0], (0, NP - N))
    adst_p = jnp.pad(alT[1], (0, NP - N))

    au = lax.bitcast_convert_type(
        asrc_p.astype(jnp.bfloat16), jnp.uint16).astype(jnp.uint32)
    du = lax.bitcast_convert_type(
        adst_p.astype(jnp.bfloat16), jnp.uint16).astype(jnp.uint32)
    tab = lax.bitcast_convert_type((au << 16) | du, jnp.int32)

    src2 = edge_index[0].reshape(NTILES, E // NTILES)
    dst2 = edge_index[1].reshape(NTILES, E // NTILES)
    dsrc = jnp.broadcast_to((jnp.arange(EPAD, dtype=jnp.int32) * 89) % N,
                            (NTILES, EPAD))
    ddst = jnp.broadcast_to(N + (jnp.arange(EPAD, dtype=jnp.int32) % (NP - N)),
                            (NTILES, EPAD))
    src_r = jnp.concatenate([src2, dsrc], axis=1).reshape(NTILES, NB, G)
    dst_r = jnp.concatenate([dst2, ddst], axis=1).reshape(NTILES, NB, G)
    sd_r = jnp.stack([src_r, dst_r], axis=2)

    aggp, denp = _sc_edges(h, tab, sd_r)
    return _tc_fin(aggp, denp.reshape(2, NP, 1))

# --- scband reference (transcript-rebuilt; emitter-appended) ---
"""Pipeline reference for scband-model-61959198212618 (READ-ONLY COPY).

The authoritative reference and input builder live on the scoring server;
editing this copy changes nothing except your own understanding.
"""

import jax, jax.numpy as jnp
import numpy as np

N = 10000
E = 320000
D = 128


def setup_inputs(seed: int = 0) -> dict:
    key = jax.random.key(seed)
    k1, k2, k3, k4, k5 = jax.random.split(key, 5)
    x = jax.random.normal(k1, (N, D), dtype=jnp.float32)
    edge_index = jax.random.randint(k2, (2, E), 0, N)
    W = jax.random.normal(k3, (D, D), dtype=jnp.float32) * 0.05
    a_src = jax.random.normal(k4, (D,), dtype=jnp.float32) * 0.05
    a_dst = jax.random.normal(k5, (D,), dtype=jnp.float32) * 0.05
    return {"x": x, "edge_index": edge_index, "W": W, "a_src": a_src, "a_dst": a_dst}


def reference(x, edge_index, W, a_src, a_dst):
    # Graph-attention message passing (core of the model's GraphAtt/SpatialAtt blocks):
    # gather node features along edges, compute per-edge attention logits,
    # segment-softmax over destination nodes, scatter-add weighted messages.
    src = edge_index[0]
    dst = edge_index[1]
    h = x @ W                                  # [N, D]
    h_src = jnp.take(h, src, axis=0)           # gather [E, D]
    h_dst = jnp.take(h, dst, axis=0)           # gather [E, D]
    e = jax.nn.leaky_relu(h_src @ a_src + h_dst @ a_dst, negative_slope=0.2)  # [E]
    # segment softmax over dst
    seg_max = jax.ops.segment_max(e, dst, num_segments=N)
    seg_max = jnp.where(jnp.isfinite(seg_max), seg_max, 0.0)
    ex = jnp.exp(e - jnp.take(seg_max, dst, axis=0))
    denom = jax.ops.segment_sum(ex, dst, num_segments=N) + 1e-16
    msg = ex[:, None] * h_src                  # [E, D]
    agg = jax.ops.segment_sum(msg, dst, num_segments=N)  # scatter-add [N, D]
    out = agg / denom[:, None]
    return jax.nn.leaky_relu(out, negative_slope=0.2)

if __name__ == "__main__":
    import jax
    _d = setup_inputs()
    print(jax.jit(kernel)(*tuple(_d.values())))

</pallas_src>

<mosaic_0001>
#map = affine_map<(d0, d1) -> (0, 0)>
#map1 = affine_map<(d0, d1) -> (0)>
#map2 = affine_map<(d0, d1) -> (0, 0, 0, 0)>
#map3 = affine_map<(d0, d1) -> (0, 0, 0)>
module attributes {stable_mosaic.version = 14 : i64} {
  func.func @k(%arg0: i32, %arg1: i32, %arg2: memref<10000x128xf32, #tpu.memory_space<hbm>>, %arg3: memref<10240xi32, #tpu.memory_space<hbm>>, %arg4: memref<32x129x2x80xi32, #tpu.memory_space<hbm>>, %arg5: memref<2x10240x128xf32, #tpu.memory_space<hbm>>, %arg6: memref<2x10240xf32, #tpu.memory_space<hbm>>, %arg7: memref<2x80xi32, #tpu.memory_space<vmem>>, %arg8: memref<2x80xi32, #tpu.memory_space<vmem>>, %arg9: memref<2x80xi32, #tpu.memory_space<vmem>>, %arg10: memref<80xi32, #tpu.memory_space<vmem>>, %arg11: memref<80xi32, #tpu.memory_space<vmem>>, %arg12: memref<80xi32, #tpu.memory_space<vmem>>, %arg13: memref<10240xi32, #tpu.memory_space<vmem>>, %arg14: memref<80xf32, #tpu.memory_space<vmem>>, %arg15: memref<80xf32, #tpu.memory_space<vmem>>, %arg16: memref<80xf32, #tpu.memory_space<vmem>>, %arg17: memref<80x128xf32, #tpu.memory_space<vmem>>, %arg18: memref<80x128xf32, #tpu.memory_space<vmem>>, %arg19: memref<80x128xf32, #tpu.memory_space<vmem>>, %arg20: memref<640xf32, #tpu.memory_space<vmem>>, %arg21: memref<10240x128xf32, #tpu.memory_space<vmem_shared>>, %arg22: memref<10240xf32, #tpu.memory_space<vmem_shared>>, %arg23: memref<!tpu.dma_semaphore, #tpu.memory_space<semaphore_mem>>, %arg24: memref<!tpu.dma_semaphore, #tpu.memory_space<semaphore_mem>>, %arg25: memref<!tpu.dma_semaphore, #tpu.memory_space<semaphore_mem>>, %arg26: memref<!tpu.dma_semaphore, #tpu.memory_space<semaphore_mem>>, %arg27: memref<!tpu.dma_semaphore, #tpu.memory_space<semaphore_mem>>, %arg28: memref<!tpu.dma_semaphore, #tpu.memory_space<semaphore_mem>>, %arg29: memref<!tpu.dma_semaphore, #tpu.memory_space<semaphore_mem>>, %arg30: memref<!tpu.dma_semaphore, #tpu.memory_space<semaphore_mem>>, %arg31: memref<!tpu.dma_semaphore, #tpu.memory_space<semaphore_mem>>) attributes {dimension_semantics = [#tpu.dimension_semantics<core_parallel>, #tpu.dimension_semantics<subcore_parallel>], iteration_bounds = array<i64: 2, 16>, scalar_prefetch = 0 : i64, scratch_operands = 25 : i64, tpu.core_type = #tpu.core_type<sc_vector_subcore>, window_params = [{transform_indices = #map}, {transform_indices = #map1}, {transform_indices = #map2}, {transform_indices = #map3}, {transform_indices = #map}]} {
    %mul3A = arith.constant 16 : i32
    %mul3A_0 = arith.muli %arg0, %mul3A : i32
    %add3A = arith.addi %mul3A_0, %arg1 : i32
    %mul3A_1 = arith.constant 640 : i32
    %mul3A_2 = arith.muli %arg1, %mul3A_1 : i32
    "tpu.region"() ({
      %run_scoped3A = tpu.sem_alloc : memref<!tpu.dma_semaphore, #tpu.memory_space<semaphore_mem>>
      tpu.enqueue_dma source(%arg3 : memref<10240xi32, #tpu.memory_space<hbm>>) target(%arg13 : memref<10240xi32, #tpu.memory_space<vmem>>) target_semaphore(%run_scoped3A : memref<!tpu.dma_semaphore, #tpu.memory_space<semaphore_mem>>)
      tpu.wait_dma2 semaphore(%run_scoped3A : memref<!tpu.dma_semaphore, #tpu.memory_space<semaphore_mem>>) src(%arg3 : memref<10240xi32, #tpu.memory_space<hbm>>) dst(%arg13 : memref<10240xi32, #tpu.memory_space<vmem>>)
      tpu.yield
    }) : () -> ()
    %broadcast_in_dim3A = arith.constant 0.000000e+00 : f32
    %broadcast_in_dim3A_3 = vector.broadcast %broadcast_in_dim3A : f32 to vector<16xf32>
    %scan3A = arith.constant 0 : i32
    %scan3A_4 = arith.constant 80 : i32
    %scan3A_5 = arith.addi %scan3A, %scan3A_4 : i32
    %scan3A_6 = arith.constant 1 : i32
    scf.for %scan3A_294 = %scan3A to %scan3A_5 step %scan3A_6  : i32 {
      %mul3A_295 = arith.constant 1 : i32
      %mul3A_296 = arith.muli %scan3A_294, %mul3A_295 : i32
      %add3A_297 = arith.constant 0 : i32
      %add3A_298 = arith.addi %add3A_297, %mul3A_296 : i32
      %swap3A_299 = arith.index_cast %add3A_298 : i32 to index
      %swap3A_300 = arith.constant 0 : index
      %swap3A_301 = tpu.vector_load %arg17[%swap3A_299, %swap3A_300] {strides = array<i32>} : memref<80x128xf32, #tpu.memory_space<vmem>>, vector<16xf32>,
      tpu.vector_store %arg17[%swap3A_299, %swap3A_300], %broadcast_in_dim3A_3 {strides = array<i32>} : memref<80x128xf32, #tpu.memory_space<vmem>>, vector<16xf32>,
      %swap3A_302 = arith.index_cast %add3A_298 : i32 to index
      %swap3A_303 = arith.constant 16 : index
      %swap3A_304 = tpu.vector_load %arg17[%swap3A_302, %swap3A_303] {strides = array<i32>} : memref<80x128xf32, #tpu.memory_space<vmem>>, vector<16xf32>,
      tpu.vector_store %arg17[%swap3A_302, %swap3A_303], %broadcast_in_dim3A_3 {strides = array<i32>} : memref<80x128xf32, #tpu.memory_space<vmem>>, vector<16xf32>,
      %swap3A_305 = arith.index_cast %add3A_298 : i32 to index
      %swap3A_306 = arith.constant 32 : index
      %swap3A_307 = tpu.vector_load %arg17[%swap3A_305, %swap3A_306] {strides = array<i32>} : memref<80x128xf32, #tpu.memory_space<vmem>>, vector<16xf32>,
      tpu.vector_store %arg17[%swap3A_305, %swap3A_306], %broadcast_in_dim3A_3 {strides = array<i32>} : memref<80x128xf32, #tpu.memory_space<vmem>>, vector<16xf32>,
      %swap3A_308 = arith.index_cast %add3A_298 : i32 to index
      %swap3A_309 = arith.constant 48 : index
      %swap3A_310 = tpu.vector_load %arg17[%swap3A_308, %swap3A_309] {strides = array<i32>} : memref<80x128xf32, #tpu.memory_space<vmem>>, vector<16xf32>,
      tpu.vector_store %arg17[%swap3A_308, %swap3A_309], %broadcast_in_dim3A_3 {strides = array<i32>} : memref<80x128xf32, #tpu.memory_space<vmem>>, vector<16xf32>,
      %swap3A_311 = arith.index_cast %add3A_298 : i32 to index
      %swap3A_312 = arith.constant 64 : index
      %swap3A_313 = tpu.vector_load %arg17[%swap3A_311, %swap3A_312] {strides = array<i32>} : memref<80x128xf32, #tpu.memory_space<vmem>>, vector<16xf32>,
      tpu.vector_store %arg17[%swap3A_311, %swap3A_312], %broadcast_in_dim3A_3 {strides = array<i32>} : memref<80x128xf32, #tpu.memory_space<vmem>>, vector<16xf32>,
      %swap3A_314 = arith.index_cast %add3A_298 : i32 to index
      %swap3A_315 = arith.constant 80 : index
      %swap3A_316 = tpu.vector_load %arg17[%swap3A_314, %swap3A_315] {strides = array<i32>} : memref<80x128xf32, #tpu.memory_space<vmem>>, vector<16xf32>,
      tpu.vector_store %arg17[%swap3A_314, %swap3A_315], %broadcast_in_dim3A_3 {strides = array<i32>} : memref<80x128xf32, #tpu.memory_space<vmem>>, vector<16xf32>,
      %swap3A_317 = arith.index_cast %add3A_298 : i32 to index
      %swap3A_318 = arith.constant 96 : index
      %swap3A_319 = tpu.vector_load %arg17[%swap3A_317, %swap3A_318] {strides = array<i32>} : memref<80x128xf32, #tpu.memory_space<vmem>>, vector<16xf32>,
      tpu.vector_store %arg17[%swap3A_317, %swap3A_318], %broadcast_in_dim3A_3 {strides = array<i32>} : memref<80x128xf32, #tpu.memory_space<vmem>>, vector<16xf32>,
      %swap3A_320 = arith.index_cast %add3A_298 : i32 to index
      %swap3A_321 = arith.constant 112 : index
      %swap3A_322 = tpu.vector_load %arg17[%swap3A_320, %swap3A_321] {strides = array<i32>} : memref<80x128xf32, #tpu.memory_space<vmem>>, vector<16xf32>,
      tpu.vector_store %arg17[%swap3A_320, %swap3A_321], %broadcast_in_dim3A_3 {strides = array<i32>} : memref<80x128xf32, #tpu.memory_space<vmem>>, vector<16xf32>,
    }
    %scan3A_7 = arith.constant 80 : i32
    %swap3A = arith.constant 0 : index
    %swap3A_8 = tpu.vector_load %arg14[%swap3A] {strides = array<i32>} : memref<80xf32, #tpu.memory_space<vmem>>, vector<16xf32>,
    tpu.vector_store %arg14[%swap3A], %broadcast_in_dim3A_3 {strides = array<i32>} : memref<80xf32, #tpu.memory_space<vmem>>, vector<16xf32>,
    %swap3A_9 = arith.constant 16 : index
    %swap3A_10 = tpu.vector_load %arg14[%swap3A_9] {strides = array<i32>} : memref<80xf32, #tpu.memory_space<vmem>>, vector<16xf32>,
    tpu.vector_store %arg14[%swap3A_9], %broadcast_in_dim3A_3 {strides = array<i32>} : memref<80xf32, #tpu.memory_space<vmem>>, vector<16xf32>,
    %swap3A_11 = arith.constant 32 : index
    %swap3A_12 = tpu.vector_load %arg14[%swap3A_11] {strides = array<i32>} : memref<80xf32, #tpu.memory_space<vmem>>, vector<16xf32>,
    tpu.vector_store %arg14[%swap3A_11], %broadcast_in_dim3A_3 {strides = array<i32>} : memref<80xf32, #tpu.memory_space<vmem>>, vector<16xf32>,
    %swap3A_13 = arith.constant 48 : index
    %swap3A_14 = tpu.vector_load %arg14[%swap3A_13] {strides = array<i32>} : memref<80xf32, #tpu.memory_space<vmem>>, vector<16xf32>,
    tpu.vector_store %arg14[%swap3A_13], %broadcast_in_dim3A_3 {strides = array<i32>} : memref<80xf32, #tpu.memory_space<vmem>>, vector<16xf32>,
    %swap3A_15 = arith.constant 64 : index
    %swap3A_16 = tpu.vector_load %arg14[%swap3A_15] {strides = array<i32>} : memref<80xf32, #tpu.memory_space<vmem>>, vector<16xf32>,
    tpu.vector_store %arg14[%swap3A_15], %broadcast_in_dim3A_3 {strides = array<i32>} : memref<80xf32, #tpu.memory_space<vmem>>, vector<16xf32>,
    %add3A_17 = arith.constant 0 : i32
    %add3A_18 = arith.addi %mul3A_2, %add3A_17 : i32
    %dma_start3A = arith.constant 0 : i32
    %dma_start3A_19 = tpu.memref_slice %arg21[%add3A_18, %dma_start3A] : memref<10240x128xf32, #tpu.memory_space<vmem_shared>> -> memref<80x128xf32, #tpu.memory_space<vmem_shared>>
    %dma_start3A_20 = arith.constant 0 : i32
    %dma_start3A_21 = tpu.memref_slice %arg21[%add3A_18, %dma_start3A_20] : memref<10240x128xf32, #tpu.memory_space<vmem_shared>> -> memref<80x128xf32, #tpu.memory_space<vmem_shared>>
    tpu.enqueue_dma source(%arg17 : memref<80x128xf32, #tpu.memory_space<vmem>>) target(%dma_start3A_21 : memref<80x128xf32, #tpu.memory_space<vmem_shared>>) target_semaphore(%arg26 : memref<!tpu.dma_semaphore, #tpu.memory_space<semaphore_mem>>)
    %dma_start3A_22 = tpu.memref_slice %arg22[%add3A_18] : memref<10240xf32, #tpu.memory_space<vmem_shared>> -> memref<80xf32, #tpu.memory_space<vmem_shared>>
    %dma_start3A_23 = tpu.memref_slice %arg22[%add3A_18] : memref<10240xf32, #tpu.memory_space<vmem_shared>> -> memref<80xf32, #tpu.memory_space<vmem_shared>>
    tpu.enqueue_dma source(%arg14 : memref<80xf32, #tpu.memory_space<vmem>>) target(%dma_start3A_23 : memref<80xf32, #tpu.memory_space<vmem_shared>>) target_semaphore(%arg27 : memref<!tpu.dma_semaphore, #tpu.memory_space<semaphore_mem>>)
    %add3A_24 = arith.constant 80 : i32
    %add3A_25 = arith.addi %mul3A_2, %add3A_24 : i32
    %dma_start3A_26 = arith.constant 0 : i32
    %dma_start3A_27 = tpu.memref_slice %arg21[%add3A_25, %dma_start3A_26] : memref<10240x128xf32, #tpu.memory_space<vmem_shared>> -> memref<80x128xf32, #tpu.memory_space<vmem_shared>>
    %dma_start3A_28 = arith.constant 0 : i32
    %dma_start3A_29 = tpu.memref_slice %arg21[%add3A_25, %dma_start3A_28] : memref<10240x128xf32, #tpu.memory_space<vmem_shared>> -> memref<80x128xf32, #tpu.memory_space<vmem_shared>>
    tpu.enqueue_dma source(%arg17 : memref<80x128xf32, #tpu.memory_space<vmem>>) target(%dma_start3A_29 : memref<80x128xf32, #tpu.memory_space<vmem_shared>>) target_semaphore(%arg26 : memref<!tpu.dma_semaphore, #tpu.memory_space<semaphore_mem>>)
    %dma_start3A_30 = tpu.memref_slice %arg22[%add3A_25] : memref<10240xf32, #tpu.memory_space<vmem_shared>> -> memref<80xf32, #tpu.memory_space<vmem_shared>>
    %dma_start3A_31 = tpu.memref_slice %arg22[%add3A_25] : memref<10240xf32, #tpu.memory_space<vmem_shared>> -> memref<80xf32, #tpu.memory_space<vmem_shared>>
    tpu.enqueue_dma source(%arg14 : memref<80xf32, #tpu.memory_space<vmem>>) target(%dma_start3A_31 : memref<80xf32, #tpu.memory_space<vmem_shared>>) target_semaphore(%arg27 : memref<!tpu.dma_semaphore, #tpu.memory_space<semaphore_mem>>)
    %add3A_32 = arith.constant 160 : i32
    %add3A_33 = arith.addi %mul3A_2, %add3A_32 : i32
    %dma_start3A_34 = arith.constant 0 : i32
    %dma_start3A_35 = tpu.memref_slice %arg21[%add3A_33, %dma_start3A_34] : memref<10240x128xf32, #tpu.memory_space<vmem_shared>> -> memref<80x128xf32, #tpu.memory_space<vmem_shared>>
    %dma_start3A_36 = arith.constant 0 : i32
    %dma_start3A_37 = tpu.memref_slice %arg21[%add3A_33, %dma_start3A_36] : memref<10240x128xf32, #tpu.memory_space<vmem_shared>> -> memref<80x128xf32, #tpu.memory_space<vmem_shared>>
    tpu.enqueue_dma source(%arg17 : memref<80x128xf32, #tpu.memory_space<vmem>>) target(%dma_start3A_37 : memref<80x128xf32, #tpu.memory_space<vmem_shared>>) target_semaphore(%arg26 : memref<!tpu.dma_semaphore, #tpu.memory_space<semaphore_mem>>)
    %dma_start3A_38 = tpu.memref_slice %arg22[%add3A_33] : memref<10240xf32, #tpu.memory_space<vmem_shared>> -> memref<80xf32, #tpu.memory_space<vmem_shared>>
    %dma_start3A_39 = tpu.memref_slice %arg22[%add3A_33] : memref<10240xf32, #tpu.memory_space<vmem_shared>> -> memref<80xf32, #tpu.memory_space<vmem_shared>>
    tpu.enqueue_dma source(%arg14 : memref<80xf32, #tpu.memory_space<vmem>>) target(%dma_start3A_39 : memref<80xf32, #tpu.memory_space<vmem_shared>>) target_semaphore(%arg27 : memref<!tpu.dma_semaphore, #tpu.memory_space<semaphore_mem>>)
    %add3A_40 = arith.constant 240 : i32
    %add3A_41 = arith.addi %mul3A_2, %add3A_40 : i32
    %dma_start3A_42 = arith.constant 0 : i32
    %dma_start3A_43 = tpu.memref_slice %arg21[%add3A_41, %dma_start3A_42] : memref<10240x128xf32, #tpu.memory_space<vmem_shared>> -> memref<80x128xf32, #tpu.memory_space<vmem_shared>>
    %dma_start3A_44 = arith.constant 0 : i32
    %dma_start3A_45 = tpu.memref_slice %arg21[%add3A_41, %dma_start3A_44] : memref<10240x128xf32, #tpu.memory_space<vmem_shared>> -> memref<80x128xf32, #tpu.memory_space<vmem_shared>>
    tpu.enqueue_dma source(%arg17 : memref<80x128xf32, #tpu.memory_space<vmem>>) target(%dma_start3A_45 : memref<80x128xf32, #tpu.memory_space<vmem_shared>>) target_semaphore(%arg26 : memref<!tpu.dma_semaphore, #tpu.memory_space<semaphore_mem>>)
    %dma_start3A_46 = tpu.memref_slice %arg22[%add3A_41] : memref<10240xf32, #tpu.memory_space<vmem_shared>> -> memref<80xf32, #tpu.memory_space<vmem_shared>>
    %dma_start3A_47 = tpu.memref_slice %arg22[%add3A_41] : memref<10240xf32, #tpu.memory_space<vmem_shared>> -> memref<80xf32, #tpu.memory_space<vmem_shared>>
    tpu.enqueue_dma source(%arg14 : memref<80xf32, #tpu.memory_space<vmem>>) target(%dma_start3A_47 : memref<80xf32, #tpu.memory_space<vmem_shared>>) target_semaphore(%arg27 : memref<!tpu.dma_semaphore, #tpu.memory_space<semaphore_mem>>)
    %add3A_48 = arith.constant 320 : i32
    %add3A_49 = arith.addi %mul3A_2, %add3A_48 : i32
    %dma_start3A_50 = arith.constant 0 : i32
    %dma_start3A_51 = tpu.memref_slice %arg21[%add3A_49, %dma_start3A_50] : memref<10240x128xf32, #tpu.memory_space<vmem_shared>> -> memref<80x128xf32, #tpu.memory_space<vmem_shared>>
    %dma_start3A_52 = arith.constant 0 : i32
    %dma_start3A_53 = tpu.memref_slice %arg21[%add3A_49, %dma_start3A_52] : memref<10240x128xf32, #tpu.memory_space<vmem_shared>> -> memref<80x128xf32, #tpu.memory_space<vmem_shared>>
    tpu.enqueue_dma source(%arg17 : memref<80x128xf32, #tpu.memory_space<vmem>>) target(%dma_start3A_53 : memref<80x128xf32, #tpu.memory_space<vmem_shared>>) target_semaphore(%arg26 : memref<!tpu.dma_semaphore, #tpu.memory_space<semaphore_mem>>)
    %dma_start3A_54 = tpu.memref_slice %arg22[%add3A_49] : memref<10240xf32, #tpu.memory_space<vmem_shared>> -> memref<80xf32, #tpu.memory_space<vmem_shared>>
    %dma_start3A_55 = tpu.memref_slice %arg22[%add3A_49] : memref<10240xf32, #tpu.memory_space<vmem_shared>> -> memref<80xf32, #tpu.memory_space<vmem_shared>>
    tpu.enqueue_dma source(%arg14 : memref<80xf32, #tpu.memory_space<vmem>>) target(%dma_start3A_55 : memref<80xf32, #tpu.memory_space<vmem_shared>>) target_semaphore(%arg27 : memref<!tpu.dma_semaphore, #tpu.memory_space<semaphore_mem>>)
    %add3A_56 = arith.constant 400 : i32
    %add3A_57 = arith.addi %mul3A_2, %add3A_56 : i32
    %dma_start3A_58 = arith.constant 0 : i32
    %dma_start3A_59 = tpu.memref_slice %arg21[%add3A_57, %dma_start3A_58] : memref<10240x128xf32, #tpu.memory_space<vmem_shared>> -> memref<80x128xf32, #tpu.memory_space<vmem_shared>>
    %dma_start3A_60 = arith.constant 0 : i32
    %dma_start3A_61 = tpu.memref_slice %arg21[%add3A_57, %dma_start3A_60] : memref<10240x128xf32, #tpu.memory_space<vmem_shared>> -> memref<80x128xf32, #tpu.memory_space<vmem_shared>>
    tpu.enqueue_dma source(%arg17 : memref<80x128xf32, #tpu.memory_space<vmem>>) target(%dma_start3A_61 : memref<80x128xf32, #tpu.memory_space<vmem_shared>>) target_semaphore(%arg26 : memref<!tpu.dma_semaphore, #tpu.memory_space<semaphore_mem>>)
    %dma_start3A_62 = tpu.memref_slice %arg22[%add3A_57] : memref<10240xf32, #tpu.memory_space<vmem_shared>> -> memref<80xf32, #tpu.memory_space<vmem_shared>>
    %dma_start3A_63 = tpu.memref_slice %arg22[%add3A_57] : memref<10240xf32, #tpu.memory_space<vmem_shared>> -> memref<80xf32, #tpu.memory_space<vmem_shared>>
    tpu.enqueue_dma source(%arg14 : memref<80xf32, #tpu.memory_space<vmem>>) target(%dma_start3A_63 : memref<80xf32, #tpu.memory_space<vmem_shared>>) target_semaphore(%arg27 : memref<!tpu.dma_semaphore, #tpu.memory_space<semaphore_mem>>)
    %add3A_64 = arith.constant 480 : i32
    %add3A_65 = arith.addi %mul3A_2, %add3A_64 : i32
    %dma_start3A_66 = arith.constant 0 : i32
    %dma_start3A_67 = tpu.memref_slice %arg21[%add3A_65, %dma_start3A_66] : memref<10240x128xf32, #tpu.memory_space<vmem_shared>> -> memref<80x128xf32, #tpu.memory_space<vmem_shared>>
    %dma_start3A_68 = arith.constant 0 : i32
    %dma_start3A_69 = tpu.memref_slice %arg21[%add3A_65, %dma_start3A_68] : memref<10240x128xf32, #tpu.memory_space<vmem_shared>> -> memref<80x128xf32, #tpu.memory_space<vmem_shared>>
    tpu.enqueue_dma source(%arg17 : memref<80x128xf32, #tpu.memory_space<vmem>>) target(%dma_start3A_69 : memref<80x128xf32, #tpu.memory_space<vmem_shared>>) target_semaphore(%arg26 : memref<!tpu.dma_semaphore, #tpu.memory_space<semaphore_mem>>)
    %dma_start3A_70 = tpu.memref_slice %arg22[%add3A_65] : memref<10240xf32, #tpu.memory_space<vmem_shared>> -> memref<80xf32, #tpu.memory_space<vmem_shared>>
    %dma_start3A_71 = tpu.memref_slice %arg22[%add3A_65] : memref<10240xf32, #tpu.memory_space<vmem_shared>> -> memref<80xf32, #tpu.memory_space<vmem_shared>>
    tpu.enqueue_dma source(%arg14 : memref<80xf32, #tpu.memory_space<vmem>>) target(%dma_start3A_71 : memref<80xf32, #tpu.memory_space<vmem_shared>>) target_semaphore(%arg27 : memref<!tpu.dma_semaphore, #tpu.memory_space<semaphore_mem>>)
    %add3A_72 = arith.constant 560 : i32
    %add3A_73 = arith.addi %mul3A_2, %add3A_72 : i32
    %dma_start3A_74 = arith.constant 0 : i32
    %dma_start3A_75 = tpu.memref_slice %arg21[%add3A_73, %dma_start3A_74] : memref<10240x128xf32, #tpu.memory_space<vmem_shared>> -> memref<80x128xf32, #tpu.memory_space<vmem_shared>>
    %dma_start3A_76 = arith.constant 0 : i32
    %dma_start3A_77 = tpu.memref_slice %arg21[%add3A_73, %dma_start3A_76] : memref<10240x128xf32, #tpu.memory_space<vmem_shared>> -> memref<80x128xf32, #tpu.memory_space<vmem_shared>>
    tpu.enqueue_dma source(%arg17 : memref<80x128xf32, #tpu.memory_space<vmem>>) target(%dma_start3A_77 : memref<80x128xf32, #tpu.memory_space<vmem_shared>>) target_semaphore(%arg26 : memref<!tpu.dma_semaphore, #tpu.memory_space<semaphore_mem>>)
    %dma_start3A_78 = tpu.memref_slice %arg22[%add3A_73] : memref<10240xf32, #tpu.memory_space<vmem_shared>> -> memref<80xf32, #tpu.memory_space<vmem_shared>>
    %dma_start3A_79 = tpu.memref_slice %arg22[%add3A_73] : memref<10240xf32, #tpu.memory_space<vmem_shared>> -> memref<80xf32, #tpu.memory_space<vmem_shared>>
    tpu.enqueue_dma source(%arg14 : memref<80xf32, #tpu.memory_space<vmem>>) target(%dma_start3A_79 : memref<80xf32, #tpu.memory_space<vmem_shared>>) target_semaphore(%arg27 : memref<!tpu.dma_semaphore, #tpu.memory_space<semaphore_mem>>)
    %dma_wait3A = arith.constant 0 : i32
    %dma_wait3A_80 = tpu.memref_slice %arg21[%add3A_18, %dma_wait3A] : memref<10240x128xf32, #tpu.memory_space<vmem_shared>> -> memref<80x128xf32, #tpu.memory_space<vmem_shared>>
    %dma_wait3A_81 = arith.constant 0 : i32
    %dma_wait3A_82 = tpu.memref_slice %arg21[%add3A_18, %dma_wait3A_81] : memref<10240x128xf32, #tpu.memory_space<vmem_shared>> -> memref<80x128xf32, #tpu.memory_space<vmem_shared>>
    tpu.wait_dma2 semaphore(%arg26 : memref<!tpu.dma_semaphore, #tpu.memory_space<semaphore_mem>>) src(%arg17 : memref<80x128xf32, #tpu.memory_space<vmem>>) dst(%dma_wait3A_82 : memref<80x128xf32, #tpu.memory_space<vmem_shared>>)
    %dma_wait3A_83 = tpu.memref_slice %arg22[%add3A_18] : memref<10240xf32, #tpu.memory_space<vmem_shared>> -> memref<80xf32, #tpu.memory_space<vmem_shared>>
    %dma_wait3A_84 = tpu.memref_slice %arg22[%add3A_18] : memref<10240xf32, #tpu.memory_space<vmem_shared>> -> memref<80xf32, #tpu.memory_space<vmem_shared>>
    tpu.wait_dma2 semaphore(%arg27 : memref<!tpu.dma_semaphore, #tpu.memory_space<semaphore_mem>>) src(%arg14 : memref<80xf32, #tpu.memory_space<vmem>>) dst(%dma_wait3A_84 : memref<80xf32, #tpu.memory_space<vmem_shared>>)
    %dma_wait3A_85 = arith.constant 0 : i32
    %dma_wait3A_86 = tpu.memref_slice %arg21[%add3A_25, %dma_wait3A_85] : memref<10240x128xf32, #tpu.memory_space<vmem_shared>> -> memref<80x128xf32, #tpu.memory_space<vmem_shared>>
    %dma_wait3A_87 = arith.constant 0 : i32
    %dma_wait3A_88 = tpu.memref_slice %arg21[%add3A_25, %dma_wait3A_87] : memref<10240x128xf32, #tpu.memory_space<vmem_shared>> -> memref<80x128xf32, #tpu.memory_space<vmem_shared>>
    tpu.wait_dma2 semaphore(%arg26 : memref<!tpu.dma_semaphore, #tpu.memory_space<semaphore_mem>>) src(%arg17 : memref<80x128xf32, #tpu.memory_space<vmem>>) dst(%dma_wait3A_88 : memref<80x128xf32, #tpu.memory_space<vmem_shared>>)
    %dma_wait3A_89 = tpu.memref_slice %arg22[%add3A_25] : memref<10240xf32, #tpu.memory_space<vmem_shared>> -> memref<80xf32, #tpu.memory_space<vmem_shared>>
    %dma_wait3A_90 = tpu.memref_slice %arg22[%add3A_25] : memref<10240xf32, #tpu.memory_space<vmem_shared>> -> memref<80xf32, #tpu.memory_space<vmem_shared>>
    tpu.wait_dma2 semaphore(%arg27 : memref<!tpu.dma_semaphore, #tpu.memory_space<semaphore_mem>>) src(%arg14 : memref<80xf32, #tpu.memory_space<vmem>>) dst(%dma_wait3A_90 : memref<80xf32, #tpu.memory_space<vmem_shared>>)
    %dma_wait3A_91 = arith.constant 0 : i32
    %dma_wait3A_92 = tpu.memref_slice %arg21[%add3A_33, %dma_wait3A_91] : memref<10240x128xf32, #tpu.memory_space<vmem_shared>> -> memref<80x128xf32, #tpu.memory_space<vmem_shared>>
    %dma_wait3A_93 = arith.constant 0 : i32
    %dma_wait3A_94 = tpu.memref_slice %arg21[%add3A_33, %dma_wait3A_93] : memref<10240x128xf32, #tpu.memory_space<vmem_shared>> -> memref<80x128xf32, #tpu.memory_space<vmem_shared>>
    tpu.wait_dma2 semaphore(%arg26 : memref<!tpu.dma_semaphore, #tpu.memory_space<semaphore_mem>>) src(%arg17 : memref<80x128xf32, #tpu.memory_space<vmem>>) dst(%dma_wait3A_94 : memref<80x128xf32, #tpu.memory_space<vmem_shared>>)
    %dma_wait3A_95 = tpu.memref_slice %arg22[%add3A_33] : memref<10240xf32, #tpu.memory_space<vmem_shared>> -> memref<80xf32, #tpu.memory_space<vmem_shared>>
    %dma_wait3A_96 = tpu.memref_slice %arg22[%add3A_33] : memref<10240xf32, #tpu.memory_space<vmem_shared>> -> memref<80xf32, #tpu.memory_space<vmem_shared>>
    tpu.wait_dma2 semaphore(%arg27 : memref<!tpu.dma_semaphore, #tpu.memory_space<semaphore_mem>>) src(%arg14 : memref<80xf32, #tpu.memory_space<vmem>>) dst(%dma_wait3A_96 : memref<80xf32, #tpu.memory_space<vmem_shared>>)
    %dma_wait3A_97 = arith.constant 0 : i32
    %dma_wait3A_98 = tpu.memref_slice %arg21[%add3A_41, %dma_wait3A_97] : memref<10240x128xf32, #tpu.memory_space<vmem_shared>> -> memref<80x128xf32, #tpu.memory_space<vmem_shared>>
    %dma_wait3A_99 = arith.constant 0 : i32
    %dma_wait3A_100 = tpu.memref_slice %arg21[%add3A_41, %dma_wait3A_99] : memref<10240x128xf32, #tpu.memory_space<vmem_shared>> -> memref<80x128xf32, #tpu.memory_space<vmem_shared>>
    tpu.wait_dma2 semaphore(%arg26 : memref<!tpu.dma_semaphore, #tpu.memory_space<semaphore_mem>>) src(%arg17 : memref<80x128xf32, #tpu.memory_space<vmem>>) dst(%dma_wait3A_100 : memref<80x128xf32, #tpu.memory_space<vmem_shared>>)
    %dma_wait3A_101 = tpu.memref_slice %arg22[%add3A_41] : memref<10240xf32, #tpu.memory_space<vmem_shared>> -> memref<80xf32, #tpu.memory_space<vmem_shared>>
    %dma_wait3A_102 = tpu.memref_slice %arg22[%add3A_41] : memref<10240xf32, #tpu.memory_space<vmem_shared>> -> memref<80xf32, #tpu.memory_space<vmem_shared>>
    tpu.wait_dma2 semaphore(%arg27 : memref<!tpu.dma_semaphore, #tpu.memory_space<semaphore_mem>>) src(%arg14 : memref<80xf32, #tpu.memory_space<vmem>>) dst(%dma_wait3A_102 : memref<80xf32, #tpu.memory_space<vmem_shared>>)
    %dma_wait3A_103 = arith.constant 0 : i32
    %dma_wait3A_104 = tpu.memref_slice %arg21[%add3A_49, %dma_wait3A_103] : memref<10240x128xf32, #tpu.memory_space<vmem_shared>> -> memref<80x128xf32, #tpu.memory_space<vmem_shared>>
    %dma_wait3A_105 = arith.constant 0 : i32
    %dma_wait3A_106 = tpu.memref_slice %arg21[%add3A_49, %dma_wait3A_105] : memref<10240x128xf32, #tpu.memory_space<vmem_shared>> -> memref<80x128xf32, #tpu.memory_space<vmem_shared>>
    tpu.wait_dma2 semaphore(%arg26 : memref<!tpu.dma_semaphore, #tpu.memory_space<semaphore_mem>>) src(%arg17 : memref<80x128xf32, #tpu.memory_space<vmem>>) dst(%dma_wait3A_106 : memref<80x128xf32, #tpu.memory_space<vmem_shared>>)
    %dma_wait3A_107 = tpu.memref_slice %arg22[%add3A_49] : memref<10240xf32, #tpu.memory_space<vmem_shared>> -> memref<80xf32, #tpu.memory_space<vmem_shared>>
    %dma_wait3A_108 = tpu.memref_slice %arg22[%add3A_49] : memref<10240xf32, #tpu.memory_space<vmem_shared>> -> memref<80xf32, #tpu.memory_space<vmem_shared>>
    tpu.wait_dma2 semaphore(%arg27 : memref<!tpu.dma_semaphore, #tpu.memory_space<semaphore_mem>>) src(%arg14 : memref<80xf32, #tpu.memory_space<vmem>>) dst(%dma_wait3A_108 : memref<80xf32, #tpu.memory_space<vmem_shared>>)
    %dma_wait3A_109 = arith.constant 0 : i32
    %dma_wait3A_110 = tpu.memref_slice %arg21[%add3A_57, %dma_wait3A_109] : memref<10240x128xf32, #tpu.memory_space<vmem_shared>> -> memref<80x128xf32, #tpu.memory_space<vmem_shared>>
    %dma_wait3A_111 = arith.constant 0 : i32
    %dma_wait3A_112 = tpu.memref_slice %arg21[%add3A_57, %dma_wait3A_111] : memref<10240x128xf32, #tpu.memory_space<vmem_shared>> -> memref<80x128xf32, #tpu.memory_space<vmem_shared>>
    tpu.wait_dma2 semaphore(%arg26 : memref<!tpu.dma_semaphore, #tpu.memory_space<semaphore_mem>>) src(%arg17 : memref<80x128xf32, #tpu.memory_space<vmem>>) dst(%dma_wait3A_112 : memref<80x128xf32, #tpu.memory_space<vmem_shared>>)
    %dma_wait3A_113 = tpu.memref_slice %arg22[%add3A_57] : memref<10240xf32, #tpu.memory_space<vmem_shared>> -> memref<80xf32, #tpu.memory_space<vmem_shared>>
    %dma_wait3A_114 = tpu.memref_slice %arg22[%add3A_57] : memref<10240xf32, #tpu.memory_space<vmem_shared>> -> memref<80xf32, #tpu.memory_space<vmem_shared>>
    tpu.wait_dma2 semaphore(%arg27 : memref<!tpu.dma_semaphore, #tpu.memory_space<semaphore_mem>>) src(%arg14 : memref<80xf32, #tpu.memory_space<vmem>>) dst(%dma_wait3A_114 : memref<80xf32, #tpu.memory_space<vmem_shared>>)
    %dma_wait3A_115 = arith.constant 0 : i32
    %dma_wait3A_116 = tpu.memref_slice %arg21[%add3A_65, %dma_wait3A_115] : memref<10240x128xf32, #tpu.memory_space<vmem_shared>> -> memref<80x128xf32, #tpu.memory_space<vmem_shared>>
    %dma_wait3A_117 = arith.constant 0 : i32
    %dma_wait3A_118 = tpu.memref_slice %arg21[%add3A_65, %dma_wait3A_117] : memref<10240x128xf32, #tpu.memory_space<vmem_shared>> -> memref<80x128xf32, #tpu.memory_space<vmem_shared>>
    tpu.wait_dma2 semaphore(%arg26 : memref<!tpu.dma_semaphore, #tpu.memory_space<semaphore_mem>>) src(%arg17 : memref<80x128xf32, #tpu.memory_space<vmem>>) dst(%dma_wait3A_118 : memref<80x128xf32, #tpu.memory_space<vmem_shared>>)
    %dma_wait3A_119 = tpu.memref_slice %arg22[%add3A_65] : memref<10240xf32, #tpu.memory_space<vmem_shared>> -> memref<80xf32, #tpu.memory_space<vmem_shared>>
    %dma_wait3A_120 = tpu.memref_slice %arg22[%add3A_65] : memref<10240xf32, #tpu.memory_space<vmem_shared>> -> memref<80xf32, #tpu.memory_space<vmem_shared>>
    tpu.wait_dma2 semaphore(%arg27 : memref<!tpu.dma_semaphore, #tpu.memory_space<semaphore_mem>>) src(%arg14 : memref<80xf32, #tpu.memory_space<vmem>>) dst(%dma_wait3A_120 : memref<80xf32, #tpu.memory_space<vmem_shared>>)
    %dma_wait3A_121 = arith.constant 0 : i32
    %dma_wait3A_122 = tpu.memref_slice %arg21[%add3A_73, %dma_wait3A_121] : memref<10240x128xf32, #tpu.memory_space<vmem_shared>> -> memref<80x128xf32, #tpu.memory_space<vmem_shared>>
    %dma_wait3A_123 = arith.constant 0 : i32
    %dma_wait3A_124 = tpu.memref_slice %arg21[%add3A_73, %dma_wait3A_123] : memref<10240x128xf32, #tpu.memory_space<vmem_shared>> -> memref<80x128xf32, #tpu.memory_space<vmem_shared>>
    tpu.wait_dma2 semaphore(%arg26 : memref<!tpu.dma_semaphore, #tpu.memory_space<semaphore_mem>>) src(%arg17 : memref<80x128xf32, #tpu.memory_space<vmem>>) dst(%dma_wait3A_124 : memref<80x128xf32, #tpu.memory_space<vmem_shared>>)
    %dma_wait3A_125 = tpu.memref_slice %arg22[%add3A_73] : memref<10240xf32, #tpu.memory_space<vmem_shared>> -> memref<80xf32, #tpu.memory_space<vmem_shared>>
    %dma_wait3A_126 = tpu.memref_slice %arg22[%add3A_73] : memref<10240xf32, #tpu.memory_space<vmem_shared>> -> memref<80xf32, #tpu.memory_space<vmem_shared>>
    tpu.wait_dma2 semaphore(%arg27 : memref<!tpu.dma_semaphore, #tpu.memory_space<semaphore_mem>>) src(%arg14 : memref<80xf32, #tpu.memory_space<vmem>>) dst(%dma_wait3A_126 : memref<80xf32, #tpu.memory_space<vmem_shared>>)
    %dma_start3A_127 = arith.constant 0 : i32
    %dma_start3A_128 = arith.constant 0 : i32
    %dma_start3A_129 = arith.constant 0 : i32
    %dma_start3A_130 = tpu.memref_slice %arg4[%add3A, %dma_start3A_127, %dma_start3A_128, %dma_start3A_129] : memref<32x129x2x80xi32, #tpu.memory_space<hbm>> -> memref<1x1x2x80xi32, #tpu.memory_space<hbm>>
    %dma_start3A_131 = tpu.memref_squeeze %dma_start3A_130 : memref<1x1x2x80xi32, #tpu.memory_space<hbm>> -> memref<2x80xi32, #tpu.memory_space<hbm>>
    %dma_start3A_132 = arith.constant 0 : i32
    %dma_start3A_133 = arith.constant 0 : i32
    %dma_start3A_134 = tpu.memref_slice %arg4[%add3A, %dma_start3A_127, %dma_start3A_132, %dma_start3A_133] : memref<32x129x2x80xi32, #tpu.memory_space<hbm>> -> memref<1x1x2x80xi32, #tpu.memory_space<hbm>>
    %dma_start3A_135 = tpu.memref_squeeze %dma_start3A_134 : memref<1x1x2x80xi32, #tpu.memory_space<hbm>> -> memref<2x80xi32, #tpu.memory_space<hbm>>
    tpu.enqueue_dma source(%dma_start3A_135 : memref<2x80xi32, #tpu.memory_space<hbm>>) target(%arg7 : memref<2x80xi32, #tpu.memory_space<vmem>>) target_semaphore(%arg23 : memref<!tpu.dma_semaphore, #tpu.memory_space<semaphore_mem>>)
    %dma_wait3A_136 = arith.constant 0 : i32
    %dma_wait3A_137 = arith.constant 0 : i32
    %dma_wait3A_138 = arith.constant 0 : i32
    %dma_wait3A_139 = tpu.memref_slice %arg4[%add3A, %dma_wait3A_136, %dma_wait3A_137, %dma_wait3A_138] : memref<32x129x2x80xi32, #tpu.memory_space<hbm>> -> memref<1x1x2x80xi32, #tpu.memory_space<hbm>>
    %dma_wait3A_140 = tpu.memref_squeeze %dma_wait3A_139 : memref<1x1x2x80xi32, #tpu.memory_space<hbm>> -> memref<2x80xi32, #tpu.memory_space<hbm>>
    %dma_wait3A_141 = arith.constant 0 : i32
    %dma_wait3A_142 = arith.constant 0 : i32
    %dma_wait3A_143 = tpu.memref_slice %arg4[%add3A, %dma_wait3A_136, %dma_wait3A_141, %dma_wait3A_142] : memref<32x129x2x80xi32, #tpu.memory_space<hbm>> -> memref<1x1x2x80xi32, #tpu.memory_space<hbm>>
    %dma_wait3A_144 = tpu.memref_squeeze %dma_wait3A_143 : memref<1x1x2x80xi32, #tpu.memory_space<hbm>> -> memref<2x80xi32, #tpu.memory_space<hbm>>
    tpu.wait_dma2 semaphore(%arg23 : memref<!tpu.dma_semaphore, #tpu.memory_space<semaphore_mem>>) src(%dma_wait3A_144 : memref<2x80xi32, #tpu.memory_space<hbm>>) dst(%arg7 : memref<2x80xi32, #tpu.memory_space<vmem>>)
    %dma_start3A_145 = arith.constant 0 : i32
    %dma_start3A_146 = arith.constant 0 : i32
    %dma_start3A_147 = tpu.memref_slice %arg7[%dma_start3A_145, %dma_start3A_146] : memref<2x80xi32, #tpu.memory_space<vmem>> -> memref<1x80xi32, #tpu.memory_space<vmem>>
    %dma_start3A_148 = tpu.memref_squeeze %dma_start3A_147 : memref<1x80xi32, #tpu.memory_space<vmem>> -> memref<80xi32, #tpu.memory_space<vmem>>
    %dma_start3A_149 = arith.constant 0 : i32
    %dma_start3A_150 = arith.constant 0 : i32
    %dma_start3A_151 = tpu.memref_slice %arg2[%dma_start3A_149, %dma_start3A_150] : memref<10000x128xf32, #tpu.memory_space<hbm>> -> memref<10000x128xf32, #tpu.memory_space<hbm>>
    tpu.enqueue_indirect_dma source(%dma_start3A_151 : memref<10000x128xf32, #tpu.memory_space<hbm>>) target(%arg17 : memref<80x128xf32, #tpu.memory_space<vmem>>) offsets(%dma_start3A_148 : memref<80xi32, #tpu.memory_space<vmem>>) semaphore(%arg26 : memref<!tpu.dma_semaphore, #tpu.memory_space<semaphore_mem>>)
    %dma_start3A_152 = arith.constant 1 : i32
    %dma_start3A_153 = arith.constant 0 : i32
    %dma_start3A_154 = arith.constant 0 : i32
    %dma_start3A_155 = tpu.memref_slice %arg4[%add3A, %dma_start3A_152, %dma_start3A_153, %dma_start3A_154] : memref<32x129x2x80xi32, #tpu.memory_space<hbm>> -> memref<1x1x2x80xi32, #tpu.memory_space<hbm>>
    %dma_start3A_156 = tpu.memref_squeeze %dma_start3A_155 : memref<1x1x2x80xi32, #tpu.memory_space<hbm>> -> memref<2x80xi32, #tpu.memory_space<hbm>>
    %dma_start3A_157 = arith.constant 0 : i32
    %dma_start3A_158 = arith.constant 0 : i32
    %dma_start3A_159 = tpu.memref_slice %arg4[%add3A, %dma_start3A_152, %dma_start3A_157, %dma_start3A_158] : memref<32x129x2x80xi32, #tpu.memory_space<hbm>> -> memref<1x1x2x80xi32, #tpu.memory_space<hbm>>
    %dma_start3A_160 = tpu.memref_squeeze %dma_start3A_159 : memref<1x1x2x80xi32, #tpu.memory_space<hbm>> -> memref<2x80xi32, #tpu.memory_space<hbm>>
    tpu.enqueue_dma source(%dma_start3A_160 : memref<2x80xi32, #tpu.memory_space<hbm>>) target(%arg8 : memref<2x80xi32, #tpu.memory_space<vmem>>) target_semaphore(%arg24 : memref<!tpu.dma_semaphore, #tpu.memory_space<semaphore_mem>>)
    %barrier3A = arith.constant 0 : index
    tpu.barrier barrier_id(%barrier3A)
    %scan3A_161 = arith.constant 0 : i32
    %scan3A_162 = arith.constant 43 : i32
    %scan3A_163 = arith.addi %scan3A_161, %scan3A_162 : i32
    %scan3A_164 = arith.constant 1 : i32
    scf.for %scan3A_294 = %scan3A_161 to %scan3A_163 step %scan3A_164  : i32 {
      %mul3A_295 = arith.constant 1 : i32
      %mul3A_296 = arith.muli %scan3A_294, %mul3A_295 : i32
      %add3A_297 = arith.constant 0 : i32
      %add3A_298 = arith.addi %add3A_297, %mul3A_296 : i32
      %mul3A_299 = arith.constant 3 : i32
      %mul3A_300 = arith.muli %mul3A_299, %add3A_298 : i32
      %add3A_301 = arith.constant 0 : i32
      %add3A_302 = arith.addi %mul3A_300, %add3A_301 : i32
      %gt3A = arith.constant 0 : i32
      %gt3A_303 = arith.cmpi sgt, %add3A_298, %gt3A : i32
      %convert_element_type3A = arith.extui %gt3A_303 : i1 to i32
      %cond3A = arith.constant 0 : i32
      %cond3A_304 = arith.cmpi ne, %convert_element_type3A, %cond3A : i32
      scf.if %cond3A_304 {
        %dma_wait3A_853 = arith.constant 0 : i32
        %dma_wait3A_854 = tpu.memref_slice %arg22[%dma_wait3A_853] : memref<10240xf32, #tpu.memory_space<vmem_shared>> -> memref<10240xf32, #tpu.memory_space<vmem_shared>>
        tpu.wait_indirect_dma semaphore(%arg30 : memref<!tpu.dma_semaphore, #tpu.memory_space<semaphore_mem>>) src(%arg15 : memref<80xf32, #tpu.memory_space<vmem>>) dst(%dma_wait3A_854 : memref<10240xf32, #tpu.memory_space<vmem_shared>>)
        %dma_wait3A_855 = arith.constant 0 : i32
        %dma_wait3A_856 = arith.constant 0 : i32
        %dma_wait3A_857 = tpu.memref_slice %arg21[%dma_wait3A_855, %dma_wait3A_856] : memref<10240x128xf32, #tpu.memory_space<vmem_shared>> -> memref<10240x128xf32, #tpu.memory_space<vmem_shared>>
        tpu.wait_indirect_dma semaphore(%arg30 : memref<!tpu.dma_semaphore, #tpu.memory_space<semaphore_mem>>) src(%arg18 : memref<80x128xf32, #tpu.memory_space<vmem>>) dst(%dma_wait3A_857 : memref<10240x128xf32, #tpu.memory_space<vmem_shared>>)
      } else {
      }
      %add3A_305 = arith.constant 1 : i32
      %add3A_306 = arith.addi %add3A_302, %add3A_305 : i32
      %dma_wait3A_307 = arith.constant 0 : i32
      %dma_wait3A_308 = arith.constant 0 : i32
      %dma_wait3A_309 = tpu.memref_slice %arg4[%add3A, %add3A_306, %dma_wait3A_307, %dma_wait3A_308] : memref<32x129x2x80xi32, #tpu.memory_space<hbm>> -> memref<1x1x2x80xi32, #tpu.memory_space<hbm>>
      %dma_wait3A_310 = tpu.memref_squeeze %dma_wait3A_309 : memref<1x1x2x80xi32, #tpu.memory_space<hbm>> -> memref<2x80xi32, #tpu.memory_space<hbm>>
      %dma_wait3A_311 = arith.constant 0 : i32
      %dma_wait3A_312 = arith.constant 0 : i32
      %dma_wait3A_313 = tpu.memref_slice %arg4[%add3A, %add3A_306, %dma_wait3A_311, %dma_wait3A_312] : memref<32x129x2x80xi32, #tpu.memory_space<hbm>> -> memref<1x1x2x80xi32, #tpu.memory_space<hbm>>
      %dma_wait3A_314 = tpu.memref_squeeze %dma_wait3A_313 : memref<1x1x2x80xi32, #tpu.memory_space<hbm>> -> memref<2x80xi32, #tpu.memory_space<hbm>>
      tpu.wait_dma2 semaphore(%arg24 : memref<!tpu.dma_semaphore, #tpu.memory_space<semaphore_mem>>) src(%dma_wait3A_314 : memref<2x80xi32, #tpu.memory_space<hbm>>) dst(%arg8 : memref<2x80xi32, #tpu.memory_space<vmem>>)
      %dma_start3A_315 = arith.constant 0 : i32
      %dma_start3A_316 = arith.constant 0 : i32
      %dma_start3A_317 = tpu.memref_slice %arg8[%dma_start3A_315, %dma_start3A_316] : memref<2x80xi32, #tpu.memory_space<vmem>> -> memref<1x80xi32, #tpu.memory_space<vmem>>
      %dma_start3A_318 = tpu.memref_squeeze %dma_start3A_317 : memref<1x80xi32, #tpu.memory_space<vmem>> -> memref<80xi32, #tpu.memory_space<vmem>>
      %dma_start3A_319 = arith.constant 0 : i32
      %dma_start3A_320 = arith.constant 0 : i32
      %dma_start3A_321 = tpu.memref_slice %arg2[%dma_start3A_319, %dma_start3A_320] : memref<10000x128xf32, #tpu.memory_space<hbm>> -> memref<10000x128xf32, #tpu.memory_space<hbm>>
      tpu.enqueue_indirect_dma source(%dma_start3A_321 : memref<10000x128xf32, #tpu.memory_space<hbm>>) target(%arg18 : memref<80x128xf32, #tpu.memory_space<vmem>>) offsets(%dma_start3A_318 : memref<80xi32, #tpu.memory_space<vmem>>) semaphore(%arg27 : memref<!tpu.dma_semaphore, #tpu.memory_space<semaphore_mem>>)
      %add3A_322 = arith.constant 2 : i32
      %add3A_323 = arith.addi %add3A_302, %add3A_322 : i32
      %dma_start3A_324 = arith.constant 0 : i32
      %dma_start3A_325 = arith.constant 0 : i32
      %dma_start3A_326 = tpu.memref_slice %arg4[%add3A, %add3A_323, %dma_start3A_324, %dma_start3A_325] : memref<32x129x2x80xi32, #tpu.memory_space<hbm>> -> memref<1x1x2x80xi32, #tpu.memory_space<hbm>>
      %dma_start3A_327 = tpu.memref_squeeze %dma_start3A_326 : memref<1x1x2x80xi32, #tpu.memory_space<hbm>> -> memref<2x80xi32, #tpu.memory_space<hbm>>
      %dma_start3A_328 = arith.constant 0 : i32
      %dma_start3A_329 = arith.constant 0 : i32
      %dma_start3A_330 = tpu.memref_slice %arg4[%add3A, %add3A_323, %dma_start3A_328, %dma_start3A_329] : memref<32x129x2x80xi32, #tpu.memory_space<hbm>> -> memref<1x1x2x80xi32, #tpu.memory_space<hbm>>
      %dma_start3A_331 = tpu.memref_squeeze %dma_start3A_330 : memref<1x1x2x80xi32, #tpu.memory_space<hbm>> -> memref<2x80xi32, #tpu.memory_space<hbm>>
      tpu.enqueue_dma source(%dma_start3A_331 : memref<2x80xi32, #tpu.memory_space<hbm>>) target(%arg9 : memref<2x80xi32, #tpu.memory_space<vmem>>) target_semaphore(%arg25 : memref<!tpu.dma_semaphore, #tpu.memory_space<semaphore_mem>>)
      %dma_wait3A_332 = arith.constant 0 : i32
      %dma_wait3A_333 = arith.constant 0 : i32
      %dma_wait3A_334 = tpu.memref_slice %arg7[%dma_wait3A_332, %dma_wait3A_333] : memref<2x80xi32, #tpu.memory_space<vmem>> -> memref<1x80xi32, #tpu.memory_space<vmem>>
      %dma_wait3A_335 = tpu.memref_squeeze %dma_wait3A_334 : memref<1x80xi32, #tpu.memory_space<vmem>> -> memref<80xi32, #tpu.memory_space<vmem>>
      %dma_wait3A_336 = arith.constant 0 : i32
      %dma_wait3A_337 = arith.constant 0 : i32
      %dma_wait3A_338 = tpu.memref_slice %arg2[%dma_wait3A_336, %dma_wait3A_337] : memref<10000x128xf32, #tpu.memory_space<hbm>> -> memref<10000x128xf32, #tpu.memory_space<hbm>>
      tpu.wait_indirect_dma semaphore(%arg26 : memref<!tpu.dma_semaphore, #tpu.memory_space<semaphore_mem>>) src(%dma_wait3A_338 : memref<10000x128xf32, #tpu.memory_space<hbm>>) dst(%arg17 : memref<80x128xf32, #tpu.memory_space<vmem>>)
      %broadcast_in_dim3A_339 = arith.constant -65536 : i32
      %broadcast_in_dim3A_340 = vector.broadcast %broadcast_in_dim3A_339 : i32 to vector<16xi32>
      %get3A = arith.constant 0 : i32
      %get3A_341 = arith.index_cast %get3A : i32 to index
      %get3A_342 = arith.constant 0 : index
      %get3A_343 = tpu.vector_load %arg7[%get3A_341, %get3A_342] {strides = array<i32>} : memref<2x80xi32, #tpu.memory_space<vmem>>, vector<16xi32>,
      %get3A_344 = arith.constant 1 : i32
      %get3A_345 = arith.index_cast %get3A_344 : i32 to index
      %get3A_346 = arith.constant 0 : index
      %get3A_347 = tpu.vector_load %arg7[%get3A_345, %get3A_346] {strides = array<i32>} : memref<2x80xi32, #tpu.memory_space<vmem>>, vector<16xi32>,
      %swap3A_348 = arith.constant 0 : index
      %swap3A_349 = tpu.vector_load %arg10[%swap3A_348] {strides = array<i32>} : memref<80xi32, #tpu.memory_space<vmem>>, vector<16xi32>,
      tpu.vector_store %arg10[%swap3A_348], %get3A_347 {strides = array<i32>} : memref<80xi32, #tpu.memory_space<vmem>>, vector<16xi32>,
      %gather3A = tpu.vector_load_idx %arg13[%get3A_343] : memref<10240xi32, #tpu.memory_space<vmem>>[vector<16xi32>], vector<16xi32>,
      %gather3A_350 = tpu.vector_load_idx %arg13[%get3A_347] : memref<10240xi32, #tpu.memory_space<vmem>>[vector<16xi32>], vector<16xi32>,
      %and3A = arith.andi %gather3A, %broadcast_in_dim3A_340 : vector<16xi32>
      %bitcast3A = vector.bitcast %and3A : vector<16xi32> to vector<16xf32>
      %shift_left3A = arith.constant 16 : i32
      %shift_left3A_351 = vector.broadcast %shift_left3A : i32 to vector<16xi32>
      %shift_left3A_352 = arith.shli %gather3A_350, %shift_left3A_351 : vector<16xi32>
      %bitcast3A_353 = vector.bitcast %shift_left3A_352 : vector<16xi32> to vector<16xf32>
      %add3A_354 = arith.addf %bitcast3A, %bitcast3A_353 : vector<16xf32>
      %ge3A = arith.constant 0.000000e+00 : f32
      %ge3A_355 = vector.broadcast %ge3A : f32 to vector<16xf32>
      %ge3A_356 = arith.cmpf oge, %add3A_354, %ge3A_355 : vector<16xf32>
      %mul3A_357 = arith.constant 2.000000e-01 : f32
      %mul3A_358 = vector.broadcast %mul3A_357 : f32 to vector<16xf32>
      %mul3A_359 = arith.mulf %mul3A_358, %add3A_354 : vector<16xf32>
      %select_n3A = arith.select %ge3A_356, %add3A_354, %mul3A_359 : vector<16xi1>, vector<16xf32>
      %exp3A = math.exp %select_n3A : vector<16xf32>
      %swap3A_360 = arith.constant 0 : index
      %swap3A_361 = tpu.vector_load %arg14[%swap3A_360] {strides = array<i32>} : memref<80xf32, #tpu.memory_space<vmem>>, vector<16xf32>,
      tpu.vector_store %arg14[%swap3A_360], %exp3A {strides = array<i32>} : memref<80xf32, #tpu.memory_space<vmem>>, vector<16xf32>,
      %get3A_362 = arith.constant 0 : i32
      %get3A_363 = arith.index_cast %get3A_362 : i32 to index
      %get3A_364 = arith.constant 16 : index
      %get3A_365 = tpu.vector_load %arg7[%get3A_363, %get3A_364] {strides = array<i32>} : memref<2x80xi32, #tpu.memory_space<vmem>>, vector<16xi32>,
      %get3A_366 = arith.constant 1 : i32
      %get3A_367 = arith.index_cast %get3A_366 : i32 to index
      %get3A_368 = arith.constant 16 : index
      %get3A_369 = tpu.vector_load %arg7[%get3A_367, %get3A_368] {strides = array<i32>} : memref<2x80xi32, #tpu.memory_space<vmem>>, vector<16xi32>,
      %swap3A_370 = arith.constant 16 : index
      %swap3A_371 = tpu.vector_load %arg10[%swap3A_370] {strides = array<i32>} : memref<80xi32, #tpu.memory_space<vmem>>, vector<16xi32>,
      tpu.vector_store %arg10[%swap3A_370], %get3A_369 {strides = array<i32>} : memref<80xi32, #tpu.memory_space<vmem>>, vector<16xi32>,
      %gather3A_372 = tpu.vector_load_idx %arg13[%get3A_365] : memref<10240xi32, #tpu.memory_space<vmem>>[vector<16xi32>], vector<16xi32>,
      %gather3A_373 = tpu.vector_load_idx %arg13[%get3A_369] : memref<10240xi32, #tpu.memory_space<vmem>>[vector<16xi32>], vector<16xi32>,
      %and3A_374 = arith.andi %gather3A_372, %broadcast_in_dim3A_340 : vector<16xi32>
      %bitcast3A_375 = vector.bitcast %and3A_374 : vector<16xi32> to vector<16xf32>
      %shift_left3A_376 = arith.constant 16 : i32
      %shift_left3A_377 = vector.broadcast %shift_left3A_376 : i32 to vector<16xi32>
      %shift_left3A_378 = arith.shli %gather3A_373, %shift_left3A_377 : vector<16xi32>
      %bitcast3A_379 = vector.bitcast %shift_left3A_378 : vector<16xi32> to vector<16xf32>
      %add3A_380 = arith.addf %bitcast3A_375, %bitcast3A_379 : vector<16xf32>
      %ge3A_381 = arith.constant 0.000000e+00 : f32
      %ge3A_382 = vector.broadcast %ge3A_381 : f32 to vector<16xf32>
      %ge3A_383 = arith.cmpf oge, %add3A_380, %ge3A_382 : vector<16xf32>
      %mul3A_384 = arith.constant 2.000000e-01 : f32
      %mul3A_385 = vector.broadcast %mul3A_384 : f32 to vector<16xf32>
      %mul3A_386 = arith.mulf %mul3A_385, %add3A_380 : vector<16xf32>
      %select_n3A_387 = arith.select %ge3A_383, %add3A_380, %mul3A_386 : vector<16xi1>, vector<16xf32>
      %exp3A_388 = math.exp %select_n3A_387 : vector<16xf32>
      %swap3A_389 = arith.constant 16 : index
      %swap3A_390 = tpu.vector_load %arg14[%swap3A_389] {strides = array<i32>} : memref<80xf32, #tpu.memory_space<vmem>>, vector<16xf32>,
      tpu.vector_store %arg14[%swap3A_389], %exp3A_388 {strides = array<i32>} : memref<80xf32, #tpu.memory_space<vmem>>, vector<16xf32>,
      %get3A_391 = arith.constant 0 : i32
      %get3A_392 = arith.index_cast %get3A_391 : i32 to index
      %get3A_393 = arith.constant 32 : index
      %get3A_394 = tpu.vector_load %arg7[%get3A_392, %get3A_393] {strides = array<i32>} : memref<2x80xi32, #tpu.memory_space<vmem>>, vector<16xi32>,
      %get3A_395 = arith.constant 1 : i32
      %get3A_396 = arith.index_cast %get3A_395 : i32 to index
      %get3A_397 = arith.constant 32 : index
      %get3A_398 = tpu.vector_load %arg7[%get3A_396, %get3A_397] {strides = array<i32>} : memref<2x80xi32, #tpu.memory_space<vmem>>, vector<16xi32>,
      %swap3A_399 = arith.constant 32 : index
      %swap3A_400 = tpu.vector_load %arg10[%swap3A_399] {strides = array<i32>} : memref<80xi32, #tpu.memory_space<vmem>>, vector<16xi32>,
      tpu.vector_store %arg10[%swap3A_399], %get3A_398 {strides = array<i32>} : memref<80xi32, #tpu.memory_space<vmem>>, vector<16xi32>,
      %gather3A_401 = tpu.vector_load_idx %arg13[%get3A_394] : memref<10240xi32, #tpu.memory_space<vmem>>[vector<16xi32>], vector<16xi32>,
      %gather3A_402 = tpu.vector_load_idx %arg13[%get3A_398] : memref<10240xi32, #tpu.memory_space<vmem>>[vector<16xi32>], vector<16xi32>,
      %and3A_403 = arith.andi %gather3A_401, %broadcast_in_dim3A_340 : vector<16xi32>
      %bitcast3A_404 = vector.bitcast %and3A_403 : vector<16xi32> to vector<16xf32>
      %shift_left3A_405 = arith.constant 16 : i32
      %shift_left3A_406 = vector.broadcast %shift_left3A_405 : i32 to vector<16xi32>
      %shift_left3A_407 = arith.shli %gather3A_402, %shift_left3A_406 : vector<16xi32>
      %bitcast3A_408 = vector.bitcast %shift_left3A_407 : vector<16xi32> to vector<16xf32>
      %add3A_409 = arith.addf %bitcast3A_404, %bitcast3A_408 : vector<16xf32>
      %ge3A_410 = arith.constant 0.000000e+00 : f32
      %ge3A_411 = vector.broadcast %ge3A_410 : f32 to vector<16xf32>
      %ge3A_412 = arith.cmpf oge, %add3A_409, %ge3A_411 : vector<16xf32>
      %mul3A_413 = arith.constant 2.000000e-01 : f32
      %mul3A_414 = vector.broadcast %mul3A_413 : f32 to vector<16xf32>
      %mul3A_415 = arith.mulf %mul3A_414, %add3A_409 : vector<16xf32>
      %select_n3A_416 = arith.select %ge3A_412, %add3A_409, %mul3A_415 : vector<16xi1>, vector<16xf32>
      %exp3A_417 = math.exp %select_n3A_416 : vector<16xf32>
      %swap3A_418 = arith.constant 32 : index
      %swap3A_419 = tpu.vector_load %arg14[%swap3A_418] {strides = array<i32>} : memref<80xf32, #tpu.memory_space<vmem>>, vector<16xf32>,
      tpu.vector_store %arg14[%swap3A_418], %exp3A_417 {strides = array<i32>} : memref<80xf32, #tpu.memory_space<vmem>>, vector<16xf32>,
      %get3A_420 = arith.constant 0 : i32
      %get3A_421 = arith.index_cast %get3A_420 : i32 to index
      %get3A_422 = arith.constant 48 : index
      %get3A_423 = tpu.vector_load %arg7[%get3A_421, %get3A_422] {strides = array<i32>} : memref<2x80xi32, #tpu.memory_space<vmem>>, vector<16xi32>,
      %get3A_424 = arith.constant 1 : i32
      %get3A_425 = arith.index_cast %get3A_424 : i32 to index
      %get3A_426 = arith.constant 48 : index
      %get3A_427 = tpu.vector_load %arg7[%get3A_425, %get3A_426] {strides = array<i32>} : memref<2x80xi32, #tpu.memory_space<vmem>>, vector<16xi32>,
      %swap3A_428 = arith.constant 48 : index
      %swap3A_429 = tpu.vector_load %arg10[%swap3A_428] {strides = array<i32>} : memref<80xi32, #tpu.memory_space<vmem>>, vector<16xi32>,
      tpu.vector_store %arg10[%swap3A_428], %get3A_427 {strides = array<i32>} : memref<80xi32, #tpu.memory_space<vmem>>, vector<16xi32>,
      %gather3A_430 = tpu.vector_load_idx %arg13[%get3A_423] : memref<10240xi32, #tpu.memory_space<vmem>>[vector<16xi32>], vector<16xi32>,
      %gather3A_431 = tpu.vector_load_idx %arg13[%get3A_427] : memref<10240xi32, #tpu.memory_space<vmem>>[vector<16xi32>], vector<16xi32>,
      %and3A_432 = arith.andi %gather3A_430, %broadcast_in_dim3A_340 : vector<16xi32>
      %bitcast3A_433 = vector.bitcast %and3A_432 : vector<16xi32> to vector<16xf32>
      %shift_left3A_434 = arith.constant 16 : i32
      %shift_left3A_435 = vector.broadcast %shift_left3A_434 : i32 to vector<16xi32>
      %shift_left3A_436 = arith.shli %gather3A_431, %shift_left3A_435 : vector<16xi32>
      %bitcast3A_437 = vector.bitcast %shift_left3A_436 : vector<16xi32> to vector<16xf32>
      %add3A_438 = arith.addf %bitcast3A_433, %bitcast3A_437 : vector<16xf32>
      %ge3A_439 = arith.constant 0.000000e+00 : f32
      %ge3A_440 = vector.broadcast %ge3A_439 : f32 to vector<16xf32>
      %ge3A_441 = arith.cmpf oge, %add3A_438, %ge3A_440 : vector<16xf32>
      %mul3A_442 = arith.constant 2.000000e-01 : f32
      %mul3A_443 = vector.broadcast %mul3A_442 : f32 to vector<16xf32>
      %mul3A_444 = arith.mulf %mul3A_443, %add3A_438 : vector<16xf32>
      %select_n3A_445 = arith.select %ge3A_441, %add3A_438, %mul3A_444 : vector<16xi1>, vector<16xf32>
      %exp3A_446 = math.exp %select_n3A_445 : vector<16xf32>
      %swap3A_447 = arith.constant 48 : index
      %swap3A_448 = tpu.vector_load %arg14[%swap3A_447] {strides = array<i32>} : memref<80xf32, #tpu.memory_space<vmem>>, vector<16xf32>,
      tpu.vector_store %arg14[%swap3A_447], %exp3A_446 {strides = array<i32>} : memref<80xf32, #tpu.memory_space<vmem>>, vector<16xf32>,
      %get3A_449 = arith.constant 0 : i32
      %get3A_450 = arith.index_cast %get3A_449 : i32 to index
      %get3A_451 = arith.constant 64 : index
      %get3A_452 = tpu.vector_load %arg7[%get3A_450, %get3A_451] {strides = array<i32>} : memref<2x80xi32, #tpu.memory_space<vmem>>, vector<16xi32>,
      %get3A_453 = arith.constant 1 : i32
      %get3A_454 = arith.index_cast %get3A_453 : i32 to index
      %get3A_455 = arith.constant 64 : index
      %get3A_456 = tpu.vector_load %arg7[%get3A_454, %get3A_455] {strides = array<i32>} : memref<2x80xi32, #tpu.memory_space<vmem>>, vector<16xi32>,
      %swap3A_457 = arith.constant 64 : index
      %swap3A_458 = tpu.vector_load %arg10[%swap3A_457] {strides = array<i32>} : memref<80xi32, #tpu.memory_space<vmem>>, vector<16xi32>,
      tpu.vector_store %arg10[%swap3A_457], %get3A_456 {strides = array<i32>} : memref<80xi32, #tpu.memory_space<vmem>>, vector<16xi32>,
      %gather3A_459 = tpu.vector_load_idx %arg13[%get3A_452] : memref<10240xi32, #tpu.memory_space<vmem>>[vector<16xi32>], vector<16xi32>,
      %gather3A_460 = tpu.vector_load_idx %arg13[%get3A_456] : memref<10240xi32, #tpu.memory_space<vmem>>[vector<16xi32>], vector<16xi32>,
      %and3A_461 = arith.andi %gather3A_459, %broadcast_in_dim3A_340 : vector<16xi32>
      %bitcast3A_462 = vector.bitcast %and3A_461 : vector<16xi32> to vector<16xf32>
      %shift_left3A_463 = arith.constant 16 : i32
      %shift_left3A_464 = vector.broadcast %shift_left3A_463 : i32 to vector<16xi32>
      %shift_left3A_465 = arith.shli %gather3A_460, %shift_left3A_464 : vector<16xi32>
      %bitcast3A_466 = vector.bitcast %shift_left3A_465 : vector<16xi32> to vector<16xf32>
      %add3A_467 = arith.addf %bitcast3A_462, %bitcast3A_466 : vector<16xf32>
      %ge3A_468 = arith.constant 0.000000e+00 : f32
      %ge3A_469 = vector.broadcast %ge3A_468 : f32 to vector<16xf32>
      %ge3A_470 = arith.cmpf oge, %add3A_467, %ge3A_469 : vector<16xf32>
      %mul3A_471 = arith.constant 2.000000e-01 : f32
      %mul3A_472 = vector.broadcast %mul3A_471 : f32 to vector<16xf32>
      %mul3A_473 = arith.mulf %mul3A_472, %add3A_467 : vector<16xf32>
      %select_n3A_474 = arith.select %ge3A_470, %add3A_467, %mul3A_473 : vector<16xi1>, vector<16xf32>
      %exp3A_475 = math.exp %select_n3A_474 : vector<16xf32>
      %swap3A_476 = arith.constant 64 : index
      %swap3A_477 = tpu.vector_load %arg14[%swap3A_476] {strides = array<i32>} : memref<80xf32, #tpu.memory_space<vmem>>, vector<16xf32>,
      tpu.vector_store %arg14[%swap3A_476], %exp3A_475 {strides = array<i32>} : memref<80xf32, #tpu.memory_space<vmem>>, vector<16xf32>,
      %dma_start3A_478 = arith.constant 0 : i32
      %dma_start3A_479 = tpu.memref_slice %arg22[%dma_start3A_478] : memref<10240xf32, #tpu.memory_space<vmem_shared>> -> memref<10240xf32, #tpu.memory_space<vmem_shared>>
      tpu.enqueue_indirect_dma source(%arg14 : memref<80xf32, #tpu.memory_space<vmem>>) target(%dma_start3A_479 : memref<10240xf32, #tpu.memory_space<vmem_shared>>) offsets(%arg10 : memref<80xi32, #tpu.memory_space<vmem>>) semaphore(%arg29 : memref<!tpu.dma_semaphore, #tpu.memory_space<semaphore_mem>>) {add = true}
      %parallel_loop3A = arith.constant 0 : i32
      %parallel_loop3A_480 = arith.constant 80 : i32
      %parallel_loop3A_481 = arith.constant 1 : i32
      scf.for %parallel_loop3A_853 = %parallel_loop3A to %parallel_loop3A_480 step %parallel_loop3A_481  : i32 {
        %parallel_loop3A_854 = vector.broadcast %parallel_loop3A_853 : i32 to vector<16xi32>
        %parallel_loop3A_855 = tpu.vector_load_idx %arg14[%parallel_loop3A_854] : memref<80xf32, #tpu.memory_space<vmem>>[vector<16xi32>], vector<16xf32>,
        %parallel_loop3A_856 = arith.index_cast %parallel_loop3A_853 : i32 to index
        %parallel_loop3A_857 = arith.constant 0 : index
        %parallel_loop3A_858 = tpu.vector_load %arg17[%parallel_loop3A_856, %parallel_loop3A_857] {strides = array<i32>} : memref<80x128xf32, #tpu.memory_space<vmem>>, vector<16xf32>,
        %parallel_loop3A_859 = arith.mulf %parallel_loop3A_858, %parallel_loop3A_855 : vector<16xf32>
        %parallel_loop3A_860 = arith.index_cast %parallel_loop3A_853 : i32 to index
        %parallel_loop3A_861 = arith.constant 0 : index
        %parallel_loop3A_862 = tpu.vector_load %arg17[%parallel_loop3A_860, %parallel_loop3A_861] {strides = array<i32>} : memref<80x128xf32, #tpu.memory_space<vmem>>, vector<16xf32>,
        tpu.vector_store %arg17[%parallel_loop3A_860, %parallel_loop3A_861], %parallel_loop3A_859 {strides = array<i32>} : memref<80x128xf32, #tpu.memory_space<vmem>>, vector<16xf32>,
        %parallel_loop3A_863 = arith.index_cast %parallel_loop3A_853 : i32 to index
        %parallel_loop3A_864 = arith.constant 16 : index
        %parallel_loop3A_865 = tpu.vector_load %arg17[%parallel_loop3A_863, %parallel_loop3A_864] {strides = array<i32>} : memref<80x128xf32, #tpu.memory_space<vmem>>, vector<16xf32>,
        %parallel_loop3A_866 = arith.mulf %parallel_loop3A_865, %parallel_loop3A_855 : vector<16xf32>
        %parallel_loop3A_867 = arith.index_cast %parallel_loop3A_853 : i32 to index
        %parallel_loop3A_868 = arith.constant 16 : index
        %parallel_loop3A_869 = tpu.vector_load %arg17[%parallel_loop3A_867, %parallel_loop3A_868] {strides = array<i32>} : memref<80x128xf32, #tpu.memory_space<vmem>>, vector<16xf32>,
        tpu.vector_store %arg17[%parallel_loop3A_867, %parallel_loop3A_868], %parallel_loop3A_866 {strides = array<i32>} : memref<80x128xf32, #tpu.memory_space<vmem>>, vector<16xf32>,
        %parallel_loop3A_870 = arith.index_cast %parallel_loop3A_853 : i32 to index
        %parallel_loop3A_871 = arith.constant 32 : index
        %parallel_loop3A_872 = tpu.vector_load %arg17[%parallel_loop3A_870, %parallel_loop3A_871] {strides = array<i32>} : memref<80x128xf32, #tpu.memory_space<vmem>>, vector<16xf32>,
        %parallel_loop3A_873 = arith.mulf %parallel_loop3A_872, %parallel_loop3A_855 : vector<16xf32>
        %parallel_loop3A_874 = arith.index_cast %parallel_loop3A_853 : i32 to index
        %parallel_loop3A_875 = arith.constant 32 : index
        %parallel_loop3A_876 = tpu.vector_load %arg17[%parallel_loop3A_874, %parallel_loop3A_875] {strides = array<i32>} : memref<80x128xf32, #tpu.memory_space<vmem>>, vector<16xf32>,
        tpu.vector_store %arg17[%parallel_loop3A_874, %parallel_loop3A_875], %parallel_loop3A_873 {strides = array<i32>} : memref<80x128xf32, #tpu.memory_space<vmem>>, vector<16xf32>,
        %parallel_loop3A_877 = arith.index_cast %parallel_loop3A_853 : i32 to index
        %parallel_loop3A_878 = arith.constant 48 : index
        %parallel_loop3A_879 = tpu.vector_load %arg17[%parallel_loop3A_877, %parallel_loop3A_878] {strides = array<i32>} : memref<80x128xf32, #tpu.memory_space<vmem>>, vector<16xf32>,
        %parallel_loop3A_880 = arith.mulf %parallel_loop3A_879, %parallel_loop3A_855 : vector<16xf32>
        %parallel_loop3A_881 = arith.index_cast %parallel_loop3A_853 : i32 to index
        %parallel_loop3A_882 = arith.constant 48 : index
        %parallel_loop3A_883 = tpu.vector_load %arg17[%parallel_loop3A_881, %parallel_loop3A_882] {strides = array<i32>} : memref<80x128xf32, #tpu.memory_space<vmem>>, vector<16xf32>,
        tpu.vector_store %arg17[%parallel_loop3A_881, %parallel_loop3A_882], %parallel_loop3A_880 {strides = array<i32>} : memref<80x128xf32, #tpu.memory_space<vmem>>, vector<16xf32>,
        %parallel_loop3A_884 = arith.index_cast %parallel_loop3A_853 : i32 to index
        %parallel_loop3A_885 = arith.constant 64 : index
        %parallel_loop3A_886 = tpu.vector_load %arg17[%parallel_loop3A_884, %parallel_loop3A_885] {strides = array<i32>} : memref<80x128xf32, #tpu.memory_space<vmem>>, vector<16xf32>,
        %parallel_loop3A_887 = arith.mulf %parallel_loop3A_886, %parallel_loop3A_855 : vector<16xf32>
        %parallel_loop3A_888 = arith.index_cast %parallel_loop3A_853 : i32 to index
        %parallel_loop3A_889 = arith.constant 64 : index
        %parallel_loop3A_890 = tpu.vector_load %arg17[%parallel_loop3A_888, %parallel_loop3A_889] {strides = array<i32>} : memref<80x128xf32, #tpu.memory_space<vmem>>, vector<16xf32>,
        tpu.vector_store %arg17[%parallel_loop3A_888, %parallel_loop3A_889], %parallel_loop3A_887 {strides = array<i32>} : memref<80x128xf32, #tpu.memory_space<vmem>>, vector<16xf32>,
        %parallel_loop3A_891 = arith.index_cast %parallel_loop3A_853 : i32 to index
        %parallel_loop3A_892 = arith.constant 80 : index
        %parallel_loop3A_893 = tpu.vector_load %arg17[%parallel_loop3A_891, %parallel_loop3A_892] {strides = array<i32>} : memref<80x128xf32, #tpu.memory_space<vmem>>, vector<16xf32>,
        %parallel_loop3A_894 = arith.mulf %parallel_loop3A_893, %parallel_loop3A_855 : vector<16xf32>
        %parallel_loop3A_895 = arith.index_cast %parallel_loop3A_853 : i32 to index
        %parallel_loop3A_896 = arith.constant 80 : index
        %parallel_loop3A_897 = tpu.vector_load %arg17[%parallel_loop3A_895, %parallel_loop3A_896] {strides = array<i32>} : memref<80x128xf32, #tpu.memory_space<vmem>>, vector<16xf32>,
        tpu.vector_store %arg17[%parallel_loop3A_895, %parallel_loop3A_896], %parallel_loop3A_894 {strides = array<i32>} : memref<80x128xf32, #tpu.memory_space<vmem>>, vector<16xf32>,
        %parallel_loop3A_898 = arith.index_cast %parallel_loop3A_853 : i32 to index
        %parallel_loop3A_899 = arith.constant 96 : index
        %parallel_loop3A_900 = tpu.vector_load %arg17[%parallel_loop3A_898, %parallel_loop3A_899] {strides = array<i32>} : memref<80x128xf32, #tpu.memory_space<vmem>>, vector<16xf32>,
        %parallel_loop3A_901 = arith.mulf %parallel_loop3A_900, %parallel_loop3A_855 : vector<16xf32>
        %parallel_loop3A_902 = arith.index_cast %parallel_loop3A_853 : i32 to index
        %parallel_loop3A_903 = arith.constant 96 : index
        %parallel_loop3A_904 = tpu.vector_load %arg17[%parallel_loop3A_902, %parallel_loop3A_903] {strides = array<i32>} : memref<80x128xf32, #tpu.memory_space<vmem>>, vector<16xf32>,
        tpu.vector_store %arg17[%parallel_loop3A_902, %parallel_loop3A_903], %parallel_loop3A_901 {strides = array<i32>} : memref<80x128xf32, #tpu.memory_space<vmem>>, vector<16xf32>,
        %parallel_loop3A_905 = arith.index_cast %parallel_loop3A_853 : i32 to index
        %parallel_loop3A_906 = arith.constant 112 : index
        %parallel_loop3A_907 = tpu.vector_load %arg17[%parallel_loop3A_905, %parallel_loop3A_906] {strides = array<i32>} : memref<80x128xf32, #tpu.memory_space<vmem>>, vector<16xf32>,
        %parallel_loop3A_908 = arith.mulf %parallel_loop3A_907, %parallel_loop3A_855 : vector<16xf32>
        %parallel_loop3A_909 = arith.index_cast %parallel_loop3A_853 : i32 to index
        %parallel_loop3A_910 = arith.constant 112 : index
        %parallel_loop3A_911 = tpu.vector_load %arg17[%parallel_loop3A_909, %parallel_loop3A_910] {strides = array<i32>} : memref<80x128xf32, #tpu.memory_space<vmem>>, vector<16xf32>,
        tpu.vector_store %arg17[%parallel_loop3A_909, %parallel_loop3A_910], %parallel_loop3A_908 {strides = array<i32>} : memref<80x128xf32, #tpu.memory_space<vmem>>, vector<16xf32>,
      } {sc.loop_unroll_factor = 4 : i64, sc.parallel_access}
      %dma_start3A_482 = arith.constant 0 : i32
      %dma_start3A_483 = arith.constant 0 : i32
      %dma_start3A_484 = tpu.memref_slice %arg21[%dma_start3A_482, %dma_start3A_483] : memref<10240x128xf32, #tpu.memory_space<vmem_shared>> -> memref<10240x128xf32, #tpu.memory_space<vmem_shared>>
      tpu.enqueue_indirect_dma source(%arg17 : memref<80x128xf32, #tpu.memory_space<vmem>>) target(%dma_start3A_484 : memref<10240x128xf32, #tpu.memory_space<vmem_shared>>) offsets(%arg10 : memref<80xi32, #tpu.memory_space<vmem>>) semaphore(%arg29 : memref<!tpu.dma_semaphore, #tpu.memory_space<semaphore_mem>>) {add = true}
      %mul3A_485 = arith.constant 3 : i32
      %mul3A_486 = arith.muli %mul3A_485, %add3A_298 : i32
      %add3A_487 = arith.constant 1 : i32
      %add3A_488 = arith.addi %mul3A_486, %add3A_487 : i32
      %gt3A_489 = arith.constant 0 : i32
      %gt3A_490 = arith.cmpi sgt, %add3A_298, %gt3A_489 : i32
      %convert_element_type3A_491 = arith.extui %gt3A_490 : i1 to i32
      %cond3A_492 = arith.constant 0 : i32
      %cond3A_493 = arith.cmpi ne, %convert_element_type3A_491, %cond3A_492 : i32
      scf.if %cond3A_493 {
        %dma_wait3A_853 = arith.constant 0 : i32
        %dma_wait3A_854 = tpu.memref_slice %arg22[%dma_wait3A_853] : memref<10240xf32, #tpu.memory_space<vmem_shared>> -> memref<10240xf32, #tpu.memory_space<vmem_shared>>
        tpu.wait_indirect_dma semaphore(%arg31 : memref<!tpu.dma_semaphore, #tpu.memory_space<semaphore_mem>>) src(%arg16 : memref<80xf32, #tpu.memory_space<vmem>>) dst(%dma_wait3A_854 : memref<10240xf32, #tpu.memory_space<vmem_shared>>)
        %dma_wait3A_855 = arith.constant 0 : i32
        %dma_wait3A_856 = arith.constant 0 : i32
        %dma_wait3A_857 = tpu.memref_slice %arg21[%dma_wait3A_855, %dma_wait3A_856] : memref<10240x128xf32, #tpu.memory_space<vmem_shared>> -> memref<10240x128xf32, #tpu.memory_space<vmem_shared>>
        tpu.wait_indirect_dma semaphore(%arg31 : memref<!tpu.dma_semaphore, #tpu.memory_space<semaphore_mem>>) src(%arg19 : memref<80x128xf32, #tpu.memory_space<vmem>>) dst(%dma_wait3A_857 : memref<10240x128xf32, #tpu.memory_space<vmem_shared>>)
      } else {
      }
      %add3A_494 = arith.constant 1 : i32
      %add3A_495 = arith.addi %add3A_488, %add3A_494 : i32
      %dma_wait3A_496 = arith.constant 0 : i32
      %dma_wait3A_497 = arith.constant 0 : i32
      %dma_wait3A_498 = tpu.memref_slice %arg4[%add3A, %add3A_495, %dma_wait3A_496, %dma_wait3A_497] : memref<32x129x2x80xi32, #tpu.memory_space<hbm>> -> memref<1x1x2x80xi32, #tpu.memory_space<hbm>>
      %dma_wait3A_499 = tpu.memref_squeeze %dma_wait3A_498 : memref<1x1x2x80xi32, #tpu.memory_space<hbm>> -> memref<2x80xi32, #tpu.memory_space<hbm>>
      %dma_wait3A_500 = arith.constant 0 : i32
      %dma_wait3A_501 = arith.constant 0 : i32
      %dma_wait3A_502 = tpu.memref_slice %arg4[%add3A, %add3A_495, %dma_wait3A_500, %dma_wait3A_501] : memref<32x129x2x80xi32, #tpu.memory_space<hbm>> -> memref<1x1x2x80xi32, #tpu.memory_space<hbm>>
      %dma_wait3A_503 = tpu.memref_squeeze %dma_wait3A_502 : memref<1x1x2x80xi32, #tpu.memory_space<hbm>> -> memref<2x80xi32, #tpu.memory_space<hbm>>
      tpu.wait_dma2 semaphore(%arg25 : memref<!tpu.dma_semaphore, #tpu.memory_space<semaphore_mem>>) src(%dma_wait3A_503 : memref<2x80xi32, #tpu.memory_space<hbm>>) dst(%arg9 : memref<2x80xi32, #tpu.memory_space<vmem>>)
      %dma_start3A_504 = arith.constant 0 : i32
      %dma_start3A_505 = arith.constant 0 : i32
      %dma_start3A_506 = tpu.memref_slice %arg9[%dma_start3A_504, %dma_start3A_505] : memref<2x80xi32, #tpu.memory_space<vmem>> -> memref<1x80xi32, #tpu.memory_space<vmem>>
      %dma_start3A_507 = tpu.memref_squeeze %dma_start3A_506 : memref<1x80xi32, #tpu.memory_space<vmem>> -> memref<80xi32, #tpu.memory_space<vmem>>
      %dma_start3A_508 = arith.constant 0 : i32
      %dma_start3A_509 = arith.constant 0 : i32
      %dma_start3A_510 = tpu.memref_slice %arg2[%dma_start3A_508, %dma_start3A_509] : memref<10000x128xf32, #tpu.memory_space<hbm>> -> memref<10000x128xf32, #tpu.memory_space<hbm>>
      tpu.enqueue_indirect_dma source(%dma_start3A_510 : memref<10000x128xf32, #tpu.memory_space<hbm>>) target(%arg19 : memref<80x128xf32, #tpu.memory_space<vmem>>) offsets(%dma_start3A_507 : memref<80xi32, #tpu.memory_space<vmem>>) semaphore(%arg28 : memref<!tpu.dma_semaphore, #tpu.memory_space<semaphore_mem>>)
      %lt3A = arith.constant 42 : i32
      %lt3A_511 = arith.cmpi slt, %add3A_298, %lt3A : i32
      %convert_element_type3A_512 = arith.extui %lt3A_511 : i1 to i32
      %cond3A_513 = arith.constant 0 : i32
      %cond3A_514 = arith.cmpi ne, %convert_element_type3A_512, %cond3A_513 : i32
      scf.if %cond3A_514 {
        %add3A_853 = arith.constant 2 : i32
        %add3A_854 = arith.addi %add3A_488, %add3A_853 : i32
        %dma_start3A_855 = arith.constant 0 : i32
        %dma_start3A_856 = arith.constant 0 : i32
        %dma_start3A_857 = tpu.memref_slice %arg4[%add3A, %add3A_854, %dma_start3A_855, %dma_start3A_856] : memref<32x129x2x80xi32, #tpu.memory_space<hbm>> -> memref<1x1x2x80xi32, #tpu.memory_space<hbm>>
        %dma_start3A_858 = tpu.memref_squeeze %dma_start3A_857 : memref<1x1x2x80xi32, #tpu.memory_space<hbm>> -> memref<2x80xi32, #tpu.memory_space<hbm>>
        %dma_start3A_859 = arith.constant 0 : i32
        %dma_start3A_860 = arith.constant 0 : i32
        %dma_start3A_861 = tpu.memref_slice %arg4[%add3A, %add3A_854, %dma_start3A_859, %dma_start3A_860] : memref<32x129x2x80xi32, #tpu.memory_space<hbm>> -> memref<1x1x2x80xi32, #tpu.memory_space<hbm>>
        %dma_start3A_862 = tpu.memref_squeeze %dma_start3A_861 : memref<1x1x2x80xi32, #tpu.memory_space<hbm>> -> memref<2x80xi32, #tpu.memory_space<hbm>>
        tpu.enqueue_dma source(%dma_start3A_862 : memref<2x80xi32, #tpu.memory_space<hbm>>) target(%arg7 : memref<2x80xi32, #tpu.memory_space<vmem>>) target_semaphore(%arg23 : memref<!tpu.dma_semaphore, #tpu.memory_space<semaphore_mem>>)
      } else {
      }
      %dma_wait3A_515 = arith.constant 0 : i32
      %dma_wait3A_516 = arith.constant 0 : i32
      %dma_wait3A_517 = tpu.memref_slice %arg8[%dma_wait3A_515, %dma_wait3A_516] : memref<2x80xi32, #tpu.memory_space<vmem>> -> memref<1x80xi32, #tpu.memory_space<vmem>>
      %dma_wait3A_518 = tpu.memref_squeeze %dma_wait3A_517 : memref<1x80xi32, #tpu.memory_space<vmem>> -> memref<80xi32, #tpu.memory_space<vmem>>
      %dma_wait3A_519 = arith.constant 0 : i32
      %dma_wait3A_520 = arith.constant 0 : i32
      %dma_wait3A_521 = tpu.memref_slice %arg2[%dma_wait3A_519, %dma_wait3A_520] : memref<10000x128xf32, #tpu.memory_space<hbm>> -> memref<10000x128xf32, #tpu.memory_space<hbm>>
      tpu.wait_indirect_dma semaphore(%arg27 : memref<!tpu.dma_semaphore, #tpu.memory_space<semaphore_mem>>) src(%dma_wait3A_521 : memref<10000x128xf32, #tpu.memory_space<hbm>>) dst(%arg18 : memref<80x128xf32, #tpu.memory_space<vmem>>)
      %broadcast_in_dim3A_522 = arith.constant -65536 : i32
      %broadcast_in_dim3A_523 = vector.broadcast %broadcast_in_dim3A_522 : i32 to vector<16xi32>
      %get3A_524 = arith.constant 0 : i32
      %get3A_525 = arith.index_cast %get3A_524 : i32 to index
      %get3A_526 = arith.constant 0 : index
      %get3A_527 = tpu.vector_load %arg8[%get3A_525, %get3A_526] {strides = array<i32>} : memref<2x80xi32, #tpu.memory_space<vmem>>, vector<16xi32>,
      %get3A_528 = arith.constant 1 : i32
      %get3A_529 = arith.index_cast %get3A_528 : i32 to index
      %get3A_530 = arith.constant 0 : index
      %get3A_531 = tpu.vector_load %arg8[%get3A_529, %get3A_530] {strides = array<i32>} : memref<2x80xi32, #tpu.memory_space<vmem>>, vector<16xi32>,
      %swap3A_532 = arith.constant 0 : index
      %swap3A_533 = tpu.vector_load %arg11[%swap3A_532] {strides = array<i32>} : memref<80xi32, #tpu.memory_space<vmem>>, vector<16xi32>,
      tpu.vector_store %arg11[%swap3A_532], %get3A_531 {strides = array<i32>} : memref<80xi32, #tpu.memory_space<vmem>>, vector<16xi32>,
      %gather3A_534 = tpu.vector_load_idx %arg13[%get3A_527] : memref<10240xi32, #tpu.memory_space<vmem>>[vector<16xi32>], vector<16xi32>,
      %gather3A_535 = tpu.vector_load_idx %arg13[%get3A_531] : memref<10240xi32, #tpu.memory_space<vmem>>[vector<16xi32>], vector<16xi32>,
      %and3A_536 = arith.andi %gather3A_534, %broadcast_in_dim3A_523 : vector<16xi32>
      %bitcast3A_537 = vector.bitcast %and3A_536 : vector<16xi32> to vector<16xf32>
      %shift_left3A_538 = arith.constant 16 : i32
      %shift_left3A_539 = vector.broadcast %shift_left3A_538 : i32 to vector<16xi32>
      %shift_left3A_540 = arith.shli %gather3A_535, %shift_left3A_539 : vector<16xi32>
      %bitcast3A_541 = vector.bitcast %shift_left3A_540 : vector<16xi32> to vector<16xf32>
      %add3A_542 = arith.addf %bitcast3A_537, %bitcast3A_541 : vector<16xf32>
      %ge3A_543 = arith.constant 0.000000e+00 : f32
      %ge3A_544 = vector.broadcast %ge3A_543 : f32 to vector<16xf32>
      %ge3A_545 = arith.cmpf oge, %add3A_542, %ge3A_544 : vector<16xf32>
      %mul3A_546 = arith.constant 2.000000e-01 : f32
      %mul3A_547 = vector.broadcast %mul3A_546 : f32 to vector<16xf32>
      %mul3A_548 = arith.mulf %mul3A_547, %add3A_542 : vector<16xf32>
      %select_n3A_549 = arith.select %ge3A_545, %add3A_542, %mul3A_548 : vector<16xi1>, vector<16xf32>
      %exp3A_550 = math.exp %select_n3A_549 : vector<16xf32>
      %swap3A_551 = arith.constant 0 : index
      %swap3A_552 = tpu.vector_load %arg15[%swap3A_551] {strides = array<i32>} : memref<80xf32, #tpu.memory_space<vmem>>, vector<16xf32>,
      tpu.vector_store %arg15[%swap3A_551], %exp3A_550 {strides = array<i32>} : memref<80xf32, #tpu.memory_space<vmem>>, vector<16xf32>,
      %get3A_553 = arith.constant 0 : i32
      %get3A_554 = arith.index_cast %get3A_553 : i32 to index
      %get3A_555 = arith.constant 16 : index
      %get3A_556 = tpu.vector_load %arg8[%get3A_554, %get3A_555] {strides = array<i32>} : memref<2x80xi32, #tpu.memory_space<vmem>>, vector<16xi32>,
      %get3A_557 = arith.constant 1 : i32
      %get3A_558 = arith.index_cast %get3A_557 : i32 to index
      %get3A_559 = arith.constant 16 : index
      %get3A_560 = tpu.vector_load %arg8[%get3A_558, %get3A_559] {strides = array<i32>} : memref<2x80xi32, #tpu.memory_space<vmem>>, vector<16xi32>,
      %swap3A_561 = arith.constant 16 : index
      %swap3A_562 = tpu.vector_load %arg11[%swap3A_561] {strides = array<i32>} : memref<80xi32, #tpu.memory_space<vmem>>, vector<16xi32>,
      tpu.vector_store %arg11[%swap3A_561], %get3A_560 {strides = array<i32>} : memref<80xi32, #tpu.memory_space<vmem>>, vector<16xi32>,
      %gather3A_563 = tpu.vector_load_idx %arg13[%get3A_556] : memref<10240xi32, #tpu.memory_space<vmem>>[vector<16xi32>], vector<16xi32>,
      %gather3A_564 = tpu.vector_load_idx %arg13[%get3A_560] : memref<10240xi32, #tpu.memory_space<vmem>>[vector<16xi32>], vector<16xi32>,
      %and3A_565 = arith.andi %gather3A_563, %broadcast_in_dim3A_523 : vector<16xi32>
      %bitcast3A_566 = vector.bitcast %and3A_565 : vector<16xi32> to vector<16xf32>
      %shift_left3A_567 = arith.constant 16 : i32
      %shift_left3A_568 = vector.broadcast %shift_left3A_567 : i32 to vector<16xi32>
      %shift_left3A_569 = arith.shli %gather3A_564, %shift_left3A_568 : vector<16xi32>
      %bitcast3A_570 = vector.bitcast %shift_left3A_569 : vector<16xi32> to vector<16xf32>
      %add3A_571 = arith.addf %bitcast3A_566, %bitcast3A_570 : vector<16xf32>
      %ge3A_572 = arith.constant 0.000000e+00 : f32
      %ge3A_573 = vector.broadcast %ge3A_572 : f32 to vector<16xf32>
      %ge3A_574 = arith.cmpf oge, %add3A_571, %ge3A_573 : vector<16xf32>
      %mul3A_575 = arith.constant 2.000000e-01 : f32
      %mul3A_576 = vector.broadcast %mul3A_575 : f32 to vector<16xf32>
      %mul3A_577 = arith.mulf %mul3A_576, %add3A_571 : vector<16xf32>
      %select_n3A_578 = arith.select %ge3A_574, %add3A_571, %mul3A_577 : vector<16xi1>, vector<16xf32>
      %exp3A_579 = math.exp %select_n3A_578 : vector<16xf32>
      %swap3A_580 = arith.constant 16 : index
      %swap3A_581 = tpu.vector_load %arg15[%swap3A_580] {strides = array<i32>} : memref<80xf32, #tpu.memory_space<vmem>>, vector<16xf32>,
      tpu.vector_store %arg15[%swap3A_580], %exp3A_579 {strides = array<i32>} : memref<80xf32, #tpu.memory_space<vmem>>, vector<16xf32>,
      %get3A_582 = arith.constant 0 : i32
      %get3A_583 = arith.index_cast %get3A_582 : i32 to index
      %get3A_584 = arith.constant 32 : index
      %get3A_585 = tpu.vector_load %arg8[%get3A_583, %get3A_584] {strides = array<i32>} : memref<2x80xi32, #tpu.memory_space<vmem>>, vector<16xi32>,
      %get3A_586 = arith.constant 1 : i32
      %get3A_587 = arith.index_cast %get3A_586 : i32 to index
      %get3A_588 = arith.constant 32 : index
      %get3A_589 = tpu.vector_load %arg8[%get3A_587, %get3A_588] {strides = array<i32>} : memref<2x80xi32, #tpu.memory_space<vmem>>, vector<16xi32>,
      %swap3A_590 = arith.constant 32 : index
      %swap3A_591 = tpu.vector_load %arg11[%swap3A_590] {strides = array<i32>} : memref<80xi32, #tpu.memory_space<vmem>>, vector<16xi32>,
      tpu.vector_store %arg11[%swap3A_590], %get3A_589 {strides = array<i32>} : memref<80xi32, #tpu.memory_space<vmem>>, vector<16xi32>,
      %gather3A_592 = tpu.vector_load_idx %arg13[%get3A_585] : memref<10240xi32, #tpu.memory_space<vmem>>[vector<16xi32>], vector<16xi32>,
      %gather3A_593 = tpu.vector_load_idx %arg13[%get3A_589] : memref<10240xi32, #tpu.memory_space<vmem>>[vector<16xi32>], vector<16xi32>,
      %and3A_594 = arith.andi %gather3A_592, %broadcast_in_dim3A_523 : vector<16xi32>
      %bitcast3A_595 = vector.bitcast %and3A_594 : vector<16xi32> to vector<16xf32>
      %shift_left3A_596 = arith.constant 16 : i32
      %shift_left3A_597 = vector.broadcast %shift_left3A_596 : i32 to vector<16xi32>
      %shift_left3A_598 = arith.shli %gather3A_593, %shift_left3A_597 : vector<16xi32>
      %bitcast3A_599 = vector.bitcast %shift_left3A_598 : vector<16xi32> to vector<16xf32>
      %add3A_600 = arith.addf %bitcast3A_595, %bitcast3A_599 : vector<16xf32>
      %ge3A_601 = arith.constant 0.000000e+00 : f32
      %ge3A_602 = vector.broadcast %ge3A_601 : f32 to vector<16xf32>
      %ge3A_603 = arith.cmpf oge, %add3A_600, %ge3A_602 : vector<16xf32>
      %mul3A_604 = arith.constant 2.000000e-01 : f32
      %mul3A_605 = vector.broadcast %mul3A_604 : f32 to vector<16xf32>
      %mul3A_606 = arith.mulf %mul3A_605, %add3A_600 : vector<16xf32>
      %select_n3A_607 = arith.select %ge3A_603, %add3A_600, %mul3A_606 : vector<16xi1>, vector<16xf32>
      %exp3A_608 = math.exp %select_n3A_607 : vector<16xf32>
      %swap3A_609 = arith.constant 32 : index
      %swap3A_610 = tpu.vector_load %arg15[%swap3A_609] {strides = array<i32>} : memref<80xf32, #tpu.memory_space<vmem>>, vector<16xf32>,
      tpu.vector_store %arg15[%swap3A_609], %exp3A_608 {strides = array<i32>} : memref<80xf32, #tpu.memory_space<vmem>>, vector<16xf32>,
      %get3A_611 = arith.constant 0 : i32
      %get3A_612 = arith.index_cast %get3A_611 : i32 to index
      %get3A_613 = arith.constant 48 : index
      %get3A_614 = tpu.vector_load %arg8[%get3A_612, %get3A_613] {strides = array<i32>} : memref<2x80xi32, #tpu.memory_space<vmem>>, vector<16xi32>,
      %get3A_615 = arith.constant 1 : i32
      %get3A_616 = arith.index_cast %get3A_615 : i32 to index
      %get3A_617 = arith.constant 48 : index
      %get3A_618 = tpu.vector_load %arg8[%get3A_616, %get3A_617] {strides = array<i32>} : memref<2x80xi32, #tpu.memory_space<vmem>>, vector<16xi32>,
      %swap3A_619 = arith.constant 48 : index
      %swap3A_620 = tpu.vector_load %arg11[%swap3A_619] {strides = array<i32>} : memref<80xi32, #tpu.memory_space<vmem>>, vector<16xi32>,
      tpu.vector_store %arg11[%swap3A_619], %get3A_618 {strides = array<i32>} : memref<80xi32, #tpu.memory_space<vmem>>, vector<16xi32>,
      %gather3A_621 = tpu.vector_load_idx %arg13[%get3A_614] : memref<10240xi32, #tpu.memory_space<vmem>>[vector<16xi32>], vector<16xi32>,
      %gather3A_622 = tpu.vector_load_idx %arg13[%get3A_618] : memref<10240xi32, #tpu.memory_space<vmem>>[vector<16xi32>], vector<16xi32>,
      %and3A_623 = arith.andi %gather3A_621, %broadcast_in_dim3A_523 : vector<16xi32>
      %bitcast3A_624 = vector.bitcast %and3A_623 : vector<16xi32> to vector<16xf32>
      %shift_left3A_625 = arith.constant 16 : i32
      %shift_left3A_626 = vector.broadcast %shift_left3A_625 : i32 to vector<16xi32>
      %shift_left3A_627 = arith.shli %gather3A_622, %shift_left3A_626 : vector<16xi32>
      %bitcast3A_628 = vector.bitcast %shift_left3A_627 : vector<16xi32> to vector<16xf32>
      %add3A_629 = arith.addf %bitcast3A_624, %bitcast3A_628 : vector<16xf32>
      %ge3A_630 = arith.constant 0.000000e+00 : f32
      %ge3A_631 = vector.broadcast %ge3A_630 : f32 to vector<16xf32>
      %ge3A_632 = arith.cmpf oge, %add3A_629, %ge3A_631 : vector<16xf32>
      %mul3A_633 = arith.constant 2.000000e-01 : f32
      %mul3A_634 = vector.broadcast %mul3A_633 : f32 to vector<16xf32>
      %mul3A_635 = arith.mulf %mul3A_634, %add3A_629 : vector<16xf32>
      %select_n3A_636 = arith.select %ge3A_632, %add3A_629, %mul3A_635 : vector<16xi1>, vector<16xf32>
      %exp3A_637 = math.exp %select_n3A_636 : vector<16xf32>
      %swap3A_638 = arith.constant 48 : index
      %swap3A_639 = tpu.vector_load %arg15[%swap3A_638] {strides = array<i32>} : memref<80xf32, #tpu.memory_space<vmem>>, vector<16xf32>,
      tpu.vector_store %arg15[%swap3A_638], %exp3A_637 {strides = array<i32>} : memref<80xf32, #tpu.memory_space<vmem>>, vector<16xf32>,
      %get3A_640 = arith.constant 0 : i32
      %get3A_641 = arith.index_cast %get3A_640 : i32 to index
      %get3A_642 = arith.constant 64 : index
      %get3A_643 = tpu.vector_load %arg8[%get3A_641, %get3A_642] {strides = array<i32>} : memref<2x80xi32, #tpu.memory_space<vmem>>, vector<16xi32>,
      %get3A_644 = arith.constant 1 : i32
      %get3A_645 = arith.index_cast %get3A_644 : i32 to index
      %get3A_646 = arith.constant 64 : index
      %get3A_647 = tpu.vector_load %arg8[%get3A_645, %get3A_646] {strides = array<i32>} : memref<2x80xi32, #tpu.memory_space<vmem>>, vector<16xi32>,
      %swap3A_648 = arith.constant 64 : index
      %swap3A_649 = tpu.vector_load %arg11[%swap3A_648] {strides = array<i32>} : memref<80xi32, #tpu.memory_space<vmem>>, vector<16xi32>,
      tpu.vector_store %arg11[%swap3A_648], %get3A_647 {strides = array<i32>} : memref<80xi32, #tpu.memory_space<vmem>>, vector<16xi32>,
      %gather3A_650 = tpu.vector_load_idx %arg13[%get3A_643] : memref<10240xi32, #tpu.memory_space<vmem>>[vector<16xi32>], vector<16xi32>,
      %gather3A_651 = tpu.vector_load_idx %arg13[%get3A_647] : memref<10240xi32, #tpu.memory_space<vmem>>[vector<16xi32>], vector<16xi32>,
      %and3A_652 = arith.andi %gather3A_650, %broadcast_in_dim3A_523 : vector<16xi32>
      %bitcast3A_653 = vector.bitcast %and3A_652 : vector<16xi32> to vector<16xf32>
      %shift_left3A_654 = arith.constant 16 : i32
      %shift_left3A_655 = vector.broadcast %shift_left3A_654 : i32 to vector<16xi32>
      %shift_left3A_656 = arith.shli %gather3A_651, %shift_left3A_655 : vector<16xi32>
      %bitcast3A_657 = vector.bitcast %shift_left3A_656 : vector<16xi32> to vector<16xf32>
      %add3A_658 = arith.addf %bitcast3A_653, %bitcast3A_657 : vector<16xf32>
      %ge3A_659 = arith.constant 0.000000e+00 : f32
      %ge3A_660 = vector.broadcast %ge3A_659 : f32 to vector<16xf32>
      %ge3A_661 = arith.cmpf oge, %add3A_658, %ge3A_660 : vector<16xf32>
      %mul3A_662 = arith.constant 2.000000e-01 : f32
      %mul3A_663 = vector.broadcast %mul3A_662 : f32 to vector<16xf32>
      %mul3A_664 = arith.mulf %mul3A_663, %add3A_658 : vector<16xf32>
      %select_n3A_665 = arith.select %ge3A_661, %add3A_658, %mul3A_664 : vector<16xi1>, vector<16xf32>
      %exp3A_666 = math.exp %select_n3A_665 : vector<16xf32>
      %swap3A_667 = arith.constant 64 : index
      %swap3A_668 = tpu.vector_load %arg15[%swap3A_667] {strides = array<i32>} : memref<80xf32, #tpu.memory_space<vmem>>, vector<16xf32>,
      tpu.vector_store %arg15[%swap3A_667], %exp3A_666 {strides = array<i32>} : memref<80xf32, #tpu.memory_space<vmem>>, vector<16xf32>,
      %dma_start3A_669 = arith.constant 0 : i32
      %dma_start3A_670 = tpu.memref_slice %arg22[%dma_start3A_669] : memref<10240xf32, #tpu.memory_space<vmem_shared>> -> memref<10240xf32, #tpu.memory_space<vmem_shared>>
      tpu.enqueue_indirect_dma source(%arg15 : memref<80xf32, #tpu.memory_space<vmem>>) target(%dma_start3A_670 : memref<10240xf32, #tpu.memory_space<vmem_shared>>) offsets(%arg11 : memref<80xi32, #tpu.memory_space<vmem>>) semaphore(%arg30 : memref<!tpu.dma_semaphore, #tpu.memory_space<semaphore_mem>>) {add = true}
      %parallel_loop3A_671 = arith.constant 0 : i32
      %parallel_loop3A_672 = arith.constant 80 : i32
      %parallel_loop3A_673 = arith.constant 1 : i32
      scf.for %parallel_loop3A_853 = %parallel_loop3A_671 to %parallel_loop3A_672 step %parallel_loop3A_673  : i32 {
        %parallel_loop3A_854 = vector.broadcast %parallel_loop3A_853 : i32 to vector<16xi32>
        %parallel_loop3A_855 = tpu.vector_load_idx %arg15[%parallel_loop3A_854] : memref<80xf32, #tpu.memory_space<vmem>>[vector<16xi32>], vector<16xf32>,
        %parallel_loop3A_856 = arith.index_cast %parallel_loop3A_853 : i32 to index
        %parallel_loop3A_857 = arith.constant 0 : index
        %parallel_loop3A_858 = tpu.vector_load %arg18[%parallel_loop3A_856, %parallel_loop3A_857] {strides = array<i32>} : memref<80x128xf32, #tpu.memory_space<vmem>>, vector<16xf32>,
        %parallel_loop3A_859 = arith.mulf %parallel_loop3A_858, %parallel_loop3A_855 : vector<16xf32>
        %parallel_loop3A_860 = arith.index_cast %parallel_loop3A_853 : i32 to index
        %parallel_loop3A_861 = arith.constant 0 : index
        %parallel_loop3A_862 = tpu.vector_load %arg18[%parallel_loop3A_860, %parallel_loop3A_861] {strides = array<i32>} : memref<80x128xf32, #tpu.memory_space<vmem>>, vector<16xf32>,
        tpu.vector_store %arg18[%parallel_loop3A_860, %parallel_loop3A_861], %parallel_loop3A_859 {strides = array<i32>} : memref<80x128xf32, #tpu.memory_space<vmem>>, vector<16xf32>,
        %parallel_loop3A_863 = arith.index_cast %parallel_loop3A_853 : i32 to index
        %parallel_loop3A_864 = arith.constant 16 : index
        %parallel_loop3A_865 = tpu.vector_load %arg18[%parallel_loop3A_863, %parallel_loop3A_864] {strides = array<i32>} : memref<80x128xf32, #tpu.memory_space<vmem>>, vector<16xf32>,
        %parallel_loop3A_866 = arith.mulf %parallel_loop3A_865, %parallel_loop3A_855 : vector<16xf32>
        %parallel_loop3A_867 = arith.index_cast %parallel_loop3A_853 : i32 to index
        %parallel_loop3A_868 = arith.constant 16 : index
        %parallel_loop3A_869 = tpu.vector_load %arg18[%parallel_loop3A_867, %parallel_loop3A_868] {strides = array<i32>} : memref<80x128xf32, #tpu.memory_space<vmem>>, vector<16xf32>,
        tpu.vector_store %arg18[%parallel_loop3A_867, %parallel_loop3A_868], %parallel_loop3A_866 {strides = array<i32>} : memref<80x128xf32, #tpu.memory_space<vmem>>, vector<16xf32>,
        %parallel_loop3A_870 = arith.index_cast %parallel_loop3A_853 : i32 to index
        %parallel_loop3A_871 = arith.constant 32 : index
        %parallel_loop3A_872 = tpu.vector_load %arg18[%parallel_loop3A_870, %parallel_loop3A_871] {strides = array<i32>} : memref<80x128xf32, #tpu.memory_space<vmem>>, vector<16xf32>,
        %parallel_loop3A_873 = arith.mulf %parallel_loop3A_872, %parallel_loop3A_855 : vector<16xf32>
        %parallel_loop3A_874 = arith.index_cast %parallel_loop3A_853 : i32 to index
        %parallel_loop3A_875 = arith.constant 32 : index
        %parallel_loop3A_876 = tpu.vector_load %arg18[%parallel_loop3A_874, %parallel_loop3A_875] {strides = array<i32>} : memref<80x128xf32, #tpu.memory_space<vmem>>, vector<16xf32>,
        tpu.vector_store %arg18[%parallel_loop3A_874, %parallel_loop3A_875], %parallel_loop3A_873 {strides = array<i32>} : memref<80x128xf32, #tpu.memory_space<vmem>>, vector<16xf32>,
        %parallel_loop3A_877 = arith.index_cast %parallel_loop3A_853 : i32 to index
        %parallel_loop3A_878 = arith.constant 48 : index
        %parallel_loop3A_879 = tpu.vector_load %arg18[%parallel_loop3A_877, %parallel_loop3A_878] {strides = array<i32>} : memref<80x128xf32, #tpu.memory_space<vmem>>, vector<16xf32>,
        %parallel_loop3A_880 = arith.mulf %parallel_loop3A_879, %parallel_loop3A_855 : vector<16xf32>
        %parallel_loop3A_881 = arith.index_cast %parallel_loop3A_853 : i32 to index
        %parallel_loop3A_882 = arith.constant 48 : index
        %parallel_loop3A_883 = tpu.vector_load %arg18[%parallel_loop3A_881, %parallel_loop3A_882] {strides = array<i32>} : memref<80x128xf32, #tpu.memory_space<vmem>>, vector<16xf32>,
        tpu.vector_store %arg18[%parallel_loop3A_881, %parallel_loop3A_882], %parallel_loop3A_880 {strides = array<i32>} : memref<80x128xf32, #tpu.memory_space<vmem>>, vector<16xf32>,
        %parallel_loop3A_884 = arith.index_cast %parallel_loop3A_853 : i32 to index
        %parallel_loop3A_885 = arith.constant 64 : index
        %parallel_loop3A_886 = tpu.vector_load %arg18[%parallel_loop3A_884, %parallel_loop3A_885] {strides = array<i32>} : memref<80x128xf32, #tpu.memory_space<vmem>>, vector<16xf32>,
        %parallel_loop3A_887 = arith.mulf %parallel_loop3A_886, %parallel_loop3A_855 : vector<16xf32>
        %parallel_loop3A_888 = arith.index_cast %parallel_loop3A_853 : i32 to index
        %parallel_loop3A_889 = arith.constant 64 : index
        %parallel_loop3A_890 = tpu.vector_load %arg18[%parallel_loop3A_888, %parallel_loop3A_889] {strides = array<i32>} : memref<80x128xf32, #tpu.memory_space<vmem>>, vector<16xf32>,
        tpu.vector_store %arg18[%parallel_loop3A_888, %parallel_loop3A_889], %parallel_loop3A_887 {strides = array<i32>} : memref<80x128xf32, #tpu.memory_space<vmem>>, vector<16xf32>,
        %parallel_loop3A_891 = arith.index_cast %parallel_loop3A_853 : i32 to index
        %parallel_loop3A_892 = arith.constant 80 : index
        %parallel_loop3A_893 = tpu.vector_load %arg18[%parallel_loop3A_891, %parallel_loop3A_892] {strides = array<i32>} : memref<80x128xf32, #tpu.memory_space<vmem>>, vector<16xf32>,
        %parallel_loop3A_894 = arith.mulf %parallel_loop3A_893, %parallel_loop3A_855 : vector<16xf32>
        %parallel_loop3A_895 = arith.index_cast %parallel_loop3A_853 : i32 to index
        %parallel_loop3A_896 = arith.constant 80 : index
        %parallel_loop3A_897 = tpu.vector_load %arg18[%parallel_loop3A_895, %parallel_loop3A_896] {strides = array<i32>} : memref<80x128xf32, #tpu.memory_space<vmem>>, vector<16xf32>,
        tpu.vector_store %arg18[%parallel_loop3A_895, %parallel_loop3A_896], %parallel_loop3A_894 {strides = array<i32>} : memref<80x128xf32, #tpu.memory_space<vmem>>, vector<16xf32>,
        %parallel_loop3A_898 = arith.index_cast %parallel_loop3A_853 : i32 to index
        %parallel_loop3A_899 = arith.constant 96 : index
        %parallel_loop3A_900 = tpu.vector_load %arg18[%parallel_loop3A_898, %parallel_loop3A_899] {strides = array<i32>} : memref<80x128xf32, #tpu.memory_space<vmem>>, vector<16xf32>,
        %parallel_loop3A_901 = arith.mulf %parallel_loop3A_900, %parallel_loop3A_855 : vector<16xf32>
        %parallel_loop3A_902 = arith.index_cast %parallel_loop3A_853 : i32 to index
        %parallel_loop3A_903 = arith.constant 96 : index
        %parallel_loop3A_904 = tpu.vector_load %arg18[%parallel_loop3A_902, %parallel_loop3A_903] {strides = array<i32>} : memref<80x128xf32, #tpu.memory_space<vmem>>, vector<16xf32>,
        tpu.vector_store %arg18[%parallel_loop3A_902, %parallel_loop3A_903], %parallel_loop3A_901 {strides = array<i32>} : memref<80x128xf32, #tpu.memory_space<vmem>>, vector<16xf32>,
        %parallel_loop3A_905 = arith.index_cast %parallel_loop3A_853 : i32 to index
        %parallel_loop3A_906 = arith.constant 112 : index
        %parallel_loop3A_907 = tpu.vector_load %arg18[%parallel_loop3A_905, %parallel_loop3A_906] {strides = array<i32>} : memref<80x128xf32, #tpu.memory_space<vmem>>, vector<16xf32>,
        %parallel_loop3A_908 = arith.mulf %parallel_loop3A_907, %parallel_loop3A_855 : vector<16xf32>
        %parallel_loop3A_909 = arith.index_cast %parallel_loop3A_853 : i32 to index
        %parallel_loop3A_910 = arith.constant 112 : index
        %parallel_loop3A_911 = tpu.vector_load %arg18[%parallel_loop3A_909, %parallel_loop3A_910] {strides = array<i32>} : memref<80x128xf32, #tpu.memory_space<vmem>>, vector<16xf32>,
        tpu.vector_store %arg18[%parallel_loop3A_909, %parallel_loop3A_910], %parallel_loop3A_908 {strides = array<i32>} : memref<80x128xf32, #tpu.memory_space<vmem>>, vector<16xf32>,
      } {sc.loop_unroll_factor = 4 : i64, sc.parallel_access}
      %dma_start3A_674 = arith.constant 0 : i32
      %dma_start3A_675 = arith.constant 0 : i32
      %dma_start3A_676 = tpu.memref_slice %arg21[%dma_start3A_674, %dma_start3A_675] : memref<10240x128xf32, #tpu.memory_space<vmem_shared>> -> memref<10240x128xf32, #tpu.memory_space<vmem_shared>>
      tpu.enqueue_indirect_dma source(%arg18 : memref<80x128xf32, #tpu.memory_space<vmem>>) target(%dma_start3A_676 : memref<10240x128xf32, #tpu.memory_space<vmem_shared>>) offsets(%arg11 : memref<80xi32, #tpu.memory_space<vmem>>) semaphore(%arg30 : memref<!tpu.dma_semaphore, #tpu.memory_space<semaphore_mem>>) {add = true}
      %mul3A_677 = arith.constant 3 : i32
      %mul3A_678 = arith.muli %mul3A_677, %add3A_298 : i32
      %add3A_679 = arith.constant 2 : i32
      %add3A_680 = arith.addi %mul3A_678, %add3A_679 : i32
      %lt3A_681 = arith.constant 42 : i32
      %lt3A_682 = arith.cmpi slt, %add3A_298, %lt3A_681 : i32
      %convert_element_type3A_683 = arith.extui %lt3A_682 : i1 to i32
      %cond3A_684 = arith.constant 0 : i32
      %cond3A_685 = arith.cmpi ne, %convert_element_type3A_683, %cond3A_684 : i32
      scf.if %cond3A_685 {
        %add3A_853 = arith.constant 1 : i32
        %add3A_854 = arith.addi %add3A_680, %add3A_853 : i32
        %dma_wait3A_855 = arith.constant 0 : i32
        %dma_wait3A_856 = arith.constant 0 : i32
        %dma_wait3A_857 = tpu.memref_slice %arg4[%add3A, %add3A_854, %dma_wait3A_855, %dma_wait3A_856] : memref<32x129x2x80xi32, #tpu.memory_space<hbm>> -> memref<1x1x2x80xi32, #tpu.memory_space<hbm>>
        %dma_wait3A_858 = tpu.memref_squeeze %dma_wait3A_857 : memref<1x1x2x80xi32, #tpu.memory_space<hbm>> -> memref<2x80xi32, #tpu.memory_space<hbm>>
        %dma_wait3A_859 = arith.constant 0 : i32
        %dma_wait3A_860 = arith.constant 0 : i32
        %dma_wait3A_861 = tpu.memref_slice %arg4[%add3A, %add3A_854, %dma_wait3A_859, %dma_wait3A_860] : memref<32x129x2x80xi32, #tpu.memory_space<hbm>> -> memref<1x1x2x80xi32, #tpu.memory_space<hbm>>
        %dma_wait3A_862 = tpu.memref_squeeze %dma_wait3A_861 : memref<1x1x2x80xi32, #tpu.memory_space<hbm>> -> memref<2x80xi32, #tpu.memory_space<hbm>>
        tpu.wait_dma2 semaphore(%arg23 : memref<!tpu.dma_semaphore, #tpu.memory_space<semaphore_mem>>) src(%dma_wait3A_862 : memref<2x80xi32, #tpu.memory_space<hbm>>) dst(%arg7 : memref<2x80xi32, #tpu.memory_space<vmem>>)
        %dma_wait3A_863 = arith.constant 0 : i32
        %dma_wait3A_864 = tpu.memref_slice %arg22[%dma_wait3A_863] : memref<10240xf32, #tpu.memory_space<vmem_shared>> -> memref<10240xf32, #tpu.memory_space<vmem_shared>>
        tpu.wait_indirect_dma semaphore(%arg29 : memref<!tpu.dma_semaphore, #tpu.memory_space<semaphore_mem>>) src(%arg14 : memref<80xf32, #tpu.memory_space<vmem>>) dst(%dma_wait3A_864 : memref<10240xf32, #tpu.memory_space<vmem_shared>>)
        %dma_wait3A_865 = arith.constant 0 : i32
        %dma_wait3A_866 = arith.constant 0 : i32
        %dma_wait3A_867 = tpu.memref_slice %arg21[%dma_wait3A_865, %dma_wait3A_866] : memref<10240x128xf32, #tpu.memory_space<vmem_shared>> -> memref<10240x128xf32, #tpu.memory_space<vmem_shared>>
        tpu.wait_indirect_dma semaphore(%arg29 : memref<!tpu.dma_semaphore, #tpu.memory_space<semaphore_mem>>) src(%arg17 : memref<80x128xf32, #tpu.memory_space<vmem>>) dst(%dma_wait3A_867 : memref<10240x128xf32, #tpu.memory_space<vmem_shared>>)
        %dma_start3A_868 = arith.constant 0 : i32
        %dma_start3A_869 = arith.constant 0 : i32
        %dma_start3A_870 = tpu.memref_slice %arg7[%dma_start3A_868, %dma_start3A_869] : memref<2x80xi32, #tpu.memory_space<vmem>> -> memref<1x80xi32, #tpu.memory_space<vmem>>
        %dma_start3A_871 = tpu.memref_squeeze %dma_start3A_870 : memref<1x80xi32, #tpu.memory_space<vmem>> -> memref<80xi32, #tpu.memory_space<vmem>>
        %dma_start3A_872 = arith.constant 0 : i32
        %dma_start3A_873 = arith.constant 0 : i32
        %dma_start3A_874 = tpu.memref_slice %arg2[%dma_start3A_872, %dma_start3A_873] : memref<10000x128xf32, #tpu.memory_space<hbm>> -> memref<10000x128xf32, #tpu.memory_space<hbm>>
        tpu.enqueue_indirect_dma source(%dma_start3A_874 : memref<10000x128xf32, #tpu.memory_space<hbm>>) target(%arg17 : memref<80x128xf32, #tpu.memory_space<vmem>>) offsets(%dma_start3A_871 : memref<80xi32, #tpu.memory_space<vmem>>) semaphore(%arg26 : memref<!tpu.dma_semaphore, #tpu.memory_space<semaphore_mem>>)
      } else {
      }
      %lt3A_686 = arith.constant 42 : i32
      %lt3A_687 = arith.cmpi slt, %add3A_298, %lt3A_686 : i32
      %convert_element_type3A_688 = arith.extui %lt3A_687 : i1 to i32
      %cond3A_689 = arith.constant 0 : i32
      %cond3A_690 = arith.cmpi ne, %convert_element_type3A_688, %cond3A_689 : i32
      scf.if %cond3A_690 {
        %add3A_853 = arith.constant 2 : i32
        %add3A_854 = arith.addi %add3A_680, %add3A_853 : i32
        %dma_start3A_855 = arith.constant 0 : i32
        %dma_start3A_856 = arith.constant 0 : i32
        %dma_start3A_857 = tpu.memref_slice %arg4[%add3A, %add3A_854, %dma_start3A_855, %dma_start3A_856] : memref<32x129x2x80xi32, #tpu.memory_space<hbm>> -> memref<1x1x2x80xi32, #tpu.memory_space<hbm>>
        %dma_start3A_858 = tpu.memref_squeeze %dma_start3A_857 : memref<1x1x2x80xi32, #tpu.memory_space<hbm>> -> memref<2x80xi32, #tpu.memory_space<hbm>>
        %dma_start3A_859 = arith.constant 0 : i32
        %dma_start3A_860 = arith.constant 0 : i32
        %dma_start3A_861 = tpu.memref_slice %arg4[%add3A, %add3A_854, %dma_start3A_859, %dma_start3A_860] : memref<32x129x2x80xi32, #tpu.memory_space<hbm>> -> memref<1x1x2x80xi32, #tpu.memory_space<hbm>>
        %dma_start3A_862 = tpu.memref_squeeze %dma_start3A_861 : memref<1x1x2x80xi32, #tpu.memory_space<hbm>> -> memref<2x80xi32, #tpu.memory_space<hbm>>
        tpu.enqueue_dma source(%dma_start3A_862 : memref<2x80xi32, #tpu.memory_space<hbm>>) target(%arg8 : memref<2x80xi32, #tpu.memory_space<vmem>>) target_semaphore(%arg24 : memref<!tpu.dma_semaphore, #tpu.memory_space<semaphore_mem>>)
      } else {
      }
      %dma_wait3A_691 = arith.constant 0 : i32
      %dma_wait3A_692 = arith.constant 0 : i32
      %dma_wait3A_693 = tpu.memref_slice %arg9[%dma_wait3A_691, %dma_wait3A_692] : memref<2x80xi32, #tpu.memory_space<vmem>> -> memref<1x80xi32, #tpu.memory_space<vmem>>
      %dma_wait3A_694 = tpu.memref_squeeze %dma_wait3A_693 : memref<1x80xi32, #tpu.memory_space<vmem>> -> memref<80xi32, #tpu.memory_space<vmem>>
      %dma_wait3A_695 = arith.constant 0 : i32
      %dma_wait3A_696 = arith.constant 0 : i32
      %dma_wait3A_697 = tpu.memref_slice %arg2[%dma_wait3A_695, %dma_wait3A_696] : memref<10000x128xf32, #tpu.memory_space<hbm>> -> memref<10000x128xf32, #tpu.memory_space<hbm>>
      tpu.wait_indirect_dma semaphore(%arg28 : memref<!tpu.dma_semaphore, #tpu.memory_space<semaphore_mem>>) src(%dma_wait3A_697 : memref<10000x128xf32, #tpu.memory_space<hbm>>) dst(%arg19 : memref<80x128xf32, #tpu.memory_space<vmem>>)
      %broadcast_in_dim3A_698 = arith.constant -65536 : i32
      %broadcast_in_dim3A_699 = vector.broadcast %broadcast_in_dim3A_698 : i32 to vector<16xi32>
      %get3A_700 = arith.constant 0 : i32
      %get3A_701 = arith.index_cast %get3A_700 : i32 to index
      %get3A_702 = arith.constant 0 : index
      %get3A_703 = tpu.vector_load %arg9[%get3A_701, %get3A_702] {strides = array<i32>} : memref<2x80xi32, #tpu.memory_space<vmem>>, vector<16xi32>,
      %get3A_704 = arith.constant 1 : i32
      %get3A_705 = arith.index_cast %get3A_704 : i32 to index
      %get3A_706 = arith.constant 0 : index
      %get3A_707 = tpu.vector_load %arg9[%get3A_705, %get3A_706] {strides = array<i32>} : memref<2x80xi32, #tpu.memory_space<vmem>>, vector<16xi32>,
      %swap3A_708 = arith.constant 0 : index
      %swap3A_709 = tpu.vector_load %arg12[%swap3A_708] {strides = array<i32>} : memref<80xi32, #tpu.memory_space<vmem>>, vector<16xi32>,
      tpu.vector_store %arg12[%swap3A_708], %get3A_707 {strides = array<i32>} : memref<80xi32, #tpu.memory_space<vmem>>, vector<16xi32>,
      %gather3A_710 = tpu.vector_load_idx %arg13[%get3A_703] : memref<10240xi32, #tpu.memory_space<vmem>>[vector<16xi32>], vector<16xi32>,
      %gather3A_711 = tpu.vector_load_idx %arg13[%get3A_707] : memref<10240xi32, #tpu.memory_space<vmem>>[vector<16xi32>], vector<16xi32>,
      %and3A_712 = arith.andi %gather3A_710, %broadcast_in_dim3A_699 : vector<16xi32>
      %bitcast3A_713 = vector.bitcast %and3A_712 : vector<16xi32> to vector<16xf32>
      %shift_left3A_714 = arith.constant 16 : i32
      %shift_left3A_715 = vector.broadcast %shift_left3A_714 : i32 to vector<16xi32>
      %shift_left3A_716 = arith.shli %gather3A_711, %shift_left3A_715 : vector<16xi32>
      %bitcast3A_717 = vector.bitcast %shift_left3A_716 : vector<16xi32> to vector<16xf32>
      %add3A_718 = arith.addf %bitcast3A_713, %bitcast3A_717 : vector<16xf32>
      %ge3A_719 = arith.constant 0.000000e+00 : f32
      %ge3A_720 = vector.broadcast %ge3A_719 : f32 to vector<16xf32>
      %ge3A_721 = arith.cmpf oge, %add3A_718, %ge3A_720 : vector<16xf32>
      %mul3A_722 = arith.constant 2.000000e-01 : f32
      %mul3A_723 = vector.broadcast %mul3A_722 : f32 to vector<16xf32>
      %mul3A_724 = arith.mulf %mul3A_723, %add3A_718 : vector<16xf32>
      %select_n3A_725 = arith.select %ge3A_721, %add3A_718, %mul3A_724 : vector<16xi1>, vector<16xf32>
      %exp3A_726 = math.exp %select_n3A_725 : vector<16xf32>
      %swap3A_727 = arith.constant 0 : index
      %swap3A_728 = tpu.vector_load %arg16[%swap3A_727] {strides = array<i32>} : memref<80xf32, #tpu.memory_space<vmem>>, vector<16xf32>,
      tpu.vector_store %arg16[%swap3A_727], %exp3A_726 {strides = array<i32>} : memref<80xf32, #tpu.memory_space<vmem>>, vector<16xf32>,
      %get3A_729 = arith.constant 0 : i32
      %get3A_730 = arith.index_cast %get3A_729 : i32 to index
      %get3A_731 = arith.constant 16 : index
      %get3A_732 = tpu.vector_load %arg9[%get3A_730, %get3A_731] {strides = array<i32>} : memref<2x80xi32, #tpu.memory_space<vmem>>, vector<16xi32>,
      %get3A_733 = arith.constant 1 : i32
      %get3A_734 = arith.index_cast %get3A_733 : i32 to index
      %get3A_735 = arith.constant 16 : index
      %get3A_736 = tpu.vector_load %arg9[%get3A_734, %get3A_735] {strides = array<i32>} : memref<2x80xi32, #tpu.memory_space<vmem>>, vector<16xi32>,
      %swap3A_737 = arith.constant 16 : index
      %swap3A_738 = tpu.vector_load %arg12[%swap3A_737] {strides = array<i32>} : memref<80xi32, #tpu.memory_space<vmem>>, vector<16xi32>,
      tpu.vector_store %arg12[%swap3A_737], %get3A_736 {strides = array<i32>} : memref<80xi32, #tpu.memory_space<vmem>>, vector<16xi32>,
      %gather3A_739 = tpu.vector_load_idx %arg13[%get3A_732] : memref<10240xi32, #tpu.memory_space<vmem>>[vector<16xi32>], vector<16xi32>,
      %gather3A_740 = tpu.vector_load_idx %arg13[%get3A_736] : memref<10240xi32, #tpu.memory_space<vmem>>[vector<16xi32>], vector<16xi32>,
      %and3A_741 = arith.andi %gather3A_739, %broadcast_in_dim3A_699 : vector<16xi32>
      %bitcast3A_742 = vector.bitcast %and3A_741 : vector<16xi32> to vector<16xf32>
      %shift_left3A_743 = arith.constant 16 : i32
      %shift_left3A_744 = vector.broadcast %shift_left3A_743 : i32 to vector<16xi32>
      %shift_left3A_745 = arith.shli %gather3A_740, %shift_left3A_744 : vector<16xi32>
      %bitcast3A_746 = vector.bitcast %shift_left3A_745 : vector<16xi32> to vector<16xf32>
      %add3A_747 = arith.addf %bitcast3A_742, %bitcast3A_746 : vector<16xf32>
      %ge3A_748 = arith.constant 0.000000e+00 : f32
      %ge3A_749 = vector.broadcast %ge3A_748 : f32 to vector<16xf32>
      %ge3A_750 = arith.cmpf oge, %add3A_747, %ge3A_749 : vector<16xf32>
      %mul3A_751 = arith.constant 2.000000e-01 : f32
      %mul3A_752 = vector.broadcast %mul3A_751 : f32 to vector<16xf32>
      %mul3A_753 = arith.mulf %mul3A_752, %add3A_747 : vector<16xf32>
      %select_n3A_754 = arith.select %ge3A_750, %add3A_747, %mul3A_753 : vector<16xi1>, vector<16xf32>
      %exp3A_755 = math.exp %select_n3A_754 : vector<16xf32>
      %swap3A_756 = arith.constant 16 : index
      %swap3A_757 = tpu.vector_load %arg16[%swap3A_756] {strides = array<i32>} : memref<80xf32, #tpu.memory_space<vmem>>, vector<16xf32>,
      tpu.vector_store %arg16[%swap3A_756], %exp3A_755 {strides = array<i32>} : memref<80xf32, #tpu.memory_space<vmem>>, vector<16xf32>,
      %get3A_758 = arith.constant 0 : i32
      %get3A_759 = arith.index_cast %get3A_758 : i32 to index
      %get3A_760 = arith.constant 32 : index
      %get3A_761 = tpu.vector_load %arg9[%get3A_759, %get3A_760] {strides = array<i32>} : memref<2x80xi32, #tpu.memory_space<vmem>>, vector<16xi32>,
      %get3A_762 = arith.constant 1 : i32
      %get3A_763 = arith.index_cast %get3A_762 : i32 to index
      %get3A_764 = arith.constant 32 : index
      %get3A_765 = tpu.vector_load %arg9[%get3A_763, %get3A_764] {strides = array<i32>} : memref<2x80xi32, #tpu.memory_space<vmem>>, vector<16xi32>,
      %swap3A_766 = arith.constant 32 : index
      %swap3A_767 = tpu.vector_load %arg12[%swap3A_766] {strides = array<i32>} : memref<80xi32, #tpu.memory_space<vmem>>, vector<16xi32>,
      tpu.vector_store %arg12[%swap3A_766], %get3A_765 {strides = array<i32>} : memref<80xi32, #tpu.memory_space<vmem>>, vector<16xi32>,
      %gather3A_768 = tpu.vector_load_idx %arg13[%get3A_761] : memref<10240xi32, #tpu.memory_space<vmem>>[vector<16xi32>], vector<16xi32>,
      %gather3A_769 = tpu.vector_load_idx %arg13[%get3A_765] : memref<10240xi32, #tpu.memory_space<vmem>>[vector<16xi32>], vector<16xi32>,
      %and3A_770 = arith.andi %gather3A_768, %broadcast_in_dim3A_699 : vector<16xi32>
      %bitcast3A_771 = vector.bitcast %and3A_770 : vector<16xi32> to vector<16xf32>
      %shift_left3A_772 = arith.constant 16 : i32
      %shift_left3A_773 = vector.broadcast %shift_left3A_772 : i32 to vector<16xi32>
      %shift_left3A_774 = arith.shli %gather3A_769, %shift_left3A_773 : vector<16xi32>
      %bitcast3A_775 = vector.bitcast %shift_left3A_774 : vector<16xi32> to vector<16xf32>
      %add3A_776 = arith.addf %bitcast3A_771, %bitcast3A_775 : vector<16xf32>
      %ge3A_777 = arith.constant 0.000000e+00 : f32
      %ge3A_778 = vector.broadcast %ge3A_777 : f32 to vector<16xf32>
      %ge3A_779 = arith.cmpf oge, %add3A_776, %ge3A_778 : vector<16xf32>
      %mul3A_780 = arith.constant 2.000000e-01 : f32
      %mul3A_781 = vector.broadcast %mul3A_780 : f32 to vector<16xf32>
      %mul3A_782 = arith.mulf %mul3A_781, %add3A_776 : vector<16xf32>
      %select_n3A_783 = arith.select %ge3A_779, %add3A_776, %mul3A_782 : vector<16xi1>, vector<16xf32>
      %exp3A_784 = math.exp %select_n3A_783 : vector<16xf32>
      %swap3A_785 = arith.constant 32 : index
      %swap3A_786 = tpu.vector_load %arg16[%swap3A_785] {strides = array<i32>} : memref<80xf32, #tpu.memory_space<vmem>>, vector<16xf32>,
      tpu.vector_store %arg16[%swap3A_785], %exp3A_784 {strides = array<i32>} : memref<80xf32, #tpu.memory_space<vmem>>, vector<16xf32>,
      %get3A_787 = arith.constant 0 : i32
      %get3A_788 = arith.index_cast %get3A_787 : i32 to index
      %get3A_789 = arith.constant 48 : index
      %get3A_790 = tpu.vector_load %arg9[%get3A_788, %get3A_789] {strides = array<i32>} : memref<2x80xi32, #tpu.memory_space<vmem>>, vector<16xi32>,
      %get3A_791 = arith.constant 1 : i32
      %get3A_792 = arith.index_cast %get3A_791 : i32 to index
      %get3A_793 = arith.constant 48 : index
      %get3A_794 = tpu.vector_load %arg9[%get3A_792, %get3A_793] {strides = array<i32>} : memref<2x80xi32, #tpu.memory_space<vmem>>, vector<16xi32>,
      %swap3A_795 = arith.constant 48 : index
      %swap3A_796 = tpu.vector_load %arg12[%swap3A_795] {strides = array<i32>} : memref<80xi32, #tpu.memory_space<vmem>>, vector<16xi32>,
      tpu.vector_store %arg12[%swap3A_795], %get3A_794 {strides = array<i32>} : memref<80xi32, #tpu.memory_space<vmem>>, vector<16xi32>,
      %gather3A_797 = tpu.vector_load_idx %arg13[%get3A_790] : memref<10240xi32, #tpu.memory_space<vmem>>[vector<16xi32>], vector<16xi32>,
      %gather3A_798 = tpu.vector_load_idx %arg13[%get3A_794] : memref<10240xi32, #tpu.memory_space<vmem>>[vector<16xi32>], vector<16xi32>,
      %and3A_799 = arith.andi %gather3A_797, %broadcast_in_dim3A_699 : vector<16xi32>
      %bitcast3A_800 = vector.bitcast %and3A_799 : vector<16xi32> to vector<16xf32>
      %shift_left3A_801 = arith.constant 16 : i32
      %shift_left3A_802 = vector.broadcast %shift_left3A_801 : i32 to vector<16xi32>
      %shift_left3A_803 = arith.shli %gather3A_798, %shift_left3A_802 : vector<16xi32>
      %bitcast3A_804 = vector.bitcast %shift_left3A_803 : vector<16xi32> to vector<16xf32>
      %add3A_805 = arith.addf %bitcast3A_800, %bitcast3A_804 : vector<16xf32>
      %ge3A_806 = arith.constant 0.000000e+00 : f32
      %ge3A_807 = vector.broadcast %ge3A_806 : f32 to vector<16xf32>
      %ge3A_808 = arith.cmpf oge, %add3A_805, %ge3A_807 : vector<16xf32>
      %mul3A_809 = arith.constant 2.000000e-01 : f32
      %mul3A_810 = vector.broadcast %mul3A_809 : f32 to vector<16xf32>
      %mul3A_811 = arith.mulf %mul3A_810, %add3A_805 : vector<16xf32>
      %select_n3A_812 = arith.select %ge3A_808, %add3A_805, %mul3A_811 : vector<16xi1>, vector<16xf32>
      %exp3A_813 = math.exp %select_n3A_812 : vector<16xf32>
      %swap3A_814 = arith.constant 48 : index
      %swap3A_815 = tpu.vector_load %arg16[%swap3A_814] {strides = array<i32>} : memref<80xf32, #tpu.memory_space<vmem>>, vector<16xf32>,
      tpu.vector_store %arg16[%swap3A_814], %exp3A_813 {strides = array<i32>} : memref<80xf32, #tpu.memory_space<vmem>>, vector<16xf32>,
      %get3A_816 = arith.constant 0 : i32
      %get3A_817 = arith.index_cast %get3A_816 : i32 to index
      %get3A_818 = arith.constant 64 : index
      %get3A_819 = tpu.vector_load %arg9[%get3A_817, %get3A_818] {strides = array<i32>} : memref<2x80xi32, #tpu.memory_space<vmem>>, vector<16xi32>,
      %get3A_820 = arith.constant 1 : i32
      %get3A_821 = arith.index_cast %get3A_820 : i32 to index
      %get3A_822 = arith.constant 64 : index
      %get3A_823 = tpu.vector_load %arg9[%get3A_821, %get3A_822] {strides = array<i32>} : memref<2x80xi32, #tpu.memory_space<vmem>>, vector<16xi32>,
      %swap3A_824 = arith.constant 64 : index
      %swap3A_825 = tpu.vector_load %arg12[%swap3A_824] {strides = array<i32>} : memref<80xi32, #tpu.memory_space<vmem>>, vector<16xi32>,
      tpu.vector_store %arg12[%swap3A_824], %get3A_823 {strides = array<i32>} : memref<80xi32, #tpu.memory_space<vmem>>, vector<16xi32>,
      %gather3A_826 = tpu.vector_load_idx %arg13[%get3A_819] : memref<10240xi32, #tpu.memory_space<vmem>>[vector<16xi32>], vector<16xi32>,
      %gather3A_827 = tpu.vector_load_idx %arg13[%get3A_823] : memref<10240xi32, #tpu.memory_space<vmem>>[vector<16xi32>], vector<16xi32>,
      %and3A_828 = arith.andi %gather3A_826, %broadcast_in_dim3A_699 : vector<16xi32>
      %bitcast3A_829 = vector.bitcast %and3A_828 : vector<16xi32> to vector<16xf32>
      %shift_left3A_830 = arith.constant 16 : i32
      %shift_left3A_831 = vector.broadcast %shift_left3A_830 : i32 to vector<16xi32>
      %shift_left3A_832 = arith.shli %gather3A_827, %shift_left3A_831 : vector<16xi32>
      %bitcast3A_833 = vector.bitcast %shift_left3A_832 : vector<16xi32> to vector<16xf32>
      %add3A_834 = arith.addf %bitcast3A_829, %bitcast3A_833 : vector<16xf32>
      %ge3A_835 = arith.constant 0.000000e+00 : f32
      %ge3A_836 = vector.broadcast %ge3A_835 : f32 to vector<16xf32>
      %ge3A_837 = arith.cmpf oge, %add3A_834, %ge3A_836 : vector<16xf32>
      %mul3A_838 = arith.constant 2.000000e-01 : f32
      %mul3A_839 = vector.broadcast %mul3A_838 : f32 to vector<16xf32>
      %mul3A_840 = arith.mulf %mul3A_839, %add3A_834 : vector<16xf32>
      %select_n3A_841 = arith.select %ge3A_837, %add3A_834, %mul3A_840 : vector<16xi1>, vector<16xf32>
      %exp3A_842 = math.exp %select_n3A_841 : vector<16xf32>
      %swap3A_843 = arith.constant 64 : index
      %swap3A_844 = tpu.vector_load %arg16[%swap3A_843] {strides = array<i32>} : memref<80xf32, #tpu.memory_space<vmem>>, vector<16xf32>,
      tpu.vector_store %arg16[%swap3A_843], %exp3A_842 {strides = array<i32>} : memref<80xf32, #tpu.memory_space<vmem>>, vector<16xf32>,
      %dma_start3A_845 = arith.constant 0 : i32
      %dma_start3A_846 = tpu.memref_slice %arg22[%dma_start3A_845] : memref<10240xf32, #tpu.memory_space<vmem_shared>> -> memref<10240xf32, #tpu.memory_space<vmem_shared>>
      tpu.enqueue_indirect_dma source(%arg16 : memref<80xf32, #tpu.memory_space<vmem>>) target(%dma_start3A_846 : memref<10240xf32, #tpu.memory_space<vmem_shared>>) offsets(%arg12 : memref<80xi32, #tpu.memory_space<vmem>>) semaphore(%arg31 : memref<!tpu.dma_semaphore, #tpu.memory_space<semaphore_mem>>) {add = true}
      %parallel_loop3A_847 = arith.constant 0 : i32
      %parallel_loop3A_848 = arith.constant 80 : i32
      %parallel_loop3A_849 = arith.constant 1 : i32
      scf.for %parallel_loop3A_853 = %parallel_loop3A_847 to %parallel_loop3A_848 step %parallel_loop3A_849  : i32 {
        %parallel_loop3A_854 = vector.broadcast %parallel_loop3A_853 : i32 to vector<16xi32>
        %parallel_loop3A_855 = tpu.vector_load_idx %arg16[%parallel_loop3A_854] : memref<80xf32, #tpu.memory_space<vmem>>[vector<16xi32>], vector<16xf32>,
        %parallel_loop3A_856 = arith.index_cast %parallel_loop3A_853 : i32 to index
        %parallel_loop3A_857 = arith.constant 0 : index
        %parallel_loop3A_858 = tpu.vector_load %arg19[%parallel_loop3A_856, %parallel_loop3A_857] {strides = array<i32>} : memref<80x128xf32, #tpu.memory_space<vmem>>, vector<16xf32>,
        %parallel_loop3A_859 = arith.mulf %parallel_loop3A_858, %parallel_loop3A_855 : vector<16xf32>
        %parallel_loop3A_860 = arith.index_cast %parallel_loop3A_853 : i32 to index
        %parallel_loop3A_861 = arith.constant 0 : index
        %parallel_loop3A_862 = tpu.vector_load %arg19[%parallel_loop3A_860, %parallel_loop3A_861] {strides = array<i32>} : memref<80x128xf32, #tpu.memory_space<vmem>>, vector<16xf32>,
        tpu.vector_store %arg19[%parallel_loop3A_860, %parallel_loop3A_861], %parallel_loop3A_859 {strides = array<i32>} : memref<80x128xf32, #tpu.memory_space<vmem>>, vector<16xf32>,
        %parallel_loop3A_863 = arith.index_cast %parallel_loop3A_853 : i32 to index
        %parallel_loop3A_864 = arith.constant 16 : index
        %parallel_loop3A_865 = tpu.vector_load %arg19[%parallel_loop3A_863, %parallel_loop3A_864] {strides = array<i32>} : memref<80x128xf32, #tpu.memory_space<vmem>>, vector<16xf32>,
        %parallel_loop3A_866 = arith.mulf %parallel_loop3A_865, %parallel_loop3A_855 : vector<16xf32>
        %parallel_loop3A_867 = arith.index_cast %parallel_loop3A_853 : i32 to index
        %parallel_loop3A_868 = arith.constant 16 : index
        %parallel_loop3A_869 = tpu.vector_load %arg19[%parallel_loop3A_867, %parallel_loop3A_868] {strides = array<i32>} : memref<80x128xf32, #tpu.memory_space<vmem>>, vector<16xf32>,
        tpu.vector_store %arg19[%parallel_loop3A_867, %parallel_loop3A_868], %parallel_loop3A_866 {strides = array<i32>} : memref<80x128xf32, #tpu.memory_space<vmem>>, vector<16xf32>,
        %parallel_loop3A_870 = arith.index_cast %parallel_loop3A_853 : i32 to index
        %parallel_loop3A_871 = arith.constant 32 : index
        %parallel_loop3A_872 = tpu.vector_load %arg19[%parallel_loop3A_870, %parallel_loop3A_871] {strides = array<i32>} : memref<80x128xf32, #tpu.memory_space<vmem>>, vector<16xf32>,
        %parallel_loop3A_873 = arith.mulf %parallel_loop3A_872, %parallel_loop3A_855 : vector<16xf32>
        %parallel_loop3A_874 = arith.index_cast %parallel_loop3A_853 : i32 to index
        %parallel_loop3A_875 = arith.constant 32 : index
        %parallel_loop3A_876 = tpu.vector_load %arg19[%parallel_loop3A_874, %parallel_loop3A_875] {strides = array<i32>} : memref<80x128xf32, #tpu.memory_space<vmem>>, vector<16xf32>,
        tpu.vector_store %arg19[%parallel_loop3A_874, %parallel_loop3A_875], %parallel_loop3A_873 {strides = array<i32>} : memref<80x128xf32, #tpu.memory_space<vmem>>, vector<16xf32>,
        %parallel_loop3A_877 = arith.index_cast %parallel_loop3A_853 : i32 to index
        %parallel_loop3A_878 = arith.constant 48 : index
        %parallel_loop3A_879 = tpu.vector_load %arg19[%parallel_loop3A_877, %parallel_loop3A_878] {strides = array<i32>} : memref<80x128xf32, #tpu.memory_space<vmem>>, vector<16xf32>,
        %parallel_loop3A_880 = arith.mulf %parallel_loop3A_879, %parallel_loop3A_855 : vector<16xf32>
        %parallel_loop3A_881 = arith.index_cast %parallel_loop3A_853 : i32 to index
        %parallel_loop3A_882 = arith.constant 48 : index
        %parallel_loop3A_883 = tpu.vector_load %arg19[%parallel_loop3A_881, %parallel_loop3A_882] {strides = array<i32>} : memref<80x128xf32, #tpu.memory_space<vmem>>, vector<16xf32>,
        tpu.vector_store %arg19[%parallel_loop3A_881, %parallel_loop3A_882], %parallel_loop3A_880 {strides = array<i32>} : memref<80x128xf32, #tpu.memory_space<vmem>>, vector<16xf32>,
        %parallel_loop3A_884 = arith.index_cast %parallel_loop3A_853 : i32 to index
        %parallel_loop3A_885 = arith.constant 64 : index
        %parallel_loop3A_886 = tpu.vector_load %arg19[%parallel_loop3A_884, %parallel_loop3A_885] {strides = array<i32>} : memref<80x128xf32, #tpu.memory_space<vmem>>, vector<16xf32>,
        %parallel_loop3A_887 = arith.mulf %parallel_loop3A_886, %parallel_loop3A_855 : vector<16xf32>
        %parallel_loop3A_888 = arith.index_cast %parallel_loop3A_853 : i32 to index
        %parallel_loop3A_889 = arith.constant 64 : index
        %parallel_loop3A_890 = tpu.vector_load %arg19[%parallel_loop3A_888, %parallel_loop3A_889] {strides = array<i32>} : memref<80x128xf32, #tpu.memory_space<vmem>>, vector<16xf32>,
        tpu.vector_store %arg19[%parallel_loop3A_888, %parallel_loop3A_889], %parallel_loop3A_887 {strides = array<i32>} : memref<80x128xf32, #tpu.memory_space<vmem>>, vector<16xf32>,
        %parallel_loop3A_891 = arith.index_cast %parallel_loop3A_853 : i32 to index
        %parallel_loop3A_892 = arith.constant 80 : index
        %parallel_loop3A_893 = tpu.vector_load %arg19[%parallel_loop3A_891, %parallel_loop3A_892] {strides = array<i32>} : memref<80x128xf32, #tpu.memory_space<vmem>>, vector<16xf32>,
        %parallel_loop3A_894 = arith.mulf %parallel_loop3A_893, %parallel_loop3A_855 : vector<16xf32>
        %parallel_loop3A_895 = arith.index_cast %parallel_loop3A_853 : i32 to index
        %parallel_loop3A_896 = arith.constant 80 : index
        %parallel_loop3A_897 = tpu.vector_load %arg19[%parallel_loop3A_895, %parallel_loop3A_896] {strides = array<i32>} : memref<80x128xf32, #tpu.memory_space<vmem>>, vector<16xf32>,
        tpu.vector_store %arg19[%parallel_loop3A_895, %parallel_loop3A_896], %parallel_loop3A_894 {strides = array<i32>} : memref<80x128xf32, #tpu.memory_space<vmem>>, vector<16xf32>,
        %parallel_loop3A_898 = arith.index_cast %parallel_loop3A_853 : i32 to index
        %parallel_loop3A_899 = arith.constant 96 : index
        %parallel_loop3A_900 = tpu.vector_load %arg19[%parallel_loop3A_898, %parallel_loop3A_899] {strides = array<i32>} : memref<80x128xf32, #tpu.memory_space<vmem>>, vector<16xf32>,
        %parallel_loop3A_901 = arith.mulf %parallel_loop3A_900, %parallel_loop3A_855 : vector<16xf32>
        %parallel_loop3A_902 = arith.index_cast %parallel_loop3A_853 : i32 to index
        %parallel_loop3A_903 = arith.constant 96 : index
        %parallel_loop3A_904 = tpu.vector_load %arg19[%parallel_loop3A_902, %parallel_loop3A_903] {strides = array<i32>} : memref<80x128xf32, #tpu.memory_space<vmem>>, vector<16xf32>,
        tpu.vector_store %arg19[%parallel_loop3A_902, %parallel_loop3A_903], %parallel_loop3A_901 {strides = array<i32>} : memref<80x128xf32, #tpu.memory_space<vmem>>, vector<16xf32>,
        %parallel_loop3A_905 = arith.index_cast %parallel_loop3A_853 : i32 to index
        %parallel_loop3A_906 = arith.constant 112 : index
        %parallel_loop3A_907 = tpu.vector_load %arg19[%parallel_loop3A_905, %parallel_loop3A_906] {strides = array<i32>} : memref<80x128xf32, #tpu.memory_space<vmem>>, vector<16xf32>,
        %parallel_loop3A_908 = arith.mulf %parallel_loop3A_907, %parallel_loop3A_855 : vector<16xf32>
        %parallel_loop3A_909 = arith.index_cast %parallel_loop3A_853 : i32 to index
        %parallel_loop3A_910 = arith.constant 112 : index
        %parallel_loop3A_911 = tpu.vector_load %arg19[%parallel_loop3A_909, %parallel_loop3A_910] {strides = array<i32>} : memref<80x128xf32, #tpu.memory_space<vmem>>, vector<16xf32>,
        tpu.vector_store %arg19[%parallel_loop3A_909, %parallel_loop3A_910], %parallel_loop3A_908 {strides = array<i32>} : memref<80x128xf32, #tpu.memory_space<vmem>>, vector<16xf32>,
      } {sc.loop_unroll_factor = 4 : i64, sc.parallel_access}
      %dma_start3A_850 = arith.constant 0 : i32
      %dma_start3A_851 = arith.constant 0 : i32
      %dma_start3A_852 = tpu.memref_slice %arg21[%dma_start3A_850, %dma_start3A_851] : memref<10240x128xf32, #tpu.memory_space<vmem_shared>> -> memref<10240x128xf32, #tpu.memory_space<vmem_shared>>
      tpu.enqueue_indirect_dma source(%arg19 : memref<80x128xf32, #tpu.memory_space<vmem>>) target(%dma_start3A_852 : memref<10240x128xf32, #tpu.memory_space<vmem_shared>>) offsets(%arg12 : memref<80xi32, #tpu.memory_space<vmem>>) semaphore(%arg31 : memref<!tpu.dma_semaphore, #tpu.memory_space<semaphore_mem>>) {add = true}
    }
    %scan3A_165 = arith.constant 43 : i32
    %dma_wait3A_166 = arith.constant 0 : i32
    %dma_wait3A_167 = tpu.memref_slice %arg22[%dma_wait3A_166] : memref<10240xf32, #tpu.memory_space<vmem_shared>> -> memref<10240xf32, #tpu.memory_space<vmem_shared>>
    tpu.wait_indirect_dma semaphore(%arg29 : memref<!tpu.dma_semaphore, #tpu.memory_space<semaphore_mem>>) src(%arg14 : memref<80xf32, #tpu.memory_space<vmem>>) dst(%dma_wait3A_167 : memref<10240xf32, #tpu.memory_space<vmem_shared>>)
    %dma_wait3A_168 = arith.constant 0 : i32
    %dma_wait3A_169 = arith.constant 0 : i32
    %dma_wait3A_170 = tpu.memref_slice %arg21[%dma_wait3A_168, %dma_wait3A_169] : memref<10240x128xf32, #tpu.memory_space<vmem_shared>> -> memref<10240x128xf32, #tpu.memory_space<vmem_shared>>
    tpu.wait_indirect_dma semaphore(%arg29 : memref<!tpu.dma_semaphore, #tpu.memory_space<semaphore_mem>>) src(%arg17 : memref<80x128xf32, #tpu.memory_space<vmem>>) dst(%dma_wait3A_170 : memref<10240x128xf32, #tpu.memory_space<vmem_shared>>)
    %dma_wait3A_171 = arith.constant 0 : i32
    %dma_wait3A_172 = tpu.memref_slice %arg22[%dma_wait3A_171] : memref<10240xf32, #tpu.memory_space<vmem_shared>> -> memref<10240xf32, #tpu.memory_space<vmem_shared>>
    tpu.wait_indirect_dma semaphore(%arg30 : memref<!tpu.dma_semaphore, #tpu.memory_space<semaphore_mem>>) src(%arg15 : memref<80xf32, #tpu.memory_space<vmem>>) dst(%dma_wait3A_172 : memref<10240xf32, #tpu.memory_space<vmem_shared>>)
    %dma_wait3A_173 = arith.constant 0 : i32
    %dma_wait3A_174 = arith.constant 0 : i32
    %dma_wait3A_175 = tpu.memref_slice %arg21[%dma_wait3A_173, %dma_wait3A_174] : memref<10240x128xf32, #tpu.memory_space<vmem_shared>> -> memref<10240x128xf32, #tpu.memory_space<vmem_shared>>
    tpu.wait_indirect_dma semaphore(%arg30 : memref<!tpu.dma_semaphore, #tpu.memory_space<semaphore_mem>>) src(%arg18 : memref<80x128xf32, #tpu.memory_space<vmem>>) dst(%dma_wait3A_175 : memref<10240x128xf32, #tpu.memory_space<vmem_shared>>)
    %dma_wait3A_176 = arith.constant 0 : i32
    %dma_wait3A_177 = tpu.memref_slice %arg22[%dma_wait3A_176] : memref<10240xf32, #tpu.memory_space<vmem_shared>> -> memref<10240xf32, #tpu.memory_space<vmem_shared>>
    tpu.wait_indirect_dma semaphore(%arg31 : memref<!tpu.dma_semaphore, #tpu.memory_space<semaphore_mem>>) src(%arg16 : memref<80xf32, #tpu.memory_space<vmem>>) dst(%dma_wait3A_177 : memref<10240xf32, #tpu.memory_space<vmem_shared>>)
    %dma_wait3A_178 = arith.constant 0 : i32
    %dma_wait3A_179 = arith.constant 0 : i32
    %dma_wait3A_180 = tpu.memref_slice %arg21[%dma_wait3A_178, %dma_wait3A_179] : memref<10240x128xf32, #tpu.memory_space<vmem_shared>> -> memref<10240x128xf32, #tpu.memory_space<vmem_shared>>
    tpu.wait_indirect_dma semaphore(%arg31 : memref<!tpu.dma_semaphore, #tpu.memory_space<semaphore_mem>>) src(%arg19 : memref<80x128xf32, #tpu.memory_space<vmem>>) dst(%dma_wait3A_180 : memref<10240x128xf32, #tpu.memory_space<vmem_shared>>)
    %barrier3A_181 = arith.constant 0 : index
    tpu.barrier barrier_id(%barrier3A_181)
    %add3A_182 = arith.constant 0 : i32
    %add3A_183 = arith.addi %mul3A_2, %add3A_182 : i32
    "tpu.region"() ({
      %run_scoped3A = tpu.sem_alloc : memref<!tpu.dma_semaphore, #tpu.memory_space<semaphore_mem>>
      %dma_start3A_294 = arith.constant 0 : i32
      %dma_start3A_295 = tpu.memref_slice %arg21[%add3A_183, %dma_start3A_294] : memref<10240x128xf32, #tpu.memory_space<vmem_shared>> -> memref<80x128xf32, #tpu.memory_space<vmem_shared>>
      %dma_start3A_296 = arith.constant 0 : i32
      %dma_start3A_297 = tpu.memref_slice %arg21[%add3A_183, %dma_start3A_296] : memref<10240x128xf32, #tpu.memory_space<vmem_shared>> -> memref<80x128xf32, #tpu.memory_space<vmem_shared>>
      tpu.enqueue_dma source(%dma_start3A_297 : memref<80x128xf32, #tpu.memory_space<vmem_shared>>) target(%arg17 : memref<80x128xf32, #tpu.memory_space<vmem>>) target_semaphore(%run_scoped3A : memref<!tpu.dma_semaphore, #tpu.memory_space<semaphore_mem>>)
      %dma_wait3A_298 = arith.constant 0 : i32
      %dma_wait3A_299 = tpu.memref_slice %arg21[%add3A_183, %dma_wait3A_298] : memref<10240x128xf32, #tpu.memory_space<vmem_shared>> -> memref<80x128xf32, #tpu.memory_space<vmem_shared>>
      %dma_wait3A_300 = arith.constant 0 : i32
      %dma_wait3A_301 = tpu.memref_slice %arg21[%add3A_183, %dma_wait3A_300] : memref<10240x128xf32, #tpu.memory_space<vmem_shared>> -> memref<80x128xf32, #tpu.memory_space<vmem_shared>>
      tpu.wait_dma2 semaphore(%run_scoped3A : memref<!tpu.dma_semaphore, #tpu.memory_space<semaphore_mem>>) src(%dma_wait3A_301 : memref<80x128xf32, #tpu.memory_space<vmem_shared>>) dst(%arg17 : memref<80x128xf32, #tpu.memory_space<vmem>>)
      tpu.yield
    }) : () -> ()
    %dma_start3A_184 = arith.constant 0 : i32
    %dma_start3A_185 = tpu.memref_slice %arg5[%arg0, %add3A_183, %dma_start3A_184] : memref<2x10240x128xf32, #tpu.memory_space<hbm>> -> memref<1x80x128xf32, #tpu.memory_space<hbm>>
    %dma_start3A_186 = tpu.memref_squeeze %dma_start3A_185 : memref<1x80x128xf32, #tpu.memory_space<hbm>> -> memref<80x128xf32, #tpu.memory_space<hbm>>
    %dma_start3A_187 = arith.constant 0 : i32
    %dma_start3A_188 = tpu.memref_slice %arg5[%arg0, %add3A_183, %dma_start3A_187] : memref<2x10240x128xf32, #tpu.memory_space<hbm>> -> memref<1x80x128xf32, #tpu.memory_space<hbm>>
    %dma_start3A_189 = tpu.memref_squeeze %dma_start3A_188 : memref<1x80x128xf32, #tpu.memory_space<hbm>> -> memref<80x128xf32, #tpu.memory_space<hbm>>
    tpu.enqueue_dma source(%arg17 : memref<80x128xf32, #tpu.memory_space<vmem>>) target(%dma_start3A_189 : memref<80x128xf32, #tpu.memory_space<hbm>>) target_semaphore(%arg26 : memref<!tpu.dma_semaphore, #tpu.memory_space<semaphore_mem>>)
    %add3A_190 = arith.constant 80 : i32
    %add3A_191 = arith.addi %mul3A_2, %add3A_190 : i32
    "tpu.region"() ({
      %run_scoped3A = tpu.sem_alloc : memref<!tpu.dma_semaphore, #tpu.memory_space<semaphore_mem>>
      %dma_start3A_294 = arith.constant 0 : i32
      %dma_start3A_295 = tpu.memref_slice %arg21[%add3A_191, %dma_start3A_294] : memref<10240x128xf32, #tpu.memory_space<vmem_shared>> -> memref<80x128xf32, #tpu.memory_space<vmem_shared>>
      %dma_start3A_296 = arith.constant 0 : i32
      %dma_start3A_297 = tpu.memref_slice %arg21[%add3A_191, %dma_start3A_296] : memref<10240x128xf32, #tpu.memory_space<vmem_shared>> -> memref<80x128xf32, #tpu.memory_space<vmem_shared>>
      tpu.enqueue_dma source(%dma_start3A_297 : memref<80x128xf32, #tpu.memory_space<vmem_shared>>) target(%arg18 : memref<80x128xf32, #tpu.memory_space<vmem>>) target_semaphore(%run_scoped3A : memref<!tpu.dma_semaphore, #tpu.memory_space<semaphore_mem>>)
      %dma_wait3A_298 = arith.constant 0 : i32
      %dma_wait3A_299 = tpu.memref_slice %arg21[%add3A_191, %dma_wait3A_298] : memref<10240x128xf32, #tpu.memory_space<vmem_shared>> -> memref<80x128xf32, #tpu.memory_space<vmem_shared>>
      %dma_wait3A_300 = arith.constant 0 : i32
      %dma_wait3A_301 = tpu.memref_slice %arg21[%add3A_191, %dma_wait3A_300] : memref<10240x128xf32, #tpu.memory_space<vmem_shared>> -> memref<80x128xf32, #tpu.memory_space<vmem_shared>>
      tpu.wait_dma2 semaphore(%run_scoped3A : memref<!tpu.dma_semaphore, #tpu.memory_space<semaphore_mem>>) src(%dma_wait3A_301 : memref<80x128xf32, #tpu.memory_space<vmem_shared>>) dst(%arg18 : memref<80x128xf32, #tpu.memory_space<vmem>>)
      tpu.yield
    }) : () -> ()
    %dma_start3A_192 = arith.constant 0 : i32
    %dma_start3A_193 = tpu.memref_slice %arg5[%arg0, %add3A_191, %dma_start3A_192] : memref<2x10240x128xf32, #tpu.memory_space<hbm>> -> memref<1x80x128xf32, #tpu.memory_space<hbm>>
    %dma_start3A_194 = tpu.memref_squeeze %dma_start3A_193 : memref<1x80x128xf32, #tpu.memory_space<hbm>> -> memref<80x128xf32, #tpu.memory_space<hbm>>
    %dma_start3A_195 = arith.constant 0 : i32
    %dma_start3A_196 = tpu.memref_slice %arg5[%arg0, %add3A_191, %dma_start3A_195] : memref<2x10240x128xf32, #tpu.memory_space<hbm>> -> memref<1x80x128xf32, #tpu.memory_space<hbm>>
    %dma_start3A_197 = tpu.memref_squeeze %dma_start3A_196 : memref<1x80x128xf32, #tpu.memory_space<hbm>> -> memref<80x128xf32, #tpu.memory_space<hbm>>
    tpu.enqueue_dma source(%arg18 : memref<80x128xf32, #tpu.memory_space<vmem>>) target(%dma_start3A_197 : memref<80x128xf32, #tpu.memory_space<hbm>>) target_semaphore(%arg27 : memref<!tpu.dma_semaphore, #tpu.memory_space<semaphore_mem>>)
    %add3A_198 = arith.constant 160 : i32
    %add3A_199 = arith.addi %mul3A_2, %add3A_198 : i32
    "tpu.region"() ({
      %run_scoped3A = tpu.sem_alloc : memref<!tpu.dma_semaphore, #tpu.memory_space<semaphore_mem>>
      %dma_start3A_294 = arith.constant 0 : i32
      %dma_start3A_295 = tpu.memref_slice %arg21[%add3A_199, %dma_start3A_294] : memref<10240x128xf32, #tpu.memory_space<vmem_shared>> -> memref<80x128xf32, #tpu.memory_space<vmem_shared>>
      %dma_start3A_296 = arith.constant 0 : i32
      %dma_start3A_297 = tpu.memref_slice %arg21[%add3A_199, %dma_start3A_296] : memref<10240x128xf32, #tpu.memory_space<vmem_shared>> -> memref<80x128xf32, #tpu.memory_space<vmem_shared>>
      tpu.enqueue_dma source(%dma_start3A_297 : memref<80x128xf32, #tpu.memory_space<vmem_shared>>) target(%arg19 : memref<80x128xf32, #tpu.memory_space<vmem>>) target_semaphore(%run_scoped3A : memref<!tpu.dma_semaphore, #tpu.memory_space<semaphore_mem>>)
      %dma_wait3A_298 = arith.constant 0 : i32
      %dma_wait3A_299 = tpu.memref_slice %arg21[%add3A_199, %dma_wait3A_298] : memref<10240x128xf32, #tpu.memory_space<vmem_shared>> -> memref<80x128xf32, #tpu.memory_space<vmem_shared>>
      %dma_wait3A_300 = arith.constant 0 : i32
      %dma_wait3A_301 = tpu.memref_slice %arg21[%add3A_199, %dma_wait3A_300] : memref<10240x128xf32, #tpu.memory_space<vmem_shared>> -> memref<80x128xf32, #tpu.memory_space<vmem_shared>>
      tpu.wait_dma2 semaphore(%run_scoped3A : memref<!tpu.dma_semaphore, #tpu.memory_space<semaphore_mem>>) src(%dma_wait3A_301 : memref<80x128xf32, #tpu.memory_space<vmem_shared>>) dst(%arg19 : memref<80x128xf32, #tpu.memory_space<vmem>>)
      tpu.yield
    }) : () -> ()
    %dma_start3A_200 = arith.constant 0 : i32
    %dma_start3A_201 = tpu.memref_slice %arg5[%arg0, %add3A_199, %dma_start3A_200] : memref<2x10240x128xf32, #tpu.memory_space<hbm>> -> memref<1x80x128xf32, #tpu.memory_space<hbm>>
    %dma_start3A_202 = tpu.memref_squeeze %dma_start3A_201 : memref<1x80x128xf32, #tpu.memory_space<hbm>> -> memref<80x128xf32, #tpu.memory_space<hbm>>
    %dma_start3A_203 = arith.constant 0 : i32
    %dma_start3A_204 = tpu.memref_slice %arg5[%arg0, %add3A_199, %dma_start3A_203] : memref<2x10240x128xf32, #tpu.memory_space<hbm>> -> memref<1x80x128xf32, #tpu.memory_space<hbm>>
    %dma_start3A_205 = tpu.memref_squeeze %dma_start3A_204 : memref<1x80x128xf32, #tpu.memory_space<hbm>> -> memref<80x128xf32, #tpu.memory_space<hbm>>
    tpu.enqueue_dma source(%arg19 : memref<80x128xf32, #tpu.memory_space<vmem>>) target(%dma_start3A_205 : memref<80x128xf32, #tpu.memory_space<hbm>>) target_semaphore(%arg28 : memref<!tpu.dma_semaphore, #tpu.memory_space<semaphore_mem>>)
    %add3A_206 = arith.constant 240 : i32
    %add3A_207 = arith.addi %mul3A_2, %add3A_206 : i32
    %dma_wait3A_208 = arith.constant 0 : i32
    %dma_wait3A_209 = tpu.memref_slice %arg5[%arg0, %add3A_183, %dma_wait3A_208] : memref<2x10240x128xf32, #tpu.memory_space<hbm>> -> memref<1x80x128xf32, #tpu.memory_space<hbm>>
    %dma_wait3A_210 = tpu.memref_squeeze %dma_wait3A_209 : memref<1x80x128xf32, #tpu.memory_space<hbm>> -> memref<80x128xf32, #tpu.memory_space<hbm>>
    %dma_wait3A_211 = arith.constant 0 : i32
    %dma_wait3A_212 = tpu.memref_slice %arg5[%arg0, %add3A_183, %dma_wait3A_211] : memref<2x10240x128xf32, #tpu.memory_space<hbm>> -> memref<1x80x128xf32, #tpu.memory_space<hbm>>
    %dma_wait3A_213 = tpu.memref_squeeze %dma_wait3A_212 : memref<1x80x128xf32, #tpu.memory_space<hbm>> -> memref<80x128xf32, #tpu.memory_space<hbm>>
    tpu.wait_dma2 semaphore(%arg26 : memref<!tpu.dma_semaphore, #tpu.memory_space<semaphore_mem>>) src(%arg17 : memref<80x128xf32, #tpu.memory_space<vmem>>) dst(%dma_wait3A_213 : memref<80x128xf32, #tpu.memory_space<hbm>>)
    "tpu.region"() ({
      %run_scoped3A = tpu.sem_alloc : memref<!tpu.dma_semaphore, #tpu.memory_space<semaphore_mem>>
      %dma_start3A_294 = arith.constant 0 : i32
      %dma_start3A_295 = tpu.memref_slice %arg21[%add3A_207, %dma_start3A_294] : memref<10240x128xf32, #tpu.memory_space<vmem_shared>> -> memref<80x128xf32, #tpu.memory_space<vmem_shared>>
      %dma_start3A_296 = arith.constant 0 : i32
      %dma_start3A_297 = tpu.memref_slice %arg21[%add3A_207, %dma_start3A_296] : memref<10240x128xf32, #tpu.memory_space<vmem_shared>> -> memref<80x128xf32, #tpu.memory_space<vmem_shared>>
      tpu.enqueue_dma source(%dma_start3A_297 : memref<80x128xf32, #tpu.memory_space<vmem_shared>>) target(%arg17 : memref<80x128xf32, #tpu.memory_space<vmem>>) target_semaphore(%run_scoped3A : memref<!tpu.dma_semaphore, #tpu.memory_space<semaphore_mem>>)
      %dma_wait3A_298 = arith.constant 0 : i32
      %dma_wait3A_299 = tpu.memref_slice %arg21[%add3A_207, %dma_wait3A_298] : memref<10240x128xf32, #tpu.memory_space<vmem_shared>> -> memref<80x128xf32, #tpu.memory_space<vmem_shared>>
      %dma_wait3A_300 = arith.constant 0 : i32
      %dma_wait3A_301 = tpu.memref_slice %arg21[%add3A_207, %dma_wait3A_300] : memref<10240x128xf32, #tpu.memory_space<vmem_shared>> -> memref<80x128xf32, #tpu.memory_space<vmem_shared>>
      tpu.wait_dma2 semaphore(%run_scoped3A : memref<!tpu.dma_semaphore, #tpu.memory_space<semaphore_mem>>) src(%dma_wait3A_301 : memref<80x128xf32, #tpu.memory_space<vmem_shared>>) dst(%arg17 : memref<80x128xf32, #tpu.memory_space<vmem>>)
      tpu.yield
    }) : () -> ()
    %dma_start3A_214 = arith.constant 0 : i32
    %dma_start3A_215 = tpu.memref_slice %arg5[%arg0, %add3A_207, %dma_start3A_214] : memref<2x10240x128xf32, #tpu.memory_space<hbm>> -> memref<1x80x128xf32, #tpu.memory_space<hbm>>
    %dma_start3A_216 = tpu.memref_squeeze %dma_start3A_215 : memref<1x80x128xf32, #tpu.memory_space<hbm>> -> memref<80x128xf32, #tpu.memory_space<hbm>>
    %dma_start3A_217 = arith.constant 0 : i32
    %dma_start3A_218 = tpu.memref_slice %arg5[%arg0, %add3A_207, %dma_start3A_217] : memref<2x10240x128xf32, #tpu.memory_space<hbm>> -> memref<1x80x128xf32, #tpu.memory_space<hbm>>
    %dma_start3A_219 = tpu.memref_squeeze %dma_start3A_218 : memref<1x80x128xf32, #tpu.memory_space<hbm>> -> memref<80x128xf32, #tpu.memory_space<hbm>>
    tpu.enqueue_dma source(%arg17 : memref<80x128xf32, #tpu.memory_space<vmem>>) target(%dma_start3A_219 : memref<80x128xf32, #tpu.memory_space<hbm>>) target_semaphore(%arg26 : memref<!tpu.dma_semaphore, #tpu.memory_space<semaphore_mem>>)
    %add3A_220 = arith.constant 320 : i32
    %add3A_221 = arith.addi %mul3A_2, %add3A_220 : i32
    %dma_wait3A_222 = arith.constant 0 : i32
    %dma_wait3A_223 = tpu.memref_slice %arg5[%arg0, %add3A_191, %dma_wait3A_222] : memref<2x10240x128xf32, #tpu.memory_space<hbm>> -> memref<1x80x128xf32, #tpu.memory_space<hbm>>
    %dma_wait3A_224 = tpu.memref_squeeze %dma_wait3A_223 : memref<1x80x128xf32, #tpu.memory_space<hbm>> -> memref<80x128xf32, #tpu.memory_space<hbm>>
    %dma_wait3A_225 = arith.constant 0 : i32
    %dma_wait3A_226 = tpu.memref_slice %arg5[%arg0, %add3A_191, %dma_wait3A_225] : memref<2x10240x128xf32, #tpu.memory_space<hbm>> -> memref<1x80x128xf32, #tpu.memory_space<hbm>>
    %dma_wait3A_227 = tpu.memref_squeeze %dma_wait3A_226 : memref<1x80x128xf32, #tpu.memory_space<hbm>> -> memref<80x128xf32, #tpu.memory_space<hbm>>
    tpu.wait_dma2 semaphore(%arg27 : memref<!tpu.dma_semaphore, #tpu.memory_space<semaphore_mem>>) src(%arg18 : memref<80x128xf32, #tpu.memory_space<vmem>>) dst(%dma_wait3A_227 : memref<80x128xf32, #tpu.memory_space<hbm>>)
    "tpu.region"() ({
      %run_scoped3A = tpu.sem_alloc : memref<!tpu.dma_semaphore, #tpu.memory_space<semaphore_mem>>
      %dma_start3A_294 = arith.constant 0 : i32
      %dma_start3A_295 = tpu.memref_slice %arg21[%add3A_221, %dma_start3A_294] : memref<10240x128xf32, #tpu.memory_space<vmem_shared>> -> memref<80x128xf32, #tpu.memory_space<vmem_shared>>
      %dma_start3A_296 = arith.constant 0 : i32
      %dma_start3A_297 = tpu.memref_slice %arg21[%add3A_221, %dma_start3A_296] : memref<10240x128xf32, #tpu.memory_space<vmem_shared>> -> memref<80x128xf32, #tpu.memory_space<vmem_shared>>
      tpu.enqueue_dma source(%dma_start3A_297 : memref<80x128xf32, #tpu.memory_space<vmem_shared>>) target(%arg18 : memref<80x128xf32, #tpu.memory_space<vmem>>) target_semaphore(%run_scoped3A : memref<!tpu.dma_semaphore, #tpu.memory_space<semaphore_mem>>)
      %dma_wait3A_298 = arith.constant 0 : i32
      %dma_wait3A_299 = tpu.memref_slice %arg21[%add3A_221, %dma_wait3A_298] : memref<10240x128xf32, #tpu.memory_space<vmem_shared>> -> memref<80x128xf32, #tpu.memory_space<vmem_shared>>
      %dma_wait3A_300 = arith.constant 0 : i32
      %dma_wait3A_301 = tpu.memref_slice %arg21[%add3A_221, %dma_wait3A_300] : memref<10240x128xf32, #tpu.memory_space<vmem_shared>> -> memref<80x128xf32, #tpu.memory_space<vmem_shared>>
      tpu.wait_dma2 semaphore(%run_scoped3A : memref<!tpu.dma_semaphore, #tpu.memory_space<semaphore_mem>>) src(%dma_wait3A_301 : memref<80x128xf32, #tpu.memory_space<vmem_shared>>) dst(%arg18 : memref<80x128xf32, #tpu.memory_space<vmem>>)
      tpu.yield
    }) : () -> ()
    %dma_start3A_228 = arith.constant 0 : i32
    %dma_start3A_229 = tpu.memref_slice %arg5[%arg0, %add3A_221, %dma_start3A_228] : memref<2x10240x128xf32, #tpu.memory_space<hbm>> -> memref<1x80x128xf32, #tpu.memory_space<hbm>>
    %dma_start3A_230 = tpu.memref_squeeze %dma_start3A_229 : memref<1x80x128xf32, #tpu.memory_space<hbm>> -> memref<80x128xf32, #tpu.memory_space<hbm>>
    %dma_start3A_231 = arith.constant 0 : i32
    %dma_start3A_232 = tpu.memref_slice %arg5[%arg0, %add3A_221, %dma_start3A_231] : memref<2x10240x128xf32, #tpu.memory_space<hbm>> -> memref<1x80x128xf32, #tpu.memory_space<hbm>>
    %dma_start3A_233 = tpu.memref_squeeze %dma_start3A_232 : memref<1x80x128xf32, #tpu.memory_space<hbm>> -> memref<80x128xf32, #tpu.memory_space<hbm>>
    tpu.enqueue_dma source(%arg18 : memref<80x128xf32, #tpu.memory_space<vmem>>) target(%dma_start3A_233 : memref<80x128xf32, #tpu.memory_space<hbm>>) target_semaphore(%arg27 : memref<!tpu.dma_semaphore, #tpu.memory_space<semaphore_mem>>)
    %add3A_234 = arith.constant 400 : i32
    %add3A_235 = arith.addi %mul3A_2, %add3A_234 : i32
    %dma_wait3A_236 = arith.constant 0 : i32
    %dma_wait3A_237 = tpu.memref_slice %arg5[%arg0, %add3A_199, %dma_wait3A_236] : memref<2x10240x128xf32, #tpu.memory_space<hbm>> -> memref<1x80x128xf32, #tpu.memory_space<hbm>>
    %dma_wait3A_238 = tpu.memref_squeeze %dma_wait3A_237 : memref<1x80x128xf32, #tpu.memory_space<hbm>> -> memref<80x128xf32, #tpu.memory_space<hbm>>
    %dma_wait3A_239 = arith.constant 0 : i32
    %dma_wait3A_240 = tpu.memref_slice %arg5[%arg0, %add3A_199, %dma_wait3A_239] : memref<2x10240x128xf32, #tpu.memory_space<hbm>> -> memref<1x80x128xf32, #tpu.memory_space<hbm>>
    %dma_wait3A_241 = tpu.memref_squeeze %dma_wait3A_240 : memref<1x80x128xf32, #tpu.memory_space<hbm>> -> memref<80x128xf32, #tpu.memory_space<hbm>>
    tpu.wait_dma2 semaphore(%arg28 : memref<!tpu.dma_semaphore, #tpu.memory_space<semaphore_mem>>) src(%arg19 : memref<80x128xf32, #tpu.memory_space<vmem>>) dst(%dma_wait3A_241 : memref<80x128xf32, #tpu.memory_space<hbm>>)
    "tpu.region"() ({
      %run_scoped3A = tpu.sem_alloc : memref<!tpu.dma_semaphore, #tpu.memory_space<semaphore_mem>>
      %dma_start3A_294 = arith.constant 0 : i32
      %dma_start3A_295 = tpu.memref_slice %arg21[%add3A_235, %dma_start3A_294] : memref<10240x128xf32, #tpu.memory_space<vmem_shared>> -> memref<80x128xf32, #tpu.memory_space<vmem_shared>>
      %dma_start3A_296 = arith.constant 0 : i32
      %dma_start3A_297 = tpu.memref_slice %arg21[%add3A_235, %dma_start3A_296] : memref<10240x128xf32, #tpu.memory_space<vmem_shared>> -> memref<80x128xf32, #tpu.memory_space<vmem_shared>>
      tpu.enqueue_dma source(%dma_start3A_297 : memref<80x128xf32, #tpu.memory_space<vmem_shared>>) target(%arg19 : memref<80x128xf32, #tpu.memory_space<vmem>>) target_semaphore(%run_scoped3A : memref<!tpu.dma_semaphore, #tpu.memory_space<semaphore_mem>>)
      %dma_wait3A_298 = arith.constant 0 : i32
      %dma_wait3A_299 = tpu.memref_slice %arg21[%add3A_235, %dma_wait3A_298] : memref<10240x128xf32, #tpu.memory_space<vmem_shared>> -> memref<80x128xf32, #tpu.memory_space<vmem_shared>>
      %dma_wait3A_300 = arith.constant 0 : i32
      %dma_wait3A_301 = tpu.memref_slice %arg21[%add3A_235, %dma_wait3A_300] : memref<10240x128xf32, #tpu.memory_space<vmem_shared>> -> memref<80x128xf32, #tpu.memory_space<vmem_shared>>
      tpu.wait_dma2 semaphore(%run_scoped3A : memref<!tpu.dma_semaphore, #tpu.memory_space<semaphore_mem>>) src(%dma_wait3A_301 : memref<80x128xf32, #tpu.memory_space<vmem_shared>>) dst(%arg19 : memref<80x128xf32, #tpu.memory_space<vmem>>)
      tpu.yield
    }) : () -> ()
    %dma_start3A_242 = arith.constant 0 : i32
    %dma_start3A_243 = tpu.memref_slice %arg5[%arg0, %add3A_235, %dma_start3A_242] : memref<2x10240x128xf32, #tpu.memory_space<hbm>> -> memref<1x80x128xf32, #tpu.memory_space<hbm>>
    %dma_start3A_244 = tpu.memref_squeeze %dma_start3A_243 : memref<1x80x128xf32, #tpu.memory_space<hbm>> -> memref<80x128xf32, #tpu.memory_space<hbm>>
    %dma_start3A_245 = arith.constant 0 : i32
    %dma_start3A_246 = tpu.memref_slice %arg5[%arg0, %add3A_235, %dma_start3A_245] : memref<2x10240x128xf32, #tpu.memory_space<hbm>> -> memref<1x80x128xf32, #tpu.memory_space<hbm>>
    %dma_start3A_247 = tpu.memref_squeeze %dma_start3A_246 : memref<1x80x128xf32, #tpu.memory_space<hbm>> -> memref<80x128xf32, #tpu.memory_space<hbm>>
    tpu.enqueue_dma source(%arg19 : memref<80x128xf32, #tpu.memory_space<vmem>>) target(%dma_start3A_247 : memref<80x128xf32, #tpu.memory_space<hbm>>) target_semaphore(%arg28 : memref<!tpu.dma_semaphore, #tpu.memory_space<semaphore_mem>>)
    %add3A_248 = arith.constant 480 : i32
    %add3A_249 = arith.addi %mul3A_2, %add3A_248 : i32
    %dma_wait3A_250 = arith.constant 0 : i32
    %dma_wait3A_251 = tpu.memref_slice %arg5[%arg0, %add3A_207, %dma_wait3A_250] : memref<2x10240x128xf32, #tpu.memory_space<hbm>> -> memref<1x80x128xf32, #tpu.memory_space<hbm>>
    %dma_wait3A_252 = tpu.memref_squeeze %dma_wait3A_251 : memref<1x80x128xf32, #tpu.memory_space<hbm>> -> memref<80x128xf32, #tpu.memory_space<hbm>>
    %dma_wait3A_253 = arith.constant 0 : i32
    %dma_wait3A_254 = tpu.memref_slice %arg5[%arg0, %add3A_207, %dma_wait3A_253] : memref<2x10240x128xf32, #tpu.memory_space<hbm>> -> memref<1x80x128xf32, #tpu.memory_space<hbm>>
    %dma_wait3A_255 = tpu.memref_squeeze %dma_wait3A_254 : memref<1x80x128xf32, #tpu.memory_space<hbm>> -> memref<80x128xf32, #tpu.memory_space<hbm>>
    tpu.wait_dma2 semaphore(%arg26 : memref<!tpu.dma_semaphore, #tpu.memory_space<semaphore_mem>>) src(%arg17 : memref<80x128xf32, #tpu.memory_space<vmem>>) dst(%dma_wait3A_255 : memref<80x128xf32, #tpu.memory_space<hbm>>)
    "tpu.region"() ({
      %run_scoped3A = tpu.sem_alloc : memref<!tpu.dma_semaphore, #tpu.memory_space<semaphore_mem>>
      %dma_start3A_294 = arith.constant 0 : i32
      %dma_start3A_295 = tpu.memref_slice %arg21[%add3A_249, %dma_start3A_294] : memref<10240x128xf32, #tpu.memory_space<vmem_shared>> -> memref<80x128xf32, #tpu.memory_space<vmem_shared>>
      %dma_start3A_296 = arith.constant 0 : i32
      %dma_start3A_297 = tpu.memref_slice %arg21[%add3A_249, %dma_start3A_296] : memref<10240x128xf32, #tpu.memory_space<vmem_shared>> -> memref<80x128xf32, #tpu.memory_space<vmem_shared>>
      tpu.enqueue_dma source(%dma_start3A_297 : memref<80x128xf32, #tpu.memory_space<vmem_shared>>) target(%arg17 : memref<80x128xf32, #tpu.memory_space<vmem>>) target_semaphore(%run_scoped3A : memref<!tpu.dma_semaphore, #tpu.memory_space<semaphore_mem>>)
      %dma_wait3A_298 = arith.constant 0 : i32
      %dma_wait3A_299 = tpu.memref_slice %arg21[%add3A_249, %dma_wait3A_298] : memref<10240x128xf32, #tpu.memory_space<vmem_shared>> -> memref<80x128xf32, #tpu.memory_space<vmem_shared>>
      %dma_wait3A_300 = arith.constant 0 : i32
      %dma_wait3A_301 = tpu.memref_slice %arg21[%add3A_249, %dma_wait3A_300] : memref<10240x128xf32, #tpu.memory_space<vmem_shared>> -> memref<80x128xf32, #tpu.memory_space<vmem_shared>>
      tpu.wait_dma2 semaphore(%run_scoped3A : memref<!tpu.dma_semaphore, #tpu.memory_space<semaphore_mem>>) src(%dma_wait3A_301 : memref<80x128xf32, #tpu.memory_space<vmem_shared>>) dst(%arg17 : memref<80x128xf32, #tpu.memory_space<vmem>>)
      tpu.yield
    }) : () -> ()
    %dma_start3A_256 = arith.constant 0 : i32
    %dma_start3A_257 = tpu.memref_slice %arg5[%arg0, %add3A_249, %dma_start3A_256] : memref<2x10240x128xf32, #tpu.memory_space<hbm>> -> memref<1x80x128xf32, #tpu.memory_space<hbm>>
    %dma_start3A_258 = tpu.memref_squeeze %dma_start3A_257 : memref<1x80x128xf32, #tpu.memory_space<hbm>> -> memref<80x128xf32, #tpu.memory_space<hbm>>
    %dma_start3A_259 = arith.constant 0 : i32
    %dma_start3A_260 = tpu.memref_slice %arg5[%arg0, %add3A_249, %dma_start3A_259] : memref<2x10240x128xf32, #tpu.memory_space<hbm>> -> memref<1x80x128xf32, #tpu.memory_space<hbm>>
    %dma_start3A_261 = tpu.memref_squeeze %dma_start3A_260 : memref<1x80x128xf32, #tpu.memory_space<hbm>> -> memref<80x128xf32, #tpu.memory_space<hbm>>
    tpu.enqueue_dma source(%arg17 : memref<80x128xf32, #tpu.memory_space<vmem>>) target(%dma_start3A_261 : memref<80x128xf32, #tpu.memory_space<hbm>>) target_semaphore(%arg26 : memref<!tpu.dma_semaphore, #tpu.memory_space<semaphore_mem>>)
    %add3A_262 = arith.constant 560 : i32
    %add3A_263 = arith.addi %mul3A_2, %add3A_262 : i32
    %dma_wait3A_264 = arith.constant 0 : i32
    %dma_wait3A_265 = tpu.memref_slice %arg5[%arg0, %add3A_221, %dma_wait3A_264] : memref<2x10240x128xf32, #tpu.memory_space<hbm>> -> memref<1x80x128xf32, #tpu.memory_space<hbm>>
    %dma_wait3A_266 = tpu.memref_squeeze %dma_wait3A_265 : memref<1x80x128xf32, #tpu.memory_space<hbm>> -> memref<80x128xf32, #tpu.memory_space<hbm>>
    %dma_wait3A_267 = arith.constant 0 : i32
    %dma_wait3A_268 = tpu.memref_slice %arg5[%arg0, %add3A_221, %dma_wait3A_267] : memref<2x10240x128xf32, #tpu.memory_space<hbm>> -> memref<1x80x128xf32, #tpu.memory_space<hbm>>
    %dma_wait3A_269 = tpu.memref_squeeze %dma_wait3A_268 : memref<1x80x128xf32, #tpu.memory_space<hbm>> -> memref<80x128xf32, #tpu.memory_space<hbm>>
    tpu.wait_dma2 semaphore(%arg27 : memref<!tpu.dma_semaphore, #tpu.memory_space<semaphore_mem>>) src(%arg18 : memref<80x128xf32, #tpu.memory_space<vmem>>) dst(%dma_wait3A_269 : memref<80x128xf32, #tpu.memory_space<hbm>>)
    "tpu.region"() ({
      %run_scoped3A = tpu.sem_alloc : memref<!tpu.dma_semaphore, #tpu.memory_space<semaphore_mem>>
      %dma_start3A_294 = arith.constant 0 : i32
      %dma_start3A_295 = tpu.memref_slice %arg21[%add3A_263, %dma_start3A_294] : memref<10240x128xf32, #tpu.memory_space<vmem_shared>> -> memref<80x128xf32, #tpu.memory_space<vmem_shared>>
      %dma_start3A_296 = arith.constant 0 : i32
      %dma_start3A_297 = tpu.memref_slice %arg21[%add3A_263, %dma_start3A_296] : memref<10240x128xf32, #tpu.memory_space<vmem_shared>> -> memref<80x128xf32, #tpu.memory_space<vmem_shared>>
      tpu.enqueue_dma source(%dma_start3A_297 : memref<80x128xf32, #tpu.memory_space<vmem_shared>>) target(%arg18 : memref<80x128xf32, #tpu.memory_space<vmem>>) target_semaphore(%run_scoped3A : memref<!tpu.dma_semaphore, #tpu.memory_space<semaphore_mem>>)
      %dma_wait3A_298 = arith.constant 0 : i32
      %dma_wait3A_299 = tpu.memref_slice %arg21[%add3A_263, %dma_wait3A_298] : memref<10240x128xf32, #tpu.memory_space<vmem_shared>> -> memref<80x128xf32, #tpu.memory_space<vmem_shared>>
      %dma_wait3A_300 = arith.constant 0 : i32
      %dma_wait3A_301 = tpu.memref_slice %arg21[%add3A_263, %dma_wait3A_300] : memref<10240x128xf32, #tpu.memory_space<vmem_shared>> -> memref<80x128xf32, #tpu.memory_space<vmem_shared>>
      tpu.wait_dma2 semaphore(%run_scoped3A : memref<!tpu.dma_semaphore, #tpu.memory_space<semaphore_mem>>) src(%dma_wait3A_301 : memref<80x128xf32, #tpu.memory_space<vmem_shared>>) dst(%arg18 : memref<80x128xf32, #tpu.memory_space<vmem>>)
      tpu.yield
    }) : () -> ()
    %dma_start3A_270 = arith.constant 0 : i32
    %dma_start3A_271 = tpu.memref_slice %arg5[%arg0, %add3A_263, %dma_start3A_270] : memref<2x10240x128xf32, #tpu.memory_space<hbm>> -> memref<1x80x128xf32, #tpu.memory_space<hbm>>
    %dma_start3A_272 = tpu.memref_squeeze %dma_start3A_271 : memref<1x80x128xf32, #tpu.memory_space<hbm>> -> memref<80x128xf32, #tpu.memory_space<hbm>>
    %dma_start3A_273 = arith.constant 0 : i32
    %dma_start3A_274 = tpu.memref_slice %arg5[%arg0, %add3A_263, %dma_start3A_273] : memref<2x10240x128xf32, #tpu.memory_space<hbm>> -> memref<1x80x128xf32, #tpu.memory_space<hbm>>
    %dma_start3A_275 = tpu.memref_squeeze %dma_start3A_274 : memref<1x80x128xf32, #tpu.memory_space<hbm>> -> memref<80x128xf32, #tpu.memory_space<hbm>>
    tpu.enqueue_dma source(%arg18 : memref<80x128xf32, #tpu.memory_space<vmem>>) target(%dma_start3A_275 : memref<80x128xf32, #tpu.memory_space<hbm>>) target_semaphore(%arg27 : memref<!tpu.dma_semaphore, #tpu.memory_space<semaphore_mem>>)
    "tpu.region"() ({
      %run_scoped3A = tpu.sem_alloc : memref<!tpu.dma_semaphore, #tpu.memory_space<semaphore_mem>>
      %dma_start3A_294 = tpu.memref_slice %arg22[%mul3A_2] : memref<10240xf32, #tpu.memory_space<vmem_shared>> -> memref<640xf32, #tpu.memory_space<vmem_shared>>
      %dma_start3A_295 = tpu.memref_slice %arg22[%mul3A_2] : memref<10240xf32, #tpu.memory_space<vmem_shared>> -> memref<640xf32, #tpu.memory_space<vmem_shared>>
      tpu.enqueue_dma source(%dma_start3A_295 : memref<640xf32, #tpu.memory_space<vmem_shared>>) target(%arg20 : memref<640xf32, #tpu.memory_space<vmem>>) target_semaphore(%run_scoped3A : memref<!tpu.dma_semaphore, #tpu.memory_space<semaphore_mem>>)
      %dma_wait3A_296 = tpu.memref_slice %arg22[%mul3A_2] : memref<10240xf32, #tpu.memory_space<vmem_shared>> -> memref<640xf32, #tpu.memory_space<vmem_shared>>
      %dma_wait3A_297 = tpu.memref_slice %arg22[%mul3A_2] : memref<10240xf32, #tpu.memory_space<vmem_shared>> -> memref<640xf32, #tpu.memory_space<vmem_shared>>
      tpu.wait_dma2 semaphore(%run_scoped3A : memref<!tpu.dma_semaphore, #tpu.memory_space<semaphore_mem>>) src(%dma_wait3A_297 : memref<640xf32, #tpu.memory_space<vmem_shared>>) dst(%arg20 : memref<640xf32, #tpu.memory_space<vmem>>)
      tpu.yield
    }) : () -> ()
    "tpu.region"() ({
      %run_scoped3A = tpu.sem_alloc : memref<!tpu.dma_semaphore, #tpu.memory_space<semaphore_mem>>
      %dma_start3A_294 = tpu.memref_slice %arg6[%arg0, %mul3A_2] : memref<2x10240xf32, #tpu.memory_space<hbm>> -> memref<1x640xf32, #tpu.memory_space<hbm>>
      %dma_start3A_295 = tpu.memref_squeeze %dma_start3A_294 : memref<1x640xf32, #tpu.memory_space<hbm>> -> memref<640xf32, #tpu.memory_space<hbm>>
      %dma_start3A_296 = tpu.memref_slice %arg6[%arg0, %mul3A_2] : memref<2x10240xf32, #tpu.memory_space<hbm>> -> memref<1x640xf32, #tpu.memory_space<hbm>>
      %dma_start3A_297 = tpu.memref_squeeze %dma_start3A_296 : memref<1x640xf32, #tpu.memory_space<hbm>> -> memref<640xf32, #tpu.memory_space<hbm>>
      tpu.enqueue_dma source(%arg20 : memref<640xf32, #tpu.memory_space<vmem>>) target(%dma_start3A_297 : memref<640xf32, #tpu.memory_space<hbm>>) target_semaphore(%run_scoped3A : memref<!tpu.dma_semaphore, #tpu.memory_space<semaphore_mem>>)
      %dma_wait3A_298 = tpu.memref_slice %arg6[%arg0, %mul3A_2] : memref<2x10240xf32, #tpu.memory_space<hbm>> -> memref<1x640xf32, #tpu.memory_space<hbm>>
      %dma_wait3A_299 = tpu.memref_squeeze %dma_wait3A_298 : memref<1x640xf32, #tpu.memory_space<hbm>> -> memref<640xf32, #tpu.memory_space<hbm>>
      %dma_wait3A_300 = tpu.memref_slice %arg6[%arg0, %mul3A_2] : memref<2x10240xf32, #tpu.memory_space<hbm>> -> memref<1x640xf32, #tpu.memory_space<hbm>>
      %dma_wait3A_301 = tpu.memref_squeeze %dma_wait3A_300 : memref<1x640xf32, #tpu.memory_space<hbm>> -> memref<640xf32, #tpu.memory_space<hbm>>
      tpu.wait_dma2 semaphore(%run_scoped3A : memref<!tpu.dma_semaphore, #tpu.memory_space<semaphore_mem>>) src(%arg20 : memref<640xf32, #tpu.memory_space<vmem>>) dst(%dma_wait3A_301 : memref<640xf32, #tpu.memory_space<hbm>>)
      tpu.yield
    }) : () -> ()
    %dma_wait3A_276 = arith.constant 0 : i32
    %dma_wait3A_277 = tpu.memref_slice %arg5[%arg0, %add3A_235, %dma_wait3A_276] : memref<2x10240x128xf32, #tpu.memory_space<hbm>> -> memref<1x80x128xf32, #tpu.memory_space<hbm>>
    %dma_wait3A_278 = tpu.memref_squeeze %dma_wait3A_277 : memref<1x80x128xf32, #tpu.memory_space<hbm>> -> memref<80x128xf32, #tpu.memory_space<hbm>>
    %dma_wait3A_279 = arith.constant 0 : i32
    %dma_wait3A_280 = tpu.memref_slice %arg5[%arg0, %add3A_235, %dma_wait3A_279] : memref<2x10240x128xf32, #tpu.memory_space<hbm>> -> memref<1x80x128xf32, #tpu.memory_space<hbm>>
    %dma_wait3A_281 = tpu.memref_squeeze %dma_wait3A_280 : memref<1x80x128xf32, #tpu.memory_space<hbm>> -> memref<80x128xf32, #tpu.memory_space<hbm>>
    tpu.wait_dma2 semaphore(%arg28 : memref<!tpu.dma_semaphore, #tpu.memory_space<semaphore_mem>>) src(%arg19 : memref<80x128xf32, #tpu.memory_space<vmem>>) dst(%dma_wait3A_281 : memref<80x128xf32, #tpu.memory_space<hbm>>)
    %dma_wait3A_282 = arith.constant 0 : i32
    %dma_wait3A_283 = tpu.memref_slice %arg5[%arg0, %add3A_249, %dma_wait3A_282] : memref<2x10240x128xf32, #tpu.memory_space<hbm>> -> memref<1x80x128xf32, #tpu.memory_space<hbm>>
    %dma_wait3A_284 = tpu.memref_squeeze %dma_wait3A_283 : memref<1x80x128xf32, #tpu.memory_space<hbm>> -> memref<80x128xf32, #tpu.memory_space<hbm>>
    %dma_wait3A_285 = arith.constant 0 : i32
    %dma_wait3A_286 = tpu.memref_slice %arg5[%arg0, %add3A_249, %dma_wait3A_285] : memref<2x10240x128xf32, #tpu.memory_space<hbm>> -> memref<1x80x128xf32, #tpu.memory_space<hbm>>
    %dma_wait3A_287 = tpu.memref_squeeze %dma_wait3A_286 : memref<1x80x128xf32, #tpu.memory_space<hbm>> -> memref<80x128xf32, #tpu.memory_space<hbm>>
    tpu.wait_dma2 semaphore(%arg26 : memref<!tpu.dma_semaphore, #tpu.memory_space<semaphore_mem>>) src(%arg17 : memref<80x128xf32, #tpu.memory_space<vmem>>) dst(%dma_wait3A_287 : memref<80x128xf32, #tpu.memory_space<hbm>>)
    %dma_wait3A_288 = arith.constant 0 : i32
    %dma_wait3A_289 = tpu.memref_slice %arg5[%arg0, %add3A_263, %dma_wait3A_288] : memref<2x10240x128xf32, #tpu.memory_space<hbm>> -> memref<1x80x128xf32, #tpu.memory_space<hbm>>
    %dma_wait3A_290 = tpu.memref_squeeze %dma_wait3A_289 : memref<1x80x128xf32, #tpu.memory_space<hbm>> -> memref<80x128xf32, #tpu.memory_space<hbm>>
    %dma_wait3A_291 = arith.constant 0 : i32
    %dma_wait3A_292 = tpu.memref_slice %arg5[%arg0, %add3A_263, %dma_wait3A_291] : memref<2x10240x128xf32, #tpu.memory_space<hbm>> -> memref<1x80x128xf32, #tpu.memory_space<hbm>>
    %dma_wait3A_293 = tpu.memref_squeeze %dma_wait3A_292 : memref<1x80x128xf32, #tpu.memory_space<hbm>> -> memref<80x128xf32, #tpu.memory_space<hbm>>
    tpu.wait_dma2 semaphore(%arg27 : memref<!tpu.dma_semaphore, #tpu.memory_space<semaphore_mem>>) src(%arg18 : memref<80x128xf32, #tpu.memory_space<vmem>>) dst(%dma_wait3A_293 : memref<80x128xf32, #tpu.memory_space<hbm>>)
    return
  }
}

module attributes {stable_mosaic.version = 14 : i64} {
  func.func @_prep_body(%arg0: memref<10000x128xf32, #tpu.memory_space<vmem>>, %arg1: memref<128x128xf32, #tpu.memory_space<vmem>>, %arg2: memref<128x2xf32, #tpu.memory_space<vmem>>, %arg3: memref<10000x128xf32, #tpu.memory_space<vmem>>, %arg4: memref<10000x2xf32, #tpu.memory_space<vmem>>) attributes {dimension_semantics = [], scalar_prefetch = 0 : i64, scratch_operands = 0 : i64, tpu.core_type = #tpu.core_type<tc>} {
    %get3A = arith.constant 0 : index
    %get3A_0 = arith.constant 0 : index
    %get3A_1 = vector.load %arg0[%get3A, %get3A_0] : memref<10000x128xf32, #tpu.memory_space<vmem>>, vector<10000x128xf32>
    %get3A_2 = arith.constant 0 : index
    %get3A_3 = arith.constant 0 : index
    %get3A_4 = vector.load %arg1[%get3A_2, %get3A_3] : memref<128x128xf32, #tpu.memory_space<vmem>>, vector<128x128xf32>
    %dot_general3A = arith.constant dense<0.000000e+00> : vector<10000x128xf32>
    %dot_general3A_5 = tpu.matmul %get3A_1, %get3A_4, %dot_general3A {dimension_numbers = #tpu.dot_dimension_numbers<[1], [0], [0], [1], [0, 0, 1, 1], [], []>, transpose_lhs_hint = false} : vector<10000x128xf32>, vector<128x128xf32>, vector<10000x128xf32> -> vector<10000x128xf32>
    %swap3A = arith.constant 0 : index
    %swap3A_6 = arith.constant 0 : index
    %swap3A_7 = vector.load %arg3[%swap3A, %swap3A_6] : memref<10000x128xf32, #tpu.memory_space<vmem>>, vector<10000x128xf32>
    tpu.vector_store %arg3[%swap3A, %swap3A_6], %dot_general3A_5 {strides = array<i32>} : memref<10000x128xf32, #tpu.memory_space<vmem>>, vector<10000x128xf32>,
    %get3A_8 = arith.constant 0 : index
    %get3A_9 = arith.constant 0 : index
    %get3A_10 = vector.load %arg2[%get3A_8, %get3A_9] : memref<128x2xf32, #tpu.memory_space<vmem>>, vector<128x2xf32>
    %dot_general3A_11 = arith.constant dense<0.000000e+00> : vector<10000x2xf32>
    %dot_general3A_12 = tpu.matmul %dot_general3A_5, %get3A_10, %dot_general3A_11 {dimension_numbers = #tpu.dot_dimension_numbers<[1], [0], [0], [1], [0, 0, 1, 1], [], []>, transpose_lhs_hint = false} : vector<10000x128xf32>, vector<128x2xf32>, vector<10000x2xf32> -> vector<10000x2xf32>
    %swap3A_13 = arith.constant 0 : index
    %swap3A_14 = arith.constant 0 : index
    %swap3A_15 = vector.load %arg4[%swap3A_13, %swap3A_14] : memref<10000x2xf32, #tpu.memory_space<vmem>>, vector<10000x2xf32>
    tpu.vector_store %arg4[%swap3A_13, %swap3A_14], %dot_general3A_12 {strides = array<i32>} : memref<10000x2xf32, #tpu.memory_space<vmem>>, vector<10000x2xf32>,
    return
  }
}

module attributes {stable_mosaic.version = 14 : i64} {
  func.func @_fin_body(%arg0: i32, %arg1: memref<2x2000x128xf32, #tpu.memory_space<vmem>>, %arg2: memref<2x2000x1xf32, #tpu.memory_space<vmem>>, %arg3: memref<2000x128xf32, #tpu.memory_space<vmem>>) attributes {dimension_semantics = [#tpu.dimension_semantics<arbitrary>], iteration_bounds = array<i64: 5>, scalar_prefetch = 0 : i64, scratch_operands = 0 : i64, tpu.core_type = #tpu.core_type<tc>, window_params = [{transform_indices = @transform_0, window_bounds = array<i64: 2, 2000, 128>}, {transform_indices = @transform_1, window_bounds = array<i64: 2, 2000, 1>}, {transform_indices = @transform_2, window_bounds = array<i64: 2000, 128>}]} {
    %get3A = arith.constant 0 : index
    %get3A_0 = arith.constant 0 : index
    %get3A_1 = arith.constant 0 : index
    %get3A_2 = vector.load %arg1[%get3A, %get3A_0, %get3A_1] : memref<2x2000x128xf32, #tpu.memory_space<vmem>>, vector<1x2000x128xf32>
    %get3A_3 = vector.shape_cast %get3A_2 : vector<1x2000x128xf32> to vector<2000x128xf32>
    %get3A_4 = arith.constant 1 : index
    %get3A_5 = arith.constant 0 : index
    %get3A_6 = arith.constant 0 : index
    %get3A_7 = vector.load %arg1[%get3A_4, %get3A_5, %get3A_6] : memref<2x2000x128xf32, #tpu.memory_space<vmem>>, vector<1x2000x128xf32>
    %get3A_8 = vector.shape_cast %get3A_7 : vector<1x2000x128xf32> to vector<2000x128xf32>
    %add3A = arith.addf %get3A_3, %get3A_8 : vector<2000x128xf32>
    %get3A_9 = arith.constant 0 : index
    %get3A_10 = arith.constant 0 : index
    %get3A_11 = arith.constant 0 : index
    %get3A_12 = vector.load %arg2[%get3A_9, %get3A_10, %get3A_11] : memref<2x2000x1xf32, #tpu.memory_space<vmem>>, vector<1x2000x1xf32>
    %get3A_13 = vector.shape_cast %get3A_12 : vector<1x2000x1xf32> to vector<2000x1xf32>
    %get3A_14 = arith.constant 1 : index
    %get3A_15 = arith.constant 0 : index
    %get3A_16 = arith.constant 0 : index
    %get3A_17 = vector.load %arg2[%get3A_14, %get3A_15, %get3A_16] : memref<2x2000x1xf32, #tpu.memory_space<vmem>>, vector<1x2000x1xf32>
    %get3A_18 = vector.shape_cast %get3A_17 : vector<1x2000x1xf32> to vector<2000x1xf32>
    %add3A_19 = arith.addf %get3A_13, %get3A_18 : vector<2000x1xf32>
    %add3A_20 = arith.constant 1.000000e-16 : f32
    %add3A_21 = vector.broadcast %add3A_20 : f32 to vector<2000x1xf32>
    %add3A_22 = arith.addf %add3A_19, %add3A_21 : vector<2000x1xf32>
    %div3A = vector.broadcast %add3A_22 : vector<2000x1xf32> to vector<2000x128xf32>
    %div3A_23 = arith.divf %add3A, %div3A : vector<2000x128xf32>
    %ge3A = arith.constant 0.000000e+00 : f32
    %ge3A_24 = vector.broadcast %ge3A : f32 to vector<2000x128xf32>
    %ge3A_25 = arith.cmpf oge, %div3A_23, %ge3A_24 : vector<2000x128xf32>
    %mul3A = arith.constant 2.000000e-01 : f32
    %mul3A_26 = vector.broadcast %mul3A : f32 to vector<2000x128xf32>
    %mul3A_27 = arith.mulf %mul3A_26, %div3A_23 : vector<2000x128xf32>
    %select_n3A = arith.select %ge3A_25, %div3A_23, %mul3A_27 : vector<2000x128xi1>, vector<2000x128xf32>
    %swap3A = arith.constant 0 : index
    %swap3A_28 = arith.constant 0 : index
    %swap3A_29 = vector.load %arg3[%swap3A, %swap3A_28] : memref<2000x128xf32, #tpu.memory_space<vmem>>, vector<2000x128xf32>
    tpu.vector_store %arg3[%swap3A, %swap3A_28], %select_n3A {strides = array<i32>} : memref<2000x128xf32, #tpu.memory_space<vmem>>, vector<2000x128xf32>,
    return
  }
  func.func @transform_0(%arg0: i32) -> (i32, i32, i32) {
    %c0_i32 = arith.constant 0 : i32
    %c0_i32_0 = arith.constant 0 : i32
    %c0_i32_1 = arith.constant 0 : i32
    return %c0_i32, %arg0, %c0_i32_0 : i32, i32, i32
  }
  func.func @transform_1(%arg0: i32) -> (i32, i32, i32) {
    %c0_i32 = arith.constant 0 : i32
    %c0_i32_0 = arith.constant 0 : i32
    %c0_i32_1 = arith.constant 0 : i32
    return %c0_i32, %arg0, %c0_i32_0 : i32, i32, i32
  }
  func.func @transform_2(%arg0: i32) -> (i32, i32) {
    %c0_i32 = arith.constant 0 : i32
    %c0_i32_0 = arith.constant 0 : i32
    return %arg0, %c0_i32 : i32, i32
  }
}

</mosaic_0001>

<sc_bundles>
// kernel: kernel.5.cloned.1.call-start
scs
__scs_entry_jumppad:
0x0: {  	(pc) =	sbr.rel $0x88, $3  }
0x1: {  	(tag) =	ssettag $0x0;
	lr =	simm.s32 $0x1  }
0x2: {  	[smem:$0x3F9C] =	sst lr;
	_ =	strace $0xD0000000  }
0x3: {  	_ = 	snop  }
0x4: {  	_ = 	snop  }
0x5: {  	_ = 	snop  }
0x6: {  	_ = 	snop  }
0x7: {  	_ = 	snop  }
__scs_overlays_trampoline_lowered:
0x8: {  	[smem:$0x3FAB] =	sst s0  }
0x9: {  	[smem:$0x3FAC] =	sst s1  }
0xa: {  	[smem:$0x3FAD] =	sst s2  }
0xb: {  	[smem:$0x3FAE] =	sst s3  }
0xc: {  	[smem:$0x3FAF] =	sst s4  }
0xd: {  	[smem:$0x3FB0] =	sst s5  }
0xe: {  	[smem:$0x3FB1] =	sst s6  }
0xf: {  	[smem:$0x3FB2] =	sst s7  }
0x10: {  	[smem:$0x3FB3] =	sst s8  }
0x11: {  	[smem:$0x3FB4] =	sst s9;
	s0 =	simm.s32 @!p0 $0x0  }
0x12: {  	s1 =	sld [smem:$0x3F9A];
	s0 =	simm.s32 @p0 $0x1  }
0x13: {  	[smem:$0x3FB5] =	sst s0;
	s0 =	simm.s32 @!p1 $0x0  }
0x14: {  	s2 =	sld [smem:$0x3F99];
	s0 =	simm.s32 @p1 $0x1  }
0x15: {  	[smem:$0x3FB6] =	sst s0;
	s0 =	simm.s32 @!p2 $0x0  }
0x16: {  	s3 =	sld [smem:$0x3FDB];
	s0 =	simm.s32 @p2 $0x1  }
0x17: {  	s4 =	simm.s32 $0x1BF5;
	[smem:$0x3FB8] =	sst s0  }
0x18: {  	s0 =	sld [smem:$0x3F9B];
	_ =	swait.ge [sflag:s4], $0x0  }
0x19: {  	s7 =	sld [smem:$0x3F9C]  }
0x1a: {  	s8 =	sadd.s32 $0xFFFFE003, lr  }
0x1b: {  	s9 =	sadd.s32 $0xFFFFFEF7, lr;
	s5 =	simm.s32 $0xFFFFFFFF;
	p2 =	slt.u32 s8, $0xFFFFF086  }
0x1c: {  	p1 =	slt.u32 s9, $0xF7A;
	s5 =	simm.s32 @!p2 $0x0  }
0x1d: {  	s5 =	simm.s32 @p1 $0x1;
	p0 =	seq.s32 s7, s2  }
0x1e: {  	s7 =	smul.u32 @!p0 $0xF7A, s2;
	p2 =	seq.s32 @!p0 s5, $0x0  }
0x1f: {  	s9 =	smul.u32 $0xF7A, s1;
	s8 =	simm.s32 @!p0 $0x1BF5;
	p2 =	por !p2, p0  }
0x20: {  	[sflag:s8] =	ssyncset.s32 @!p0 $0xFFFFF086;
	s6 =	sadd.s32 @!p0 s3, s7;
	s7 =	simm.s32 @!p0 $0x108  }
0x21: {  	s3 =	sadd.s32 s3, s9;
	s6 =	sadd.s32 @!p0 $0x88, s6;
	s7 =	simm.s32 @p2 $0x1082  }
0x22: {  	[simem:s7], [sflag:s8] =	dma.local @!p0 [hbm:s6], $0xF7A  }
0x23: {  	s9 =	sor.u32 $0xD0000000, s2;
	s6 =	simm.s32 $0x108;
	_ =	swait.ge @!p0 [sflag:s8], $0x0  }
0x24: {  	s3 =	sadd.s32 $0x88, s3;
	s6 =	simm.s32 @!p1 $0x1082;
	[sflag:s4] =	ssyncset.s32 $0xFFFFF086  }
0x25: {  	[simem:s6], [sflag:s4] =	dma.local [hbm:s3], $0xF7A  }
0x26: {  	[smem:$0x3F9C] =	sst s1;
	(tag) =	ssettag s2;
	_ =	strace s9  }
0x27: {  	s1 =	sld [smem:$0x3FAC]  }
0x28: {  	s2 =	sld [smem:$0x3FAD]  }
0x29: {  	s4 =	sld [smem:$0x3FAF]  }
0x2a: {  	p0 =	seq.s32 s5, $0x0;
	s5 =	sld [smem:$0x3FB0]  }
0x2b: {  	s6 =	sld [smem:$0x3FB1]  }
0x2c: {  	s7 =	sld [smem:$0x3FB2]  }
0x2d: {  	s3 =	simm.s32 $0x108;
	s8 =	sld [smem:$0x3FB3]  }
0x2e: {  	s3 =	simm.s32 @!p0 $0x1082;
	s9 =	sld [smem:$0x3FB4]  }
0x2f: {  	lr =	sadd.s32 s0, s3;
	s0 =	sld [smem:$0x3FAB]  }
0x30: {  	s3 =	sld [smem:$0x3FAE]  }
0x31: {  	[smem:$0x3FB7] =	sst s10  }
0x32: {  	s10 =	sld [smem:$0x3FB5];
	_ =	sdelay $0x3  }
0x33: {  	p0 =	seq.s32 s10, $0x1;
	s10 =	sld [smem:$0x3FB7];
	_ =	sdelay $0x3  }
0x34: {  	[smem:$0x3FB7] =	sst s10  }
0x35: {  	s10 =	sld [smem:$0x3FB6];
	_ =	sdelay $0x3  }
0x36: {  	p1 =	seq.s32 s10, $0x1;
	s10 =	sld [smem:$0x3FB7];
	_ =	sdelay $0x3  }
0x37: {  	[smem:$0x3FB7] =	sst s10  }
0x38: {  	s10 =	sld [smem:$0x3FB8]  }
0x39: {  	_ = 	snop;
	(pc) =	sbr.ind lr, $3  }
0x3a: {  	_ = 	snop  }
0x3b: {  	_ = 	snop  }
0x3c: {  	p2 =	seq.s32 s10, $0x1;
	s10 =	sld [smem:$0x3FB7]  }
0x3d: {  	_ =	shalt  }
0x3e: {  	_ =	shalt  }
0x3f: {  	_ =	shalt  }
0x40: {  	_ =	shalt  }
0x41: {  	_ =	shalt  }
0x42: {  	_ =	shalt  }
0x43: {  	_ =	shalt  }
0x44: {  	_ =	shalt  }
0x45: {  	_ =	shalt  }
0x46: {  	_ =	shalt  }
0x47: {  	_ =	shalt  }
0x48: {  	_ =	shalt  }
0x49: {  	_ =	shalt  }
0x4a: {  	_ =	shalt  }
0x4b: {  	_ =	shalt  }
0x4c: {  	_ =	shalt  }
0x4d: {  	_ =	shalt  }
0x4e: {  	_ =	shalt  }
0x4f: {  	_ =	shalt  }
0x50: {  	_ =	shalt  }
0x51: {  	_ =	shalt  }
0x52: {  	_ =	shalt  }
0x53: {  	_ =	shalt  }
0x54: {  	_ =	shalt  }
0x55: {  	_ =	shalt  }
0x56: {  	_ =	shalt  }
0x57: {  	_ =	shalt  }
0x58: {  	_ =	shalt  }
0x59: {  	_ =	shalt  }
0x5a: {  	_ =	shalt  }
0x5b: {  	_ =	shalt  }
0x5c: {  	_ =	shalt  }
0x5d: {  	_ =	shalt  }
0x5e: {  	_ =	shalt  }
0x5f: {  	_ =	shalt  }
0x60: {  	_ =	shalt  }
0x61: {  	_ =	shalt  }
0x62: {  	_ =	shalt  }
0x63: {  	_ =	shalt  }
0x64: {  	_ =	shalt  }
0x65: {  	_ =	shalt  }
0x66: {  	_ =	shalt  }
0x67: {  	_ =	shalt  }
0x68: {  	_ =	shalt  }
0x69: {  	_ =	shalt  }
0x6a: {  	_ =	shalt  }
0x6b: {  	_ =	shalt  }
0x6c: {  	_ =	shalt  }
0x6d: {  	_ =	shalt  }
0x6e: {  	_ =	shalt  }
0x6f: {  	_ =	shalt  }
0x70: {  	_ =	shalt  }
0x71: {  	_ =	shalt  }
0x72: {  	_ =	shalt  }
0x73: {  	_ =	shalt  }
0x74: {  	_ =	shalt  }
0x75: {  	_ =	shalt  }
0x76: {  	_ =	shalt  }
0x77: {  	_ =	shalt  }
0x78: {  	_ =	shalt  }
0x79: {  	_ =	shalt  }
0x7a: {  	_ =	shalt  }
0x7b: {  	_ =	shalt  }
0x7c: {  	_ =	shalt  }
0x7d: {  	_ =	shalt  }
0x7e: {  	_ =	shalt  }
0x7f: {  	_ =	shalt  }
0x80: {  	_ =	shalt  }
0x81: {  	_ =	shalt  }
0x82: {  	_ =	shalt  }
0x83: {  	_ =	shalt  }
0x84: {  	_ =	shalt  }
0x85: {  	_ =	shalt  }
0x86: {  	_ =	shalt  }
0x87: {  	_ =	shalt  }
.Lfunc_end0:
.L_simem_size_0:
called_computation_lowered:
.L_overlay_start_0:
0x88: {  	s2 =	sld [smem:$0x3FD9]  }
0x89: {  	s3 =	sld [smem:$0x3FFE];
	_ =	sdelay $0x1  }
0x8a: {  	s1 =	srdreg.scid  }
0x8b: {  	s0 =	sand.u32 $0x1, s1  }
0x8c: {  	s17 =	sshll.u32 s0, $0xA;
	s2 =	sadd.s32 s3, s2  }
0x8d: {  	s2 =	sadd.s32 s2, s17  }
0x8e: {  	[smem:$0x3FC3] =	sst s2  }
0x8f: {  	_ = 	snop  }
0x90: {  	s2 =	sld [smem:$0x3FD0];
	(tm) =	ssettm $0x1  }
0x91: {  	s18 =	sld [smem:$0x3FFB];
	_ =	sdelay $0x3  }
0x92: {  	_ =	strace s18  }
0x93: {  	s3 =	sld [smem:$0x3FFC];
	_ =	sdelay $0x3  }
0x94: {  	_ =	strace s3  }
0x95: {  	s3 =	sld [smem:$0x3FFD];
	_ =	sdelay $0x3  }
0x96: {  	_ =	strace s3  }
0x97: {  	_ =	strace $0x8FFFFFFF  }
0x98: {  	s19 =	sld [smem:$0x3FDB];
	_ =	sdelay $0x1  }
0x99: {  	s4 =	simm.s32 $_scs_section_size  }
0x9a: {  	s5 =	simm.s32 $_size__tile_overlayer_lowered;
	s6 =	simm.s32 $_tile_overlayer_lowered  }
0x9b: {  	s22 =	simm.s32 $0x1BFF;
	s21 =	sshll.u32 s6, $0x1;
	s3 =	sadd.s32 s4, s19  }
0x9c: {  	s7 =	simm.s32 $0x0;
	s20 =	sshll.u32 s5, $0x1;
	s5 =	sadd.s32 s21, s3  }
0x9d: {  	[timem:s7], [sflag:s22] =	dma.local [hbm:s5], s20  }
0x9e: {  	_ =	swait.ge [sflag:s22], s20  }
0x9f: {  	s4 =	ssub.s32 $0x0, s20;
	[sflag:s22] =	ssyncset.done $0x0  }
0xa0: {  	[sflag:s22] =	ssyncadd.s32 s4;
	_ =	sdelay $0x1  }
0xa1: {  	s23 =	simm.s32 $0x1B8B  }
0xa2: {  	_ =	swait.ge [sflag:s23], $0x1  }
0xa3: {  	[sflag:s23] =	ssyncset.done $0x0  }
0xa4: {  	s25 =	simm.s32 $0x1B8E;
	s24 =	sld [smem:$0x3FFE];
	[sflag:s23] =	ssyncadd.s32 $0xFFFFFFFF  }
0xa5: {  	s26 =	simm.s32 $execute0_lowered;
	[smem:$0x3FD2] =	sst s25  }
0xa6: {  	s5 =	sshll.u32 s26, $0x1;
	_ =	strace $0x80000046;
	[dreg:$0x1] =	wrdreg $0xFFFFFFFF  }
0xa7: {  	s28 =	simm.s32 $_size_execute0_lowered;
	s3 =	sadd.s32 s3, s5;
	[dreg:$0x0] =	wrdreg $0x0  }
0xa8: {  	s5 =	sshll.u32 s28, $0x1;
	[dreg:$0x2] =	wrdreg s3  }
0xa9: {  	[dreg:$0x3] =	wrdreg s5  }
0xaa: {  	[dreg:$0x4] =	wrdreg $0xC0  }
0xab: {  	_ =	task [dreg:s7], $0x5FFFF  }
0xac: {  	[dreg:$0x1] =	wrdreg $0xFFFFFFFF  }
0xad: {  	[dreg:$0x0] =	wrdreg $0x60  }
0xae: {  	[dreg:$0x2] =	wrdreg s2  }
0xaf: {  	[dreg:$0x3] =	wrdreg s24  }
0xb0: {  	[dreg:$0x4] =	wrdreg $0xA8800  }
0xb1: {  	[dreg:$0x5] =	wrdreg $0x1E8800  }
0xb2: {  	[dreg:$0x6] =	wrdreg $0x9  }
0xb3: {  	_ =	task.clear_ibuf [dreg:s7], $0x7FFFF;
	_ =	strace $0x90000046  }
0xb4: {  	s29 =	simm.s32 $0x9;
	_ =	strace $0x80000048  }
0xb5: {  	_ =	swait.ge [sflag:s29], $0x1  }
0xb6: {  	[sflag:s29] =	ssyncadd.s32 $0xFFFFFFFF  }
0xb7: {  	_ =	strace $0x90000048  }
0xb8: {  	_ =	sfence  }
0xb9: {  	s30 =	sld [smem:$0x0];
	_ =	sdelay $0x2  }
0xba: {  	s31 =	sshll.u32 s1, $0xD;
	s1 =	sshrl.u32 s1, $0x2  }
0xbb: {  	s3 =	sand.u32 $0x4000, s31;
	s1 =	sadd.s32 s1, s30  }
0xbc: {  	s0 =	sor.u32 s3, s0;
	s1 =	sshll.u32 s1, $0x11  }
0xbd: {  	s0 =	sor.u32 s1, s0  }
0xbe: {  	s0 =	sadd.s32 $0x8F2B, s0  }
0xbf: {  	[sflag:s0] =	ssyncadd.remote.s32 $0x1  }
0xc0: {  	_ =	sfence.sel $0xFFFF  }
0xc1: {  	[dreg:$0x0] =	wrdreg $0xFFFFFFFF;
	(pc) =	sbr.abs _section_cstart, $3  }
0xc2: {  	[dreg:$0x1] =	wrdreg $0xFFFFFFFF  }
0xc3: {  	_ =	task.clear_ibuf [dreg:s7], $0x2FFFF;
	_ =	strace $0x9FFFFFFF  }
0xc4: {  	(tm) =	ssettm $0x7FFFFFFF  }
0xc5: {  	_ =	shalt  }
tec
execute0_lowered:
.L_overlay_start_1:
0x0: {  	(tag) =	ssettag $0x1  }
0x1: {  	s1 =	rddreg [dreg:$0x1];
	s26 =	simm.s32 $0x0;
	s25 =	stileid.u32  }
0x2: {  	s0 =	srdreg.scid;
	s28 =	simm.s32 $0x50;
	s9 =	smul.u32 $0x500, s25  }
0x3: {  	[smem:$0x7FF] =	sst s26;
	s2 =	sand.u32 $0x1, s0;
	s5 =	smul.u32 $0x280, s25  }
0x4: {  	s6 =	sadd.s32 $0x21A00, s1;
	s3 =	sshll.u32 s2, $0x7;
	s4 =	ssub.s32 $0x2, s2  }
0x5: {  	s8 =	smul.u32 $0x14000, s25;
	s3 =	sor.u32 s3, s9;
	s10 =	sshrl.u32 s4, $0x1  }
0x6: {  	s7 =	sadd.s32 $0xA0, s5;
	s13 =	sadd.s32 $0xF0, s5;
	s14 =	sadd.s32 $0x140, s5  }
0x7: {  	s18 =	sadd.s32 $0x190, s5;
	s20 =	sadd.s32 $0x1E0, s5;
	s0 =	ssub.s32 s4, s10  }
0x8: {  	s4 =	sor.u32 $0x50, s5;
	s12 =	sshll.u32 s7, $0x7;
	s10 =	smul.u32 $0x140000, s2  }
0x9: {  	s16 =	sshll.u32 s13, $0x7;
	s17 =	sshll.u32 s14, $0x7;
	s9 =	sshll.u32 s4, $0x7  }
0xa: {  	s19 =	sshll.u32 s18, $0x7;
	s8 =	sadd.s32 s8, s10;
	s11 =	sadd.s32 s10, s9  }
0xb: {  	s15 =	sadd.s32 s10, s12;
	s22 =	sadd.s32 s10, s16;
	s8 =	sshrl.u32 s8, $0x3  }
0xc: {  	s23 =	sadd.s32 s10, s17;
	s15 =	sshrl.u32 s15, $0x3;
	s8 =	sadd.s32 s6, s8  }
0xd: {  	s11 =	sshrl.u32 s11, $0x3;
	s21 =	sadd.s32 s6, s15;
	[dreg:$0x5] =	wrdreg s8  }
0xe: {  	s24 =	sadd.s32 s10, s19;
	s8 =	sadd.s32 s6, s11;
	[dreg:$0x7] =	wrdreg s21  }
0xf: {  	s21 =	sshrl.u32 s23, $0x3;
	[dreg:$0x6] =	wrdreg s8;
	s8 =	sshrl.u32 s22, $0x3  }
0x10: {  	s11 =	rddreg [dreg:$0x3];
	s22 =	sshrl.u32 s24, $0x3;
	s8 =	sadd.s32 s6, s8  }
0x11: {  	s23 =	sadd.s32 s6, s22;
	s22 =	sshll.u32 s20, $0x7;
	[dreg:$0x8] =	wrdreg s8  }
0x12: {  	s8 =	sadd.s32 s6, s21;
	[dreg:$0xa] =	wrdreg s23;
	s21 =	sadd.s32 $0x230, s5  }
0x13: {  	s24 =	sadd.s32 s10, s22;
	[dreg:$0x9] =	wrdreg s8;
	s23 =	sshll.u32 s21, $0x7  }
0x14: {  	s8 =	rddreg [dreg:$0x0];
	s24 =	sshrl.u32 s24, $0x3;
	s15 =	sadd.s32 s10, s23  }
0x15: {  	s10 =	rddreg [dreg:$0x2];
	s24 =	sadd.s32 s6, s24;
	s15 =	sshrl.u32 s15, $0x3  }
0x16: {  	s3 =	sshrl.u32 s3, $0x3;
	[dreg:$0xb] =	wrdreg s24;
	s6 =	sadd.s32 s6, s15  }
0x17: {  	s30 =	sadd.s32 s5, s11;
	s15 =	sadd.s32 $0x20A00, s1;
	[dreg:$0xc] =	wrdreg s6  }
0x18: {  	s5 =	sadd.s32 s4, s11;
	_ =	strace $0x80000047;
	[dreg:$0xd] =	wrdreg s15  }
0x19: {  	s2 =	sshll.u32 s2, $0x4;
	s7 =	sadd.s32 s7, s11;
	[dreg:$0x11] =	wrdreg s5  }
0x1a: {  	s31 =	sadd.s32 s9, s10;
	s9 =	sadd.s32 s16, s10;
	[dreg:$0x13] =	wrdreg s7  }
0x1b: {  	s0 =	smax.u32 s0, $0x1;
	s16 =	sadd.s32 s14, s11;
	[dreg:$0x14] =	wrdreg s9  }
0x1c: {  	s14 =	sadd.s32 s19, s10;
	s19 =	sadd.s32 s20, s11;
	[dreg:$0x17] =	wrdreg s16  }
0x1d: {  	s24 =	sadd.s32 s3, s1;
	s20 =	sadd.s32 s23, s10;
	[dreg:$0x1b] =	wrdreg s19  }
0x1e: {  	s21 =	sadd.s32 s21, s11;
	s24 =	sadd.s32 $0x21000, s24;
	[dreg:$0x1c] =	wrdreg s20  }
0x1f: {  	s6 =	smul.u32 $0x50000, s25;
	s25 =	sor.u32 s25, s2;
	[dreg:$0x1d] =	wrdreg s21  }
0x20: {  	s15 =	sadd.s32 $0x600, s1;
	s1 =	smul.u32 $0x8100, s25;
	[dreg:$0x1f] =	wrdreg s24  }
0x21: {  	[smem:$0x7FC] =	sst s0;
	s19 =	simm.s32 $0x2C80;
	s21 =	simm.s32 $0x4  }
0x22: {  	s9 =	simm.s32 $0x2;
	s5 =	simm.s32 $0x5600;
	[dreg:$0xf] =	wrdreg s30  }
0x23: {  	s7 =	simm.s32 $0x300;
	s0 =	simm.s32 $0x3;
	[dreg:$0x10] =	wrdreg s31  }
0x24: {  	[dreg:$0x18] =	wrdreg s14;
	s3 =	sshrl.u32 s6, $0x2;
	s6 =	sadd.s32 s12, s10  }
0x25: {  	s16 =	simm.s32 $0x380;
	s12 =	sadd.s32 s13, s11;
	[dreg:$0x12] =	wrdreg s6  }
0x26: {  	s20 =	simm.s32 $0x400;
	s13 =	sadd.s32 s17, s10;
	[dreg:$0x15] =	wrdreg s12  }
0x27: {  	s24 =	simm.s32 $0x0;
	s17 =	sadd.s32 s18, s11;
	[dreg:$0x16] =	wrdreg s13  }
0x28: {  	s18 =	sadd.s32 s22, s10;
	s29 =	sadd.s32 s3, s10;
	[dreg:$0x19] =	wrdreg s17  }
0x29: {  	[dreg:$0x1a] =	wrdreg s18;
	s22 =	sshrl.u32 s1, $0x3;
	s2 =	sadd.s32 $0x200, s1  }
0x2a: {  	s3 =	sadd.s32 $0x300, s1;
	s4 =	sadd.s32 $0x400, s1;
	s12 =	simm.s32 $0x480  }
0x2b: {  	s13 =	simm.s32 $0xA;
	s6 =	simm.s32 $0x200;
	s17 =	simm.s32 $0x2D00  }
0x2c: {  	s18 =	simm.s32 $0x6;
	s23 =	sadd.s32 s15, s22;
	[dreg:$0xe] =	wrdreg s29  }
0x2d: {  	s22 =	simm.s32 $0x2D80;
	[dreg:$0x1e] =	wrdreg s23;
	s25 =	sadd.s32 $0x20, s23  }
0x2e: {  	v0 =	vimm.f32 $0.0e+00;
	s23 =	simm.s32 $0x5;
	[smem:$0x7FD] =	sst s25;
	s25 =	simm.s32 $0x7E00  }
.LBB2_1:
0x2f: {  	[smem:$0x7FB] =	sst s24  }
0x30: {  	s1 =	rddreg [dreg:$0xd]  }
0x31: {  	[tilespmem:s12], [sflag:$0xA] =	stream.linear.gather [hbm4b:s1+s26], $0x2800, $0x38;
	[tilespmem:$0x1EB00] =	vst v63  }
0x32: {  	_ =	swait.ge [sflag:s13], $0x2800  }
0x33: {  	[sflag:s13] =	ssyncset.done $0x0  }
0x34: {  	s1 =	simm.s32 $0x0;
	[sflag:s13] =	ssyncadd.s32 $0xFFFFD800;
	s13 =	simm.s32 $0x200  }
.LBB2_2:
0x35: {  	p0 =	sne.s32 s13, $0x9E00;
	[tilespmem:s1+$0x2E70] =	vst v0  }
0x36: {  	[tilespmem:s1+$0x2E00] =	vst v0  }
0x37: {  	[tilespmem:s1+$0x2E10] =	vst v0  }
.Ltmp0:
0x38: {  	[tilespmem:s1+$0x2E20] =	vst v0;
	(pc) =	sbr.rel @p0 .LBB2_2-.Ltmp0, $4  }
0x39: {  	[tilespmem:s1+$0x2E30] =	vst v0  }
0x3a: {  	[tilespmem:s1+$0x2E40] =	vst v0  }
0x3b: {  	[tilespmem:s1+$0x2E50] =	vst v0  }
0x3c: {  	[tilespmem:s1+$0x2E60] =	vst v0;
	s1 =	sshra.s32 s13, $0x2;
	s13 =	sadd.s32 $0x200, s13  }
0x3d: {  	[tilespmem:s1+$0x2E70] =	vst v0  }
0x3e: {  	[tilespmem:s1+$0x2E00] =	vst v0  }
0x3f: {  	[tilespmem:s1+$0x2E10] =	vst v0  }
0x40: {  	[tilespmem:s1+$0x2E20] =	vst v0  }
0x41: {  	[tilespmem:s1+$0x2E30] =	vst v0  }
0x42: {  	[tilespmem:s1+$0x2E40] =	vst v0  }
0x43: {  	[tilespmem:s1+$0x2E50] =	vst v0  }
0x44: {  	[tilespmem:s1+$0x2E60] =	vst v0  }
0x45: {  	[tilespmem:$0x2C80] =	vst v0  }
0x46: {  	[tilespmem:$0x2C90] =	vst v0  }
0x47: {  	[tilespmem:$0x2CA0] =	vst v0  }
0x48: {  	[tilespmem:$0x2CB0] =	vst v0  }
0x49: {  	s13 =	simm.s32 $0x2E00;
	[tilespmem:$0x2CC0] =	vst v0  }
0x4a: {  	[spmem:s29] =	stream.linear.scatter [tilespmem:s13], [sflag:$0x4], $0x2800, $0x38;
	[tilespmem:$0x1EB00] =	vst v63  }
0x4b: {  	_ = 	snop  }
0x4c: {  	[spmem:s30] =	stream.linear.scatter [tilespmem:s19], [sflag:$0x5], $0x50, $0x38;
	[tilespmem:$0x1EB00] =	vst v63  }
0x4d: {  	_ = 	snop  }
0x4e: {  	[spmem:s31] =	stream.linear.scatter [tilespmem:s13], [sflag:$0x4], $0x2800, $0x38;
	[tilespmem:$0x1EB00] =	vst v63  }
0x4f: {  	s24 =	rddreg [dreg:$0x11]  }
0x50: {  	[spmem:s24] =	stream.linear.scatter [tilespmem:s19], [sflag:$0x5], $0x50, $0x38;
	[tilespmem:$0x1EB00] =	vst v63  }
0x51: {  	s26 =	rddreg [dreg:$0x12]  }
0x52: {  	[spmem:s26] =	stream.linear.scatter [tilespmem:s13], [sflag:$0x4], $0x2800, $0x38;
	[tilespmem:$0x1EB00] =	vst v63  }
0x53: {  	s29 =	rddreg [dreg:$0x13]  }
0x54: {  	[spmem:s29] =	stream.linear.scatter [tilespmem:s19], [sflag:$0x5], $0x50, $0x38;
	[tilespmem:$0x1EB00] =	vst v63  }
0x55: {  	s30 =	rddreg [dreg:$0x14]  }
0x56: {  	[spmem:s30] =	stream.linear.scatter [tilespmem:s13], [sflag:$0x4], $0x2800, $0x38;
	[tilespmem:$0x1EB00] =	vst v63  }
0x57: {  	s31 =	rddreg [dreg:$0x15]  }
0x58: {  	[spmem:s31] =	stream.linear.scatter [tilespmem:s19], [sflag:$0x5], $0x50, $0x38;
	[tilespmem:$0x1EB00] =	vst v63  }
0x59: {  	s24 =	rddreg [dreg:$0x16]  }
0x5a: {  	[spmem:s24] =	stream.linear.scatter [tilespmem:s13], [sflag:$0x4], $0x2800, $0x38;
	[tilespmem:$0x1EB00] =	vst v63  }
0x5b: {  	s26 =	rddreg [dreg:$0x17]  }
0x5c: {  	[spmem:s26] =	stream.linear.scatter [tilespmem:s19], [sflag:$0x5], $0x50, $0x38;
	[tilespmem:$0x1EB00] =	vst v63  }
0x5d: {  	_ = 	snop  }
0x5e: {  	[spmem:s14] =	stream.linear.scatter [tilespmem:s13], [sflag:$0x4], $0x2800, $0x38;
	[tilespmem:$0x1EB00] =	vst v63  }
0x5f: {  	s29 =	rddreg [dreg:$0x19]  }
0x60: {  	[spmem:s29] =	stream.linear.scatter [tilespmem:s19], [sflag:$0x5], $0x50, $0x38;
	[tilespmem:$0x1EB00] =	vst v63  }
0x61: {  	s30 =	rddreg [dreg:$0x1a]  }
0x62: {  	[spmem:s30] =	stream.linear.scatter [tilespmem:s13], [sflag:$0x4], $0x2800, $0x38;
	[tilespmem:$0x1EB00] =	vst v63  }
0x63: {  	s31 =	rddreg [dreg:$0x1b]  }
0x64: {  	[spmem:s31] =	stream.linear.scatter [tilespmem:s19], [sflag:$0x5], $0x50, $0x38;
	[tilespmem:$0x1EB00] =	vst v63  }
0x65: {  	s14 =	rddreg [dreg:$0x1c]  }
0x66: {  	[spmem:s14] =	stream.linear.scatter [tilespmem:s13], [sflag:$0x4], $0x2800, $0x38;
	[tilespmem:$0x1EB00] =	vst v63  }
0x67: {  	s24 =	rddreg [dreg:$0x1d]  }
0x68: {  	[spmem:s24] =	stream.linear.scatter [tilespmem:s19], [sflag:$0x5], $0x50, $0x38;
	[tilespmem:$0x1EB00] =	vst v63  }
0x69: {  	_ =	swait.ge [sflag:s21], $0x2800  }
0x6a: {  	[sflag:s21] =	ssyncset.done $0x0  }
0x6b: {  	[sflag:s21] =	ssyncadd.s32 $0xFFFFD800  }
0x6c: {  	_ =	swait.ge [sflag:s23], $0x50  }
0x6d: {  	[sflag:s23] =	ssyncset.done $0x0  }
0x6e: {  	[sflag:s23] =	ssyncadd.s32 $0xFFFFFFB0  }
0x6f: {  	_ =	swait.ge [sflag:s21], $0x2800  }
0x70: {  	[sflag:s21] =	ssyncset.done $0x0  }
0x71: {  	[sflag:s21] =	ssyncadd.s32 $0xFFFFD800  }
0x72: {  	_ =	swait.ge [sflag:s23], $0x50  }
0x73: {  	[sflag:s23] =	ssyncset.done $0x0  }
0x74: {  	[sflag:s23] =	ssyncadd.s32 $0xFFFFFFB0  }
0x75: {  	_ =	swait.ge [sflag:s21], $0x2800  }
0x76: {  	[sflag:s21] =	ssyncset.done $0x0  }
0x77: {  	[sflag:s21] =	ssyncadd.s32 $0xFFFFD800  }
0x78: {  	_ =	swait.ge [sflag:s23], $0x50  }
0x79: {  	[sflag:s23] =	ssyncset.done $0x0  }
0x7a: {  	[sflag:s23] =	ssyncadd.s32 $0xFFFFFFB0  }
0x7b: {  	_ =	swait.ge [sflag:s21], $0x2800  }
0x7c: {  	[sflag:s21] =	ssyncset.done $0x0  }
0x7d: {  	[sflag:s21] =	ssyncadd.s32 $0xFFFFD800  }
0x7e: {  	_ =	swait.ge [sflag:s23], $0x50  }
0x7f: {  	[sflag:s23] =	ssyncset.done $0x0  }
0x80: {  	[sflag:s23] =	ssyncadd.s32 $0xFFFFFFB0  }
0x81: {  	_ =	swait.ge [sflag:s21], $0x2800  }
0x82: {  	[sflag:s21] =	ssyncset.done $0x0  }
0x83: {  	[sflag:s21] =	ssyncadd.s32 $0xFFFFD800  }
0x84: {  	_ =	swait.ge [sflag:s23], $0x50  }
0x85: {  	[sflag:s23] =	ssyncset.done $0x0  }
0x86: {  	[sflag:s23] =	ssyncadd.s32 $0xFFFFFFB0  }
0x87: {  	_ =	swait.ge [sflag:s21], $0x2800  }
0x88: {  	[sflag:s21] =	ssyncset.done $0x0  }
0x89: {  	[sflag:s21] =	ssyncadd.s32 $0xFFFFD800  }
0x8a: {  	_ =	swait.ge [sflag:s23], $0x50  }
0x8b: {  	[sflag:s23] =	ssyncset.done $0x0  }
0x8c: {  	[sflag:s23] =	ssyncadd.s32 $0xFFFFFFB0  }
0x8d: {  	_ =	swait.ge [sflag:s21], $0x2800  }
0x8e: {  	[sflag:s21] =	ssyncset.done $0x0  }
0x8f: {  	[sflag:s21] =	ssyncadd.s32 $0xFFFFD800  }
0x90: {  	_ =	swait.ge [sflag:s23], $0x50  }
0x91: {  	[sflag:s23] =	ssyncset.done $0x0  }
0x92: {  	[sflag:s23] =	ssyncadd.s32 $0xFFFFFFB0  }
0x93: {  	_ =	swait.ge [sflag:s21], $0x2800  }
0x94: {  	[sflag:s21] =	ssyncset.done $0x0  }
0x95: {  	[sflag:s21] =	ssyncadd.s32 $0xFFFFD800  }
0x96: {  	_ =	swait.ge [sflag:s23], $0x50  }
0x97: {  	s29 =	simm.s32 $0x1;
	[sflag:s23] =	ssyncset.done $0x0  }
0x98: {  	s24 =	simm.s32 $0x0;
	s26 =	rddreg [dreg:$0x1e];
	[sflag:s23] =	ssyncadd.s32 $0xFFFFFFB0  }
0x99: {  	[tilespmem:s24], [sflag:$0x1] =	stream.linear.gather [hbm4b:s26+s24], $0x100, $0x38;
	[tilespmem:$0x1EB00] =	vst v63  }
0x9a: {  	_ =	swait.ge [sflag:s29], $0x100  }
0x9b: {  	[sflag:s29] =	ssyncset.done $0x0  }
0x9c: {  	s30 =	sld [smem:$0x7FD];
	[sflag:s29] =	ssyncadd.s32 $0xFFFFFF00  }
0x9d: {  	[tilespmem:s13], [sflag:$0x4] =	stream.indirect.gather [hbm4b:s8+s28], $0x80, s24, s28, $0xb8;
	[tilespmem:$0x1EB00] =	vst v63  }
0x9e: {  	s31 =	simm.s32 $0x100  }
0x9f: {  	[tilespmem:s31], [sflag:$0x2] =	stream.linear.gather [hbm4b:s30+s24], $0x100, $0x38;
	[tilespmem:$0x1EB00] =	vst v63  }
0xa0: {  	s26 =	simm.s32 $0x0;
	[bflag:$0x0] =	sbarrier.arrive $0xFFFF  }
.LBB2_4:
0xa1: {  	p0 =	seq.s32 s26, $0x0  }
0xa2: {  	s1 =	simm.s32 @!p0 $0x8  }
0xa3: {  	_ =	swait.ge @!p0 [sflag:s1], $0x50  }
0xa4: {  	[sflag:s1] =	ssyncset.done @!p0 $0x0  }
0xa5: {  	[sflag:s1] =	ssyncadd.s32 @!p0 $0xFFFFFFB0  }
0xa6: {  	_ =	swait.ge @!p0 [sflag:s1], $0x2800  }
0xa7: {  	[sflag:s1] =	ssyncset.done @!p0 $0x0  }
0xa8: {  	s29 =	smul.u32 $0x300, s26;
	[sflag:s1] =	ssyncadd.s32 @!p0 $0xFFFFD800  }
0xa9: {  	_ =	swait.ge [sflag:s9], $0x100  }
0xaa: {  	s14 =	sadd.s32 s29, s2;
	[sflag:s9] =	ssyncset.done $0x0  }
0xab: {  	s13 =	simm.s32 $0x100;
	s1 =	sshrl.u32 s14, $0x3;
	[sflag:s9] =	ssyncadd.s32 $0xFFFFFF00  }
0xac: {  	[tilespmem:s5], [sflag:$0x5] =	stream.indirect.gather [hbm4b:s8+s28], $0x80, s13, s28, $0xb8;
	[tilespmem:$0x1EB00] =	vst v63  }
0xad: {  	s1 =	sadd.s32 s15, s1  }
0xae: {  	[tilespmem:s6], [sflag:$0x3] =	stream.linear.gather [hbm4b:s1+s24], $0x100, $0x38;
	[tilespmem:$0x1EB00] =	vst v63  }
0xaf: {  	_ =	swait.ge [sflag:s21], $0x2800  }
0xb0: {  	[sflag:s21] =	ssyncset.done $0x0  }
0xb1: {  	[sflag:s21] =	ssyncadd.s32 $0xFFFFD800  }
0xb2: {  	v1 =	vld [tilespmem:$0x0]  }
0xb3: {  	v2 =	vld [tilespmem:$0x80];
	_ =	sdelay $0x5  }
0xb4: {  	[tilespmem:$0x300] =	vst v2  }
0xb5: {  	v1 =	vld.idx.msk [tilespmem:v1+s12+$0x0], $0xffff  }
0xb6: {  	v2 =	vld.idx.msk [tilespmem:v2+s12+$0x0], $0xffff;
	_ =	sdelay $0x4  }
0xb7: {  	v1 =	vand.u32 $0xFFFF0000, v1;
	v2 =	vshll.u32 v2, $0x10  }
0xb8: {  	v1 =	vadd.f32 v2, v1;
	_ =	sdelay $0x1  }
0xb9: {  	v2 =	vmul.f32 $2.000000030e-01, v1  }
0xba: {  	vm0 =	vge.f32 v1, $0.0e+00  }
0xbb: {  	v1 =	vsel vm0, v1, v2  }
0xbc: {  	v1 =	vmul.f32 $1.442695020e+00, v1;
	_ =	sdelay $0x1  }
0xbd: {  	(erf) = vpow2.f32 v1;
	_ =	sdelay $0x2  }
0xbe: {  	v1 =	vld [tilespmem:$0x10]  }
0xbf: {  	v2 =	vld [tilespmem:$0x90];
	_ =	sdelay $0x4  }
0xc0: {  	[tilespmem:$0x310] =	vst v2;
	v3 =	vpop (erf)  }
0xc1: {  	[tilespmem:$0x2C80] =	vst v3  }
0xc2: {  	v1 =	vld.idx.msk [tilespmem:v1+s12+$0x0], $0xffff  }
0xc3: {  	v2 =	vld.idx.msk [tilespmem:v2+s12+$0x0], $0xffff;
	_ =	sdelay $0x4  }
0xc4: {  	v1 =	vand.u32 $0xFFFF0000, v1;
	v2 =	vshll.u32 v2, $0x10  }
0xc5: {  	v1 =	vadd.f32 v2, v1;
	_ =	sdelay $0x1  }
0xc6: {  	v2 =	vmul.f32 $2.000000030e-01, v1  }
0xc7: {  	vm12 =	vge.f32 v1, $0.0e+00  }
0xc8: {  	v1 =	vsel vm12, v1, v2  }
0xc9: {  	v1 =	vmul.f32 $1.442695020e+00, v1;
	_ =	sdelay $0x1  }
0xca: {  	(erf) = vpow2.f32 v1;
	_ =	sdelay $0x2  }
0xcb: {  	v1 =	vld [tilespmem:$0x20]  }
0xcc: {  	v2 =	vld [tilespmem:$0xA0];
	_ =	sdelay $0x4  }
0xcd: {  	[tilespmem:$0x320] =	vst v2;
	v3 =	vpop (erf)  }
0xce: {  	[tilespmem:$0x2C90] =	vst v3  }
0xcf: {  	v1 =	vld.idx.msk [tilespmem:v1+s12+$0x0], $0xffff  }
0xd0: {  	v2 =	vld.idx.msk [tilespmem:v2+s12+$0x0], $0xffff;
	_ =	sdelay $0x4  }
0xd1: {  	v1 =	vand.u32 $0xFFFF0000, v1;
	v2 =	vshll.u32 v2, $0x10  }
0xd2: {  	v1 =	vadd.f32 v2, v1;
	_ =	sdelay $0x1  }
0xd3: {  	v2 =	vmul.f32 $2.000000030e-01, v1  }
0xd4: {  	vm13 =	vge.f32 v1, $0.0e+00  }
0xd5: {  	v1 =	vsel vm13, v1, v2  }
0xd6: {  	v1 =	vmul.f32 $1.442695020e+00, v1;
	_ =	sdelay $0x1  }
0xd7: {  	(erf) = vpow2.f32 v1;
	_ =	sdelay $0x2  }
0xd8: {  	v1 =	vld [tilespmem:$0x30]  }
0xd9: {  	v2 =	vld [tilespmem:$0xB0];
	_ =	sdelay $0x4  }
0xda: {  	[tilespmem:$0x330] =	vst v2;
	v3 =	vpop (erf)  }
0xdb: {  	[tilespmem:$0x2CA0] =	vst v3  }
0xdc: {  	v1 =	vld.idx.msk [tilespmem:v1+s12+$0x0], $0xffff  }
0xdd: {  	v2 =	vld.idx.msk [tilespmem:v2+s12+$0x0], $0xffff;
	_ =	sdelay $0x4  }
0xde: {  	v1 =	vand.u32 $0xFFFF0000, v1;
	v2 =	vshll.u32 v2, $0x10  }
0xdf: {  	v1 =	vadd.f32 v2, v1;
	_ =	sdelay $0x1  }
0xe0: {  	v2 =	vmul.f32 $2.000000030e-01, v1  }
0xe1: {  	vm14 =	vge.f32 v1, $0.0e+00  }
0xe2: {  	v1 =	vsel vm14, v1, v2  }
0xe3: {  	v1 =	vmul.f32 $1.442695020e+00, v1;
	_ =	sdelay $0x1  }
0xe4: {  	(erf) = vpow2.f32 v1;
	_ =	sdelay $0x2  }
0xe5: {  	v1 =	vld [tilespmem:$0x40]  }
0xe6: {  	v2 =	vld [tilespmem:$0xC0];
	_ =	sdelay $0x4  }
0xe7: {  	[tilespmem:$0x340] =	vst v2;
	v3 =	vpop (erf)  }
0xe8: {  	[tilespmem:$0x2CB0] =	vst v3  }
0xe9: {  	v1 =	vld.idx.msk [tilespmem:v1+s12+$0x0], $0xffff  }
0xea: {  	v2 =	vld.idx.msk [tilespmem:v2+s12+$0x0], $0xffff;
	_ =	sdelay $0x4  }
0xeb: {  	v1 =	vand.u32 $0xFFFF0000, v1;
	v2 =	vshll.u32 v2, $0x10  }
0xec: {  	v1 =	vadd.f32 v2, v1;
	_ =	sdelay $0x1  }
0xed: {  	v2 =	vmul.f32 $2.000000030e-01, v1  }
0xee: {  	vm15 =	vge.f32 v1, $0.0e+00  }
0xef: {  	v1 =	vsel vm15, v1, v2  }
0xf0: {  	v1 =	vmul.f32 $1.442695020e+00, v1;
	_ =	sdelay $0x1  }
0xf1: {  	(erf) = vpow2.f32 v1;
	_ =	sdelay $0x3  }
0xf2: {  	s13 =	simm.s32 $0x2;
	v1 =	vmov s24  }
0xf3: {  	v2 =	vmov s13;
	v1 =	vand.u32 $0xFFFFFFFC, v1  }
0xf4: {  	v2 =	vand.u32 $0xFFFFFFFE, v2;
	v1 =	vbroadcast v1, $0x0  }
0xf5: {  	v2 =	vbroadcast v2, $0x0;
	_ =	sdelay $0x1  }
0xf6: {  	v3 =	vpop (erf)  }
0xf7: {  	[tilespmem:$0x2CC0] =	vst v3  }
0xf8: {  	[spmem:s11] =	stream.indirect.scatter.add.f32 [tilespmem:s19], [sflag:$0x7], $0x1, s7, s28, $0xb8;
	[tilespmem:$0x1EB00] =	vst v63  }
0xf9: {  	v1 =	vld.idx.msk [tilespmem:v1+s19+$0x0], $0xffff  }
0xfa: {  	s1 =	simm.s32 $0x2F00;
	v2 =	vld.idx.msk [tilespmem:v2+s19+$0x0], $0xffff  }
0xfb: {  	s13 =	simm.s32 $0x1;
	v4 =	vld [tilespmem:s1+$0x70]  }
0xfc: {  	v3 =	vmov s13;
	v5 =	vld [tilespmem:s1+$0xFFFFFF00]  }
0xfd: {  	v3 =	vand.u32 $0xFFFFFFFD, v3;
	v6 =	vld [tilespmem:s1+$0xFFFFFF10]  }
0xfe: {  	v3 =	vbroadcast v3, $0x0;
	v7 =	vld [tilespmem:s1+$0xFFFFFF20]  }
0xff: {  	v8 =	vld [tilespmem:s1+$0xFFFFFF30]  }
0x100: {  	v9 =	vld [tilespmem:s1+$0xFFFFFF40]  }
0x101: {  	v10 =	vld [tilespmem:s1+$0xFFFFFF50]  }
0x102: {  	v11 =	vld [tilespmem:s1+$0xFFFFFF60];
	v5 =	vmul.f32 v5, v1  }
0x103: {  	v13 =	vld [tilespmem:s1+$0x40];
	v4 =	vmul.f32 v4, v2  }
0x104: {  	v3 =	vld.idx.msk [tilespmem:v3+s19+$0x0], $0xffff;
	[tilespmem:s1+$0xFFFFFF00] =	vst v5;
	v5 =	vmul.f32 v6, v1  }
0x105: {  	v6 =	vld [tilespmem:s1+$0xFFFFFF70];
	[tilespmem:s1+$0x70] =	vst v4;
	v4 =	vmul.f32 v7, v1  }
0x106: {  	v7 =	vld [tilespmem:s1+$0xFFFFFF80];
	[tilespmem:s1+$0xFFFFFF10] =	vst v5;
	v5 =	vmul.f32 v8, v1  }
0x107: {  	v8 =	vld [tilespmem:s1+$0xFFFFFF90];
	[tilespmem:s1+$0xFFFFFF20] =	vst v4;
	v4 =	vmul.f32 v9, v1  }
0x108: {  	v9 =	vld [tilespmem:s1+$0xFFFFFFA0];
	[tilespmem:s1+$0xFFFFFF30] =	vst v5;
	v5 =	vmul.f32 v10, v1  }
0x109: {  	v10 =	vld [tilespmem:s1+$0xFFFFFFB0];
	[tilespmem:s1+$0xFFFFFF40] =	vst v4;
	v4 =	vmul.f32 v11, v1  }
0x10a: {  	v11 =	vld [tilespmem:s1+$0xFFFFFFC0];
	v6 =	vmul.f32 v6, v1;
	[tilespmem:s1+$0xFFFFFF50] =	vst v5  }
0x10b: {  	v5 =	vmul.f32 v7, v3;
	v7 =	vld [tilespmem:s1+$0xFFFFFFD0];
	[tilespmem:s1+$0xFFFFFF60] =	vst v4  }
0x10c: {  	s14 =	simm.s32 $0x3;
	v4 =	vld [tilespmem:s1+$0xFFFFFFE0];
	v8 =	vmul.f32 v8, v3;
	[tilespmem:s1+$0xFFFFFF70] =	vst v6  }
0x10d: {  	v12 =	vmov s14;
	v6 =	vld [tilespmem:s1+$0xFFFFFFF0];
	[tilespmem:s1+$0xFFFFFF80] =	vst v5;
	v5 =	vmul.f32 v9, v3  }
0x10e: {  	v9 =	vld [tilespmem:s1+$0x0];
	[tilespmem:s1+$0xFFFFFF90] =	vst v8;
	v8 =	vmul.f32 v10, v3  }
0x10f: {  	v10 =	vld [tilespmem:s1+$0x10];
	[tilespmem:s1+$0xFFFFFFA0] =	vst v5;
	v5 =	vmul.f32 v11, v3  }
0x110: {  	[tilespmem:s1+$0xFFFFFFB0] =	vst v8;
	v7 =	vmul.f32 v7, v3;
	v8 =	vld [tilespmem:s1+$0x20]  }
0x111: {  	v11 =	vld [tilespmem:s1+$0x30];
	v4 =	vmul.f32 v4, v3;
	[tilespmem:s1+$0xFFFFFFC0] =	vst v5  }
0x112: {  	v1 =	vld.idx.msk [tilespmem:v12+s19+$0x0], $0xffff;
	v3 =	vmul.f32 v6, v3;
	[tilespmem:s1+$0xFFFFFFD0] =	vst v7  }
0x113: {  	[tilespmem:s1+$0xFFFFFFE0] =	vst v4;
	v5 =	vmul.f32 v9, v2;
	v4 =	vld [tilespmem:s1+$0x50]  }
0x114: {  	s14 =	simm.s32 $0x4;
	[tilespmem:s1+$0xFFFFFFF0] =	vst v3;
	v6 =	vmul.f32 v10, v2;
	v3 =	vld [tilespmem:s1+$0x60]  }
0x115: {  	v7 =	vmov s14;
	s14 =	simm.s32 $0x7;
	[tilespmem:s1+$0x0] =	vst v5;
	v9 =	vmul.f32 v8, v2;
	v8 =	vld [tilespmem:s1+$0x80]  }
0x116: {  	s30 =	simm.s32 $0x5;
	v12 =	vand.u32 $0xFFFFFFFC, v7;
	v7 =	vld [tilespmem:s1+$0x90];
	v5 =	vmov s14;
	v10 =	vmul.f32 v11, v2;
	[tilespmem:s1+$0x10] =	vst v6  }
0x117: {  	s31 =	simm.s32 $0x2F00;
	s13 =	simm.s32 $0x8;
	v11 =	vmul.f32 v13, v2;
	v6 =	vbroadcast v12, $0x0;
	v12 =	vmov s30;
	s30 =	simm.s32 $0x6;
	[tilespmem:s1+$0x20] =	vst v9;
	v9 =	vld [tilespmem:s1+$0xA0]  }
.LBB2_5:
0x118: {  	p1 =	slt.u32 s13, $0x4C;
	v12 =	vand.u32 $0xFFFFFFFD, v12;
	v13 =	vmov s30;
	[tilespmem:s1+$0x30] =	vst v10;
	v4 =	vmul.f32 v4, v2;
	v10 =	vld [tilespmem:s1+$0xB0]  }
0x119: {  	v12 =	vbroadcast v12, $0x0;
	v13 =	vand.u32 $0xFFFFFFFE, v13;
	[tilespmem:s1+$0x40] =	vst v11;
	v2 =	vmul.f32 v3, v2;
	v3 =	vld [tilespmem:s1+$0xC0]  }
0x11a: {  	v11 =	vbroadcast v13, $0x0;
	[tilespmem:s1+$0x50] =	vst v4;
	v4 =	vmul.f32 v8, v1;
	v8 =	vld [tilespmem:s1+$0xD0]  }
0x11b: {  	[tilespmem:s1+$0x60] =	vst v2;
	v2 =	vmul.f32 v7, v1;
	v7 =	vld [tilespmem:s1+$0xE0]  }
0x11c: {  	[tilespmem:s1+$0x80] =	vst v4;
	v4 =	vmul.f32 v9, v1;
	v9 =	vld [tilespmem:s1+$0xF0]  }
0x11d: {  	v5 =	vld.idx.msk [tilespmem:v5+s19+$0x0], $0xffff;
	[tilespmem:s1+$0x90] =	vst v2;
	v2 =	vmul.f32 v10, v1  }
0x11e: {  	v6 =	vld.idx.msk [tilespmem:v6+s19+$0x0], $0xffff;
	[tilespmem:s1+$0xA0] =	vst v4;
	v3 =	vmul.f32 v3, v1  }
0x11f: {  	v4 =	vld.idx.msk [tilespmem:v12+s19+$0x0], $0xffff;
	[tilespmem:s1+$0xB0] =	vst v2;
	v8 =	vmul.f32 v8, v1  }
0x120: {  	s1 =	sadd.s32 $0x200, s1;
	v2 =	vld.idx.msk [tilespmem:v11+s19+$0x0], $0xffff;
	[tilespmem:s31+$0xC0] =	vst v3;
	v3 =	vmul.f32 v7, v1  }
0x121: {  	v7 =	vld [tilespmem:s1+$0x70];
	[tilespmem:s31+$0xD0] =	vst v8;
	v9 =	vmul.f32 v9, v1  }
0x122: {  	v8 =	vld [tilespmem:s1+$0xFFFFFF00];
	[tilespmem:s31+$0xE0] =	vst v3  }
0x123: {  	v1 =	vmov v5;
	v3 =	vld [tilespmem:s1+$0xFFFFFF10];
	[tilespmem:s31+$0xF0] =	vst v9;
	s31 =	smov.u32 s1  }
0x124: {  	v5 =	vld [tilespmem:s1+$0xFFFFFF20]  }
0x125: {  	v9 =	vld [tilespmem:s1+$0xFFFFFF30]  }
0x126: {  	v10 =	vld [tilespmem:s1+$0xFFFFFF40];
	v7 =	vmul.f32 v7, v2  }
0x127: {  	v8 =	vmul.f32 v8, v6;
	v11 =	vld [tilespmem:s1+$0xFFFFFF50]  }
0x128: {  	v3 =	vmul.f32 v3, v6;
	v12 =	vld [tilespmem:s1+$0xFFFFFF60];
	[tilespmem:s1+$0x70] =	vst v7  }
0x129: {  	[tilespmem:s1+$0xFFFFFF00] =	vst v8;
	v5 =	vmul.f32 v5, v6;
	v7 =	vld [tilespmem:s1+$0xFFFFFF70]  }
0x12a: {  	[tilespmem:s1+$0xFFFFFF10] =	vst v3;
	v3 =	vmul.f32 v9, v6;
	v8 =	vld [tilespmem:s1+$0xFFFFFF80]  }
0x12b: {  	[tilespmem:s1+$0xFFFFFF20] =	vst v5;
	v5 =	vmul.f32 v10, v6;
	v9 =	vld [tilespmem:s1+$0xFFFFFF90]  }
0x12c: {  	[tilespmem:s1+$0xFFFFFF30] =	vst v3;
	v3 =	vmul.f32 v11, v6;
	v10 =	vld [tilespmem:s1+$0xFFFFFFA0]  }
0x12d: {  	[tilespmem:s1+$0xFFFFFF40] =	vst v5;
	v5 =	vmul.f32 v12, v6;
	v11 =	vld [tilespmem:s1+$0xFFFFFFB0]  }
0x12e: {  	[tilespmem:s1+$0xFFFFFF50] =	vst v3;
	v3 =	vmul.f32 v7, v6;
	v6 =	vld [tilespmem:s1+$0xFFFFFFC0]  }
0x12f: {  	[tilespmem:s1+$0xFFFFFF60] =	vst v5;
	v5 =	vmul.f32 v8, v4;
	v7 =	vld [tilespmem:s1+$0xFFFFFFD0]  }
0x130: {  	[tilespmem:s1+$0xFFFFFF70] =	vst v3;
	v3 =	vmul.f32 v9, v4;
	v8 =	vld [tilespmem:s1+$0xFFFFFFE0]  }
0x131: {  	[tilespmem:s1+$0xFFFFFF80] =	vst v5;
	v5 =	vmul.f32 v10, v4;
	v9 =	vld [tilespmem:s1+$0xFFFFFFF0]  }
0x132: {  	[tilespmem:s1+$0xFFFFFF90] =	vst v3;
	v3 =	vmul.f32 v11, v4;
	v10 =	vld [tilespmem:s1+$0x0]  }
0x133: {  	[tilespmem:s1+$0xFFFFFFA0] =	vst v5;
	v5 =	vmul.f32 v6, v4;
	v6 =	vld [tilespmem:s1+$0x10]  }
0x134: {  	[tilespmem:s1+$0xFFFFFFB0] =	vst v3;
	v3 =	vmul.f32 v7, v4;
	v7 =	vld [tilespmem:s1+$0x20]  }
0x135: {  	[tilespmem:s1+$0xFFFFFFC0] =	vst v5;
	v5 =	vmul.f32 v8, v4;
	v11 =	vld [tilespmem:s1+$0x30]  }
0x136: {  	[tilespmem:s1+$0xFFFFFFD0] =	vst v3;
	v3 =	vmul.f32 v9, v4;
	v9 =	vld [tilespmem:s1+$0x40]  }
.Ltmp1:
0x137: {  	[tilespmem:s1+$0xFFFFFFE0] =	vst v5;
	v5 =	vmul.f32 v10, v2;
	v4 =	vld [tilespmem:s1+$0x50];
	(pc) =	sbr.rel @p1 .LBB2_5-.Ltmp1, $4  }
0x138: {  	[tilespmem:s1+$0xFFFFFFF0] =	vst v3;
	v6 =	vmul.f32 v6, v2;
	v3 =	vld [tilespmem:s1+$0x60]  }
0x139: {  	s30 =	sadd.s32 $0x3, s13;
	v10 =	vmov s13;
	[tilespmem:s1+$0x0] =	vst v5;
	v13 =	vmul.f32 v7, v2;
	v8 =	vld [tilespmem:s1+$0x80]  }
0x13a: {  	s14 =	sadd.s32 $0x1, s13;
	v12 =	vand.u32 $0xFFFFFFFC, v10;
	v5 =	vmov s30;
	[tilespmem:s1+$0x10] =	vst v6;
	v10 =	vmul.f32 v11, v2;
	v7 =	vld [tilespmem:s1+$0x90]  }
0x13b: {  	s30 =	sadd.s32 $0x2, s13;
	s13 =	sadd.s32 $0x4, s13;
	v6 =	vbroadcast v12, $0x0;
	v12 =	vmov s14;
	[tilespmem:s1+$0x20] =	vst v13;
	v11 =	vmul.f32 v9, v2;
	v9 =	vld [tilespmem:s1+$0xA0]  }
0x13c: {  	v13 =	vld [tilespmem:s1+$0xB0]  }
0x13d: {  	v15 =	vld [tilespmem:s1+$0xC0]  }
0x13e: {  	v14 =	vmov s30;
	v16 =	vld [tilespmem:s1+$0xD0]  }
0x13f: {  	v17 =	vld [tilespmem:s1+$0xE0];
	[tilespmem:s1+$0x30] =	vst v10;
	v4 =	vmul.f32 v4, v2;
	v14 =	vand.u32 $0xFFFFFFFE, v14  }
0x140: {  	v12 =	vand.u32 $0xFFFFFFFD, v12;
	v5 =	vld.idx.msk [tilespmem:v5+s19+$0x0], $0xffff;
	[tilespmem:s1+$0x40] =	vst v11;
	v2 =	vmul.f32 v3, v2;
	v14 =	vbroadcast v14, $0x0  }
0x141: {  	s13 =	sadd.s32 $0x200, s1;
	v12 =	vbroadcast v12, $0x0;
	v3 =	vld.idx.msk [tilespmem:v6+s19+$0x0], $0xffff;
	v8 =	vmul.f32 v8, v1;
	[tilespmem:s1+$0x50] =	vst v4  }
0x142: {  	v10 =	vld [tilespmem:s13+$0xFFFFFF00];
	v4 =	vmul.f32 v7, v1;
	[tilespmem:s1+$0x60] =	vst v2  }
0x143: {  	[tilespmem:s1+$0x80] =	vst v8;
	v8 =	vld [tilespmem:s1+$0xF0];
	v2 =	vmul.f32 v9, v1  }
0x144: {  	v11 =	vld [tilespmem:s13+$0xFFFFFF10];
	[tilespmem:s1+$0x90] =	vst v4;
	v4 =	vmul.f32 v13, v1  }
0x145: {  	v9 =	vld [tilespmem:s13+$0x70];
	[tilespmem:s1+$0xA0] =	vst v2;
	v2 =	vmul.f32 v15, v1  }
0x146: {  	[tilespmem:s1+$0xB0] =	vst v4;
	v4 =	vmul.f32 v16, v1;
	v7 =	vld.idx.msk [tilespmem:v14+s19+$0x0], $0xffff  }
0x147: {  	v6 =	vld.idx.msk [tilespmem:v12+s19+$0x0], $0xffff;
	[tilespmem:s31+$0xC0] =	vst v2;
	v2 =	vmul.f32 v17, v1  }
0x148: {  	v12 =	vld [tilespmem:s13+$0xFFFFFF20];
	[tilespmem:s31+$0xD0] =	vst v4;
	v1 =	vmul.f32 v8, v1  }
0x149: {  	v4 =	vld [tilespmem:s13+$0xFFFFFF30];
	[tilespmem:s31+$0xE0] =	vst v2  }
0x14a: {  	v2 =	vld [tilespmem:s13+$0xFFFFFF40];
	[tilespmem:s31+$0xF0] =	vst v1;
	v1 =	vmul.f32 v10, v3  }
0x14b: {  	v8 =	vmul.f32 v9, v7;
	v9 =	vld [tilespmem:s13+$0xFFFFFF50]  }
0x14c: {  	v10 =	vmul.f32 v11, v3;
	v11 =	vld [tilespmem:s13+$0xFFFFFF60];
	[tilespmem:s13+$0xFFFFFF00] =	vst v1  }
0x14d: {  	v1 =	vmul.f32 v12, v3;
	[tilespmem:s13+$0x70] =	vst v8;
	v8 =	vld [tilespmem:s13+$0xFFFFFF70]  }
0x14e: {  	[tilespmem:s13+$0xFFFFFF10] =	vst v10;
	v10 =	vld [tilespmem:s13+$0xFFFFFF80];
	v4 =	vmul.f32 v4, v3  }
0x14f: {  	[tilespmem:s13+$0xFFFFFF20] =	vst v1;
	v1 =	vmul.f32 v2, v3;
	v2 =	vld [tilespmem:s13+$0xFFFFFF90]  }
0x150: {  	[tilespmem:s13+$0xFFFFFF30] =	vst v4;
	v4 =	vmul.f32 v9, v3;
	v9 =	vld [tilespmem:s13+$0xFFFFFFA0]  }
0x151: {  	[tilespmem:s13+$0xFFFFFF40] =	vst v1;
	v1 =	vmul.f32 v11, v3;
	v11 =	vld [tilespmem:s13+$0xFFFFFFB0]  }
0x152: {  	[tilespmem:s13+$0xFFFFFF50] =	vst v4;
	v3 =	vmul.f32 v8, v3;
	v4 =	vld [tilespmem:s13+$0xFFFFFFC0]  }
0x153: {  	[tilespmem:s13+$0xFFFFFF60] =	vst v1;
	v1 =	vmul.f32 v10, v6;
	v8 =	vld [tilespmem:s13+$0xFFFFFFD0]  }
0x154: {  	v2 =	vmul.f32 v2, v6;
	[tilespmem:s13+$0xFFFFFF70] =	vst v3;
	v3 =	vld [tilespmem:s13+$0xFFFFFFE0]  }
0x155: {  	[tilespmem:s13+$0xFFFFFF80] =	vst v1;
	v1 =	vmul.f32 v9, v6;
	v9 =	vld [tilespmem:s13+$0xFFFFFFF0]  }
0x156: {  	v10 =	vld [tilespmem:s13+$0x0];
	[tilespmem:s13+$0xFFFFFF90] =	vst v2;
	v2 =	vmul.f32 v11, v6  }
0x157: {  	[tilespmem:s13+$0xFFFFFFA0] =	vst v1;
	v1 =	vmul.f32 v4, v6;
	v4 =	vld [tilespmem:s13+$0x10]  }
0x158: {  	[tilespmem:s13+$0xFFFFFFB0] =	vst v2;
	v2 =	vmul.f32 v8, v6;
	v8 =	vld [tilespmem:s13+$0x20]  }
0x159: {  	[tilespmem:s13+$0xFFFFFFC0] =	vst v1;
	v1 =	vmul.f32 v3, v6;
	v3 =	vld [tilespmem:s13+$0x30]  }
0x15a: {  	[tilespmem:s13+$0xFFFFFFD0] =	vst v2;
	v2 =	vmul.f32 v9, v6;
	v6 =	vld [tilespmem:s13+$0x40]  }
0x15b: {  	v9 =	vld [tilespmem:s13+$0x50];
	[tilespmem:s13+$0xFFFFFFE0] =	vst v1;
	v1 =	vmul.f32 v10, v7  }
0x15c: {  	[tilespmem:s13+$0xFFFFFFF0] =	vst v2;
	v2 =	vmul.f32 v4, v7;
	v4 =	vld [tilespmem:s13+$0x60]  }
0x15d: {  	[tilespmem:s13+$0x0] =	vst v1;
	v1 =	vmul.f32 v8, v7;
	v8 =	vld [tilespmem:s13+$0x80]  }
0x15e: {  	[tilespmem:s13+$0x10] =	vst v2;
	v2 =	vmul.f32 v3, v7;
	v3 =	vld [tilespmem:s13+$0x90]  }
0x15f: {  	[tilespmem:s13+$0x20] =	vst v1;
	v1 =	vmul.f32 v6, v7;
	v6 =	vld [tilespmem:s13+$0xA0]  }
0x160: {  	[tilespmem:s13+$0x30] =	vst v2;
	v2 =	vmul.f32 v9, v7;
	v9 =	vld [tilespmem:s13+$0xB0]  }
0x161: {  	[tilespmem:s13+$0x40] =	vst v1;
	v1 =	vmul.f32 v4, v7;
	v4 =	vld [tilespmem:s13+$0xC0]  }
0x162: {  	v7 =	vld [tilespmem:s13+$0xD0];
	[tilespmem:s13+$0x50] =	vst v2;
	v2 =	vmul.f32 v8, v5  }
0x163: {  	[tilespmem:s13+$0x60] =	vst v1;
	v1 =	vmul.f32 v3, v5;
	v3 =	vld [tilespmem:s13+$0xE0]  }
0x164: {  	[tilespmem:s13+$0x80] =	vst v2;
	v2 =	vmul.f32 v6, v5;
	v6 =	vld [tilespmem:s13+$0xF0]  }
0x165: {  	[tilespmem:s13+$0x90] =	vst v1;
	v1 =	vmul.f32 v9, v5  }
0x166: {  	[tilespmem:s13+$0xA0] =	vst v2;
	v2 =	vmul.f32 v4, v5  }
0x167: {  	[tilespmem:s13+$0xB0] =	vst v1;
	v1 =	vmul.f32 v7, v5  }
0x168: {  	[tilespmem:s13+$0xC0] =	vst v2;
	v2 =	vmul.f32 v3, v5  }
0x169: {  	[tilespmem:s13+$0xD0] =	vst v1;
	v1 =	vmul.f32 v6, v5  }
0x16a: {  	[tilespmem:s13+$0xE0] =	vst v2  }
0x16b: {  	s1 =	simm.s32 @!p0 $0x9;
	[tilespmem:s13+$0xF0] =	vst v1;
	s13 =	simm.s32 $0x2E00  }
0x16c: {  	[spmem:s10] =	stream.indirect.scatter.add.f32 [tilespmem:s13], [sflag:$0x7], $0x80, s7, s28, $0xb8;
	[tilespmem:$0x1EB00] =	vst v63  }
0x16d: {  	_ =	swait.ge @!p0 [sflag:s1], $0x50  }
0x16e: {  	[sflag:s1] =	ssyncset.done @!p0 $0x0  }
0x16f: {  	[sflag:s1] =	ssyncadd.s32 @!p0 $0xFFFFFFB0  }
0x170: {  	_ =	swait.ge @!p0 [sflag:s1], $0x2800  }
0x171: {  	[sflag:s1] =	ssyncset.done @!p0 $0x0  }
0x172: {  	[sflag:s1] =	ssyncadd.s32 @!p0 $0xFFFFD800  }
0x173: {  	p0 =	seq.s32 s26, $0x2A;
	_ =	swait.ge [sflag:s0], $0x100  }
0x174: {  	s1 =	sadd.s32 @!p0 s29, s3;
	[sflag:s0] =	ssyncset.done $0x0  }
0x175: {  	s1 =	sshrl.u32 @!p0 s1, $0x3;
	[sflag:s0] =	ssyncadd.s32 $0xFFFFFF00  }
0x176: {  	[tilespmem:s25], [sflag:$0x6] =	stream.indirect.gather [hbm4b:s8+s28], $0x80, s6, s28, $0xb8;
	[tilespmem:$0x1EB00] =	vst v63  }
0x177: {  	s13 =	simm.s32 @!p0 $0x0;
	s1 =	sadd.s32 @!p0 s15, s1  }
0x178: {  	[tilespmem:s13], [sflag:$0x1] =	stream.linear.gather @!p0 [hbm4b:s1+s13], $0x100, $0x38;
	[tilespmem:$0x1EB00] =	vst v63  }
0x179: {  	_ =	swait.ge [sflag:s23], $0x2800  }
0x17a: {  	[sflag:s23] =	ssyncset.done $0x0  }
0x17b: {  	[sflag:s23] =	ssyncadd.s32 $0xFFFFD800  }
0x17c: {  	v1 =	vld [tilespmem:$0x100]  }
0x17d: {  	v2 =	vld [tilespmem:$0x180];
	_ =	sdelay $0x5  }
0x17e: {  	[tilespmem:$0x380] =	vst v2  }
0x17f: {  	v1 =	vld.idx.msk [tilespmem:v1+s12+$0x0], $0xffff  }
0x180: {  	v2 =	vld.idx.msk [tilespmem:v2+s12+$0x0], $0xffff;
	_ =	sdelay $0x4  }
0x181: {  	v1 =	vand.u32 $0xFFFF0000, v1;
	v2 =	vshll.u32 v2, $0x10  }
0x182: {  	v1 =	vadd.f32 v2, v1;
	_ =	sdelay $0x1  }
0x183: {  	v2 =	vmul.f32 $2.000000030e-01, v1  }
0x184: {  	vm0 =	vge.f32 v1, $0.0e+00  }
0x185: {  	v1 =	vsel vm0, v1, v2  }
0x186: {  	v1 =	vmul.f32 $1.442695020e+00, v1;
	_ =	sdelay $0x1  }
0x187: {  	(erf) = vpow2.f32 v1;
	_ =	sdelay $0x2  }
0x188: {  	v1 =	vld [tilespmem:$0x110]  }
0x189: {  	v2 =	vld [tilespmem:$0x190];
	_ =	sdelay $0x4  }
0x18a: {  	[tilespmem:$0x390] =	vst v2;
	v3 =	vpop (erf)  }
0x18b: {  	[tilespmem:$0x2D00] =	vst v3  }
0x18c: {  	v1 =	vld.idx.msk [tilespmem:v1+s12+$0x0], $0xffff  }
0x18d: {  	v2 =	vld.idx.msk [tilespmem:v2+s12+$0x0], $0xffff;
	_ =	sdelay $0x4  }
0x18e: {  	v1 =	vand.u32 $0xFFFF0000, v1;
	v2 =	vshll.u32 v2, $0x10  }
0x18f: {  	v1 =	vadd.f32 v2, v1;
	_ =	sdelay $0x1  }
0x190: {  	v2 =	vmul.f32 $2.000000030e-01, v1  }
0x191: {  	vm12 =	vge.f32 v1, $0.0e+00  }
0x192: {  	v1 =	vsel vm12, v1, v2  }
0x193: {  	v1 =	vmul.f32 $1.442695020e+00, v1;
	_ =	sdelay $0x1  }
0x194: {  	(erf) = vpow2.f32 v1;
	_ =	sdelay $0x2  }
0x195: {  	v1 =	vld [tilespmem:$0x120]  }
0x196: {  	v2 =	vld [tilespmem:$0x1A0];
	_ =	sdelay $0x4  }
0x197: {  	[tilespmem:$0x3A0] =	vst v2;
	v3 =	vpop (erf)  }
0x198: {  	[tilespmem:$0x2D10] =	vst v3  }
0x199: {  	v1 =	vld.idx.msk [tilespmem:v1+s12+$0x0], $0xffff  }
0x19a: {  	v2 =	vld.idx.msk [tilespmem:v2+s12+$0x0], $0xffff;
	_ =	sdelay $0x4  }
0x19b: {  	v1 =	vand.u32 $0xFFFF0000, v1;
	v2 =	vshll.u32 v2, $0x10  }
0x19c: {  	v1 =	vadd.f32 v2, v1;
	_ =	sdelay $0x1  }
0x19d: {  	v2 =	vmul.f32 $2.000000030e-01, v1  }
0x19e: {  	vm13 =	vge.f32 v1, $0.0e+00  }
0x19f: {  	v1 =	vsel vm13, v1, v2  }
0x1a0: {  	v1 =	vmul.f32 $1.442695020e+00, v1;
	_ =	sdelay $0x1  }
0x1a1: {  	(erf) = vpow2.f32 v1;
	_ =	sdelay $0x2  }
0x1a2: {  	v1 =	vld [tilespmem:$0x130]  }
0x1a3: {  	v2 =	vld [tilespmem:$0x1B0];
	_ =	sdelay $0x4  }
0x1a4: {  	[tilespmem:$0x3B0] =	vst v2;
	v3 =	vpop (erf)  }
0x1a5: {  	[tilespmem:$0x2D20] =	vst v3  }
0x1a6: {  	v1 =	vld.idx.msk [tilespmem:v1+s12+$0x0], $0xffff  }
0x1a7: {  	v2 =	vld.idx.msk [tilespmem:v2+s12+$0x0], $0xffff;
	_ =	sdelay $0x4  }
0x1a8: {  	v1 =	vand.u32 $0xFFFF0000, v1;
	v2 =	vshll.u32 v2, $0x10  }
0x1a9: {  	v1 =	vadd.f32 v2, v1;
	_ =	sdelay $0x1  }
0x1aa: {  	v2 =	vmul.f32 $2.000000030e-01, v1  }
0x1ab: {  	vm14 =	vge.f32 v1, $0.0e+00  }
0x1ac: {  	v1 =	vsel vm14, v1, v2  }
0x1ad: {  	v1 =	vmul.f32 $1.442695020e+00, v1;
	_ =	sdelay $0x1  }
0x1ae: {  	(erf) = vpow2.f32 v1;
	_ =	sdelay $0x2  }
0x1af: {  	v1 =	vld [tilespmem:$0x140]  }
0x1b0: {  	v2 =	vld [tilespmem:$0x1C0];
	_ =	sdelay $0x4  }
0x1b1: {  	[tilespmem:$0x3C0] =	vst v2;
	v3 =	vpop (erf)  }
0x1b2: {  	[tilespmem:$0x2D30] =	vst v3  }
0x1b3: {  	v1 =	vld.idx.msk [tilespmem:v1+s12+$0x0], $0xffff  }
0x1b4: {  	v2 =	vld.idx.msk [tilespmem:v2+s12+$0x0], $0xffff;
	_ =	sdelay $0x4  }
0x1b5: {  	v1 =	vand.u32 $0xFFFF0000, v1;
	v2 =	vshll.u32 v2, $0x10  }
0x1b6: {  	v1 =	vadd.f32 v2, v1;
	_ =	sdelay $0x1  }
0x1b7: {  	v2 =	vmul.f32 $2.000000030e-01, v1  }
0x1b8: {  	vm15 =	vge.f32 v1, $0.0e+00  }
0x1b9: {  	v1 =	vsel vm15, v1, v2  }
0x1ba: {  	v1 =	vmul.f32 $1.442695020e+00, v1;
	_ =	sdelay $0x1  }
0x1bb: {  	(erf) = vpow2.f32 v1;
	_ =	sdelay $0x2  }
0x1bc: {  	s14 =	simm.s32 $0x0  }
0x1bd: {  	s13 =	simm.s32 $0x2;
	v1 =	vmov s14  }
0x1be: {  	v2 =	vmov s13;
	v1 =	vand.u32 $0xFFFFFFFC, v1  }
0x1bf: {  	v2 =	vand.u32 $0xFFFFFFFE, v2;
	v1 =	vbroadcast v1, $0x0  }
0x1c0: {  	v2 =	vbroadcast v2, $0x0;
	_ =	sdelay $0x1  }
0x1c1: {  	v3 =	vpop (erf)  }
0x1c2: {  	[tilespmem:$0x2D40] =	vst v3  }
0x1c3: {  	[spmem:s11] =	stream.indirect.scatter.add.f32 [tilespmem:s17], [sflag:$0x8], $0x1, s16, s28, $0xb8;
	[tilespmem:$0x1EB00] =	vst v63  }
0x1c4: {  	v1 =	vld.idx.msk [tilespmem:v1+s17+$0x0], $0xffff  }
0x1c5: {  	s1 =	simm.s32 $0x5700;
	v2 =	vld.idx.msk [tilespmem:v2+s17+$0x0], $0xffff  }
0x1c6: {  	s14 =	simm.s32 $0x1;
	v4 =	vld [tilespmem:s1+$0x70]  }
0x1c7: {  	v3 =	vmov s14;
	v5 =	vld [tilespmem:s1+$0xFFFFFF00]  }
0x1c8: {  	v3 =	vand.u32 $0xFFFFFFFD, v3;
	v6 =	vld [tilespmem:s1+$0xFFFFFF10]  }
0x1c9: {  	v3 =	vbroadcast v3, $0x0;
	v7 =	vld [tilespmem:s1+$0xFFFFFF20]  }
0x1ca: {  	v8 =	vld [tilespmem:s1+$0xFFFFFF30]  }
0x1cb: {  	v9 =	vld [tilespmem:s1+$0xFFFFFF40]  }
0x1cc: {  	v10 =	vld [tilespmem:s1+$0xFFFFFF50]  }
0x1cd: {  	v11 =	vld [tilespmem:s1+$0xFFFFFF60];
	v5 =	vmul.f32 v5, v1  }
0x1ce: {  	v13 =	vld [tilespmem:s1+$0x40];
	v4 =	vmul.f32 v4, v2  }
0x1cf: {  	v3 =	vld.idx.msk [tilespmem:v3+s17+$0x0], $0xffff;
	[tilespmem:s1+$0xFFFFFF00] =	vst v5;
	v5 =	vmul.f32 v6, v1  }
0x1d0: {  	v6 =	vld [tilespmem:s1+$0xFFFFFF70];
	[tilespmem:s1+$0x70] =	vst v4;
	v4 =	vmul.f32 v7, v1  }
0x1d1: {  	v7 =	vld [tilespmem:s1+$0xFFFFFF80];
	[tilespmem:s1+$0xFFFFFF10] =	vst v5;
	v5 =	vmul.f32 v8, v1  }
0x1d2: {  	v8 =	vld [tilespmem:s1+$0xFFFFFF90];
	[tilespmem:s1+$0xFFFFFF20] =	vst v4;
	v4 =	vmul.f32 v9, v1  }
0x1d3: {  	v9 =	vld [tilespmem:s1+$0xFFFFFFA0];
	[tilespmem:s1+$0xFFFFFF30] =	vst v5;
	v5 =	vmul.f32 v10, v1  }
0x1d4: {  	v10 =	vld [tilespmem:s1+$0xFFFFFFB0];
	[tilespmem:s1+$0xFFFFFF40] =	vst v4;
	v4 =	vmul.f32 v11, v1  }
0x1d5: {  	v11 =	vld [tilespmem:s1+$0xFFFFFFC0];
	v6 =	vmul.f32 v6, v1;
	[tilespmem:s1+$0xFFFFFF50] =	vst v5  }
0x1d6: {  	v5 =	vmul.f32 v7, v3;
	v7 =	vld [tilespmem:s1+$0xFFFFFFD0];
	[tilespmem:s1+$0xFFFFFF60] =	vst v4  }
0x1d7: {  	s14 =	simm.s32 $0x3;
	v4 =	vld [tilespmem:s1+$0xFFFFFFE0];
	v8 =	vmul.f32 v8, v3;
	[tilespmem:s1+$0xFFFFFF70] =	vst v6  }
0x1d8: {  	v12 =	vmov s14;
	v6 =	vld [tilespmem:s1+$0xFFFFFFF0];
	[tilespmem:s1+$0xFFFFFF80] =	vst v5;
	v5 =	vmul.f32 v9, v3  }
0x1d9: {  	v9 =	vld [tilespmem:s1+$0x0];
	[tilespmem:s1+$0xFFFFFF90] =	vst v8;
	v8 =	vmul.f32 v10, v3  }
0x1da: {  	v10 =	vld [tilespmem:s1+$0x10];
	[tilespmem:s1+$0xFFFFFFA0] =	vst v5;
	v5 =	vmul.f32 v11, v3  }
0x1db: {  	[tilespmem:s1+$0xFFFFFFB0] =	vst v8;
	v7 =	vmul.f32 v7, v3;
	v8 =	vld [tilespmem:s1+$0x20]  }
0x1dc: {  	v11 =	vld [tilespmem:s1+$0x30];
	v4 =	vmul.f32 v4, v3;
	[tilespmem:s1+$0xFFFFFFC0] =	vst v5  }
0x1dd: {  	v1 =	vld.idx.msk [tilespmem:v12+s17+$0x0], $0xffff;
	v3 =	vmul.f32 v6, v3;
	[tilespmem:s1+$0xFFFFFFD0] =	vst v7  }
0x1de: {  	[tilespmem:s1+$0xFFFFFFE0] =	vst v4;
	v5 =	vmul.f32 v9, v2;
	v4 =	vld [tilespmem:s1+$0x50]  }
0x1df: {  	s14 =	simm.s32 $0x4;
	[tilespmem:s1+$0xFFFFFFF0] =	vst v3;
	v6 =	vmul.f32 v10, v2;
	v3 =	vld [tilespmem:s1+$0x60]  }
0x1e0: {  	s13 =	simm.s32 $0x7;
	v7 =	vmov s14;
	[tilespmem:s1+$0x0] =	vst v5;
	v9 =	vmul.f32 v8, v2;
	v8 =	vld [tilespmem:s1+$0x80]  }
0x1e1: {  	s14 =	simm.s32 $0x5;
	v12 =	vand.u32 $0xFFFFFFFC, v7;
	v7 =	vld [tilespmem:s1+$0x90];
	v5 =	vmov s13;
	v10 =	vmul.f32 v11, v2;
	[tilespmem:s1+$0x10] =	vst v6  }
0x1e2: {  	s30 =	simm.s32 $0x6;
	s31 =	simm.s32 $0x5700;
	s13 =	simm.s32 $0x8;
	v11 =	vmul.f32 v13, v2;
	v6 =	vbroadcast v12, $0x0;
	v12 =	vmov s14;
	[tilespmem:s1+$0x20] =	vst v9;
	v9 =	vld [tilespmem:s1+$0xA0]  }
.LBB2_7:
0x1e3: {  	p1 =	slt.u32 s13, $0x4C;
	v12 =	vand.u32 $0xFFFFFFFD, v12;
	v13 =	vmov s30;
	[tilespmem:s1+$0x30] =	vst v10;
	v4 =	vmul.f32 v4, v2;
	v10 =	vld [tilespmem:s1+$0xB0]  }
0x1e4: {  	v12 =	vbroadcast v12, $0x0;
	v13 =	vand.u32 $0xFFFFFFFE, v13;
	[tilespmem:s1+$0x40] =	vst v11;
	v2 =	vmul.f32 v3, v2;
	v3 =	vld [tilespmem:s1+$0xC0]  }
0x1e5: {  	v11 =	vbroadcast v13, $0x0;
	[tilespmem:s1+$0x50] =	vst v4;
	v4 =	vmul.f32 v8, v1;
	v8 =	vld [tilespmem:s1+$0xD0]  }
0x1e6: {  	[tilespmem:s1+$0x60] =	vst v2;
	v2 =	vmul.f32 v7, v1;
	v7 =	vld [tilespmem:s1+$0xE0]  }
0x1e7: {  	[tilespmem:s1+$0x80] =	vst v4;
	v4 =	vmul.f32 v9, v1;
	v9 =	vld [tilespmem:s1+$0xF0]  }
0x1e8: {  	v5 =	vld.idx.msk [tilespmem:v5+s17+$0x0], $0xffff;
	[tilespmem:s1+$0x90] =	vst v2;
	v2 =	vmul.f32 v10, v1  }
0x1e9: {  	v6 =	vld.idx.msk [tilespmem:v6+s17+$0x0], $0xffff;
	[tilespmem:s1+$0xA0] =	vst v4;
	v3 =	vmul.f32 v3, v1  }
0x1ea: {  	v4 =	vld.idx.msk [tilespmem:v12+s17+$0x0], $0xffff;
	[tilespmem:s1+$0xB0] =	vst v2;
	v8 =	vmul.f32 v8, v1  }
0x1eb: {  	s1 =	sadd.s32 $0x200, s1;
	v2 =	vld.idx.msk [tilespmem:v11+s17+$0x0], $0xffff;
	[tilespmem:s31+$0xC0] =	vst v3;
	v3 =	vmul.f32 v7, v1  }
0x1ec: {  	v7 =	vld [tilespmem:s1+$0x70];
	[tilespmem:s31+$0xD0] =	vst v8;
	v9 =	vmul.f32 v9, v1  }
0x1ed: {  	v8 =	vld [tilespmem:s1+$0xFFFFFF00];
	[tilespmem:s31+$0xE0] =	vst v3  }
0x1ee: {  	v1 =	vmov v5;
	v3 =	vld [tilespmem:s1+$0xFFFFFF10];
	[tilespmem:s31+$0xF0] =	vst v9;
	s31 =	smov.u32 s1  }
0x1ef: {  	v5 =	vld [tilespmem:s1+$0xFFFFFF20]  }
0x1f0: {  	v9 =	vld [tilespmem:s1+$0xFFFFFF30]  }
0x1f1: {  	v10 =	vld [tilespmem:s1+$0xFFFFFF40];
	v7 =	vmul.f32 v7, v2  }
0x1f2: {  	v8 =	vmul.f32 v8, v6;
	v11 =	vld [tilespmem:s1+$0xFFFFFF50]  }
0x1f3: {  	v3 =	vmul.f32 v3, v6;
	v12 =	vld [tilespmem:s1+$0xFFFFFF60];
	[tilespmem:s1+$0x70] =	vst v7  }
0x1f4: {  	[tilespmem:s1+$0xFFFFFF00] =	vst v8;
	v5 =	vmul.f32 v5, v6;
	v7 =	vld [tilespmem:s1+$0xFFFFFF70]  }
0x1f5: {  	[tilespmem:s1+$0xFFFFFF10] =	vst v3;
	v3 =	vmul.f32 v9, v6;
	v8 =	vld [tilespmem:s1+$0xFFFFFF80]  }
0x1f6: {  	[tilespmem:s1+$0xFFFFFF20] =	vst v5;
	v5 =	vmul.f32 v10, v6;
	v9 =	vld [tilespmem:s1+$0xFFFFFF90]  }
0x1f7: {  	[tilespmem:s1+$0xFFFFFF30] =	vst v3;
	v3 =	vmul.f32 v11, v6;
	v10 =	vld [tilespmem:s1+$0xFFFFFFA0]  }
0x1f8: {  	[tilespmem:s1+$0xFFFFFF40] =	vst v5;
	v5 =	vmul.f32 v12, v6;
	v11 =	vld [tilespmem:s1+$0xFFFFFFB0]  }
0x1f9: {  	[tilespmem:s1+$0xFFFFFF50] =	vst v3;
	v3 =	vmul.f32 v7, v6;
	v6 =	vld [tilespmem:s1+$0xFFFFFFC0]  }
0x1fa: {  	[tilespmem:s1+$0xFFFFFF60] =	vst v5;
	v5 =	vmul.f32 v8, v4;
	v7 =	vld [tilespmem:s1+$0xFFFFFFD0]  }
0x1fb: {  	[tilespmem:s1+$0xFFFFFF70] =	vst v3;
	v3 =	vmul.f32 v9, v4;
	v8 =	vld [tilespmem:s1+$0xFFFFFFE0]  }
0x1fc: {  	[tilespmem:s1+$0xFFFFFF80] =	vst v5;
	v5 =	vmul.f32 v10, v4;
	v9 =	vld [tilespmem:s1+$0xFFFFFFF0]  }
0x1fd: {  	[tilespmem:s1+$0xFFFFFF90] =	vst v3;
	v3 =	vmul.f32 v11, v4;
	v10 =	vld [tilespmem:s1+$0x0]  }
0x1fe: {  	[tilespmem:s1+$0xFFFFFFA0] =	vst v5;
	v5 =	vmul.f32 v6, v4;
	v6 =	vld [tilespmem:s1+$0x10]  }
0x1ff: {  	[tilespmem:s1+$0xFFFFFFB0] =	vst v3;
	v3 =	vmul.f32 v7, v4;
	v7 =	vld [tilespmem:s1+$0x20]  }
0x200: {  	[tilespmem:s1+$0xFFFFFFC0] =	vst v5;
	v5 =	vmul.f32 v8, v4;
	v11 =	vld [tilespmem:s1+$0x30]  }
0x201: {  	[tilespmem:s1+$0xFFFFFFD0] =	vst v3;
	v3 =	vmul.f32 v9, v4;
	v9 =	vld [tilespmem:s1+$0x40]  }
.Ltmp2:
0x202: {  	[tilespmem:s1+$0xFFFFFFE0] =	vst v5;
	v5 =	vmul.f32 v10, v2;
	v4 =	vld [tilespmem:s1+$0x50];
	(pc) =	sbr.rel @p1 .LBB2_7-.Ltmp2, $4  }
0x203: {  	[tilespmem:s1+$0xFFFFFFF0] =	vst v3;
	v6 =	vmul.f32 v6, v2;
	v3 =	vld [tilespmem:s1+$0x60]  }
0x204: {  	s14 =	sadd.s32 $0x3, s13;
	v10 =	vmov s13;
	[tilespmem:s1+$0x0] =	vst v5;
	v13 =	vmul.f32 v7, v2;
	v8 =	vld [tilespmem:s1+$0x80]  }
0x205: {  	s30 =	sadd.s32 $0x1, s13;
	v12 =	vand.u32 $0xFFFFFFFC, v10;
	v5 =	vmov s14;
	[tilespmem:s1+$0x10] =	vst v6;
	v10 =	vmul.f32 v11, v2;
	v7 =	vld [tilespmem:s1+$0x90]  }
0x206: {  	v6 =	vbroadcast v12, $0x0;
	v12 =	vmov s30;
	s30 =	sadd.s32 $0x2, s13;
	s13 =	sadd.s32 $0x4, s13;
	[tilespmem:s1+$0x20] =	vst v13;
	v11 =	vmul.f32 v9, v2;
	v9 =	vld [tilespmem:s1+$0xA0]  }
0x207: {  	v13 =	vld [tilespmem:s1+$0xB0]  }
0x208: {  	v15 =	vld [tilespmem:s1+$0xC0]  }
0x209: {  	v14 =	vmov s30;
	v16 =	vld [tilespmem:s1+$0xD0]  }
0x20a: {  	v17 =	vld [tilespmem:s1+$0xE0];
	[tilespmem:s1+$0x30] =	vst v10;
	v4 =	vmul.f32 v4, v2;
	v14 =	vand.u32 $0xFFFFFFFE, v14  }
0x20b: {  	v12 =	vand.u32 $0xFFFFFFFD, v12;
	v5 =	vld.idx.msk [tilespmem:v5+s17+$0x0], $0xffff;
	[tilespmem:s1+$0x40] =	vst v11;
	v2 =	vmul.f32 v3, v2;
	v14 =	vbroadcast v14, $0x0  }
0x20c: {  	s13 =	sadd.s32 $0x200, s1;
	v12 =	vbroadcast v12, $0x0;
	v3 =	vld.idx.msk [tilespmem:v6+s17+$0x0], $0xffff;
	v8 =	vmul.f32 v8, v1;
	[tilespmem:s1+$0x50] =	vst v4  }
0x20d: {  	v10 =	vld [tilespmem:s13+$0xFFFFFF00];
	v4 =	vmul.f32 v7, v1;
	[tilespmem:s1+$0x60] =	vst v2  }
0x20e: {  	[tilespmem:s1+$0x80] =	vst v8;
	v8 =	vld [tilespmem:s1+$0xF0];
	v2 =	vmul.f32 v9, v1  }
0x20f: {  	v11 =	vld [tilespmem:s13+$0xFFFFFF10];
	[tilespmem:s1+$0x90] =	vst v4;
	v4 =	vmul.f32 v13, v1  }
0x210: {  	v9 =	vld [tilespmem:s13+$0x70];
	[tilespmem:s1+$0xA0] =	vst v2;
	v2 =	vmul.f32 v15, v1  }
0x211: {  	[tilespmem:s1+$0xB0] =	vst v4;
	v4 =	vmul.f32 v16, v1;
	v7 =	vld.idx.msk [tilespmem:v14+s17+$0x0], $0xffff  }
0x212: {  	v6 =	vld.idx.msk [tilespmem:v12+s17+$0x0], $0xffff;
	[tilespmem:s31+$0xC0] =	vst v2;
	v2 =	vmul.f32 v17, v1  }
0x213: {  	v12 =	vld [tilespmem:s13+$0xFFFFFF20];
	[tilespmem:s31+$0xD0] =	vst v4;
	v1 =	vmul.f32 v8, v1  }
0x214: {  	v4 =	vld [tilespmem:s13+$0xFFFFFF30];
	[tilespmem:s31+$0xE0] =	vst v2  }
0x215: {  	v2 =	vld [tilespmem:s13+$0xFFFFFF40];
	[tilespmem:s31+$0xF0] =	vst v1;
	v1 =	vmul.f32 v10, v3  }
0x216: {  	v8 =	vmul.f32 v9, v7;
	v9 =	vld [tilespmem:s13+$0xFFFFFF50]  }
0x217: {  	v10 =	vmul.f32 v11, v3;
	v11 =	vld [tilespmem:s13+$0xFFFFFF60];
	[tilespmem:s13+$0xFFFFFF00] =	vst v1  }
0x218: {  	v1 =	vmul.f32 v12, v3;
	[tilespmem:s13+$0x70] =	vst v8;
	v8 =	vld [tilespmem:s13+$0xFFFFFF70]  }
0x219: {  	[tilespmem:s13+$0xFFFFFF10] =	vst v10;
	v10 =	vld [tilespmem:s13+$0xFFFFFF80];
	v4 =	vmul.f32 v4, v3  }
0x21a: {  	[tilespmem:s13+$0xFFFFFF20] =	vst v1;
	v1 =	vmul.f32 v2, v3;
	v2 =	vld [tilespmem:s13+$0xFFFFFF90]  }
0x21b: {  	[tilespmem:s13+$0xFFFFFF30] =	vst v4;
	v4 =	vmul.f32 v9, v3;
	v9 =	vld [tilespmem:s13+$0xFFFFFFA0]  }
0x21c: {  	[tilespmem:s13+$0xFFFFFF40] =	vst v1;
	v1 =	vmul.f32 v11, v3;
	v11 =	vld [tilespmem:s13+$0xFFFFFFB0]  }
0x21d: {  	[tilespmem:s13+$0xFFFFFF50] =	vst v4;
	v3 =	vmul.f32 v8, v3;
	v4 =	vld [tilespmem:s13+$0xFFFFFFC0]  }
0x21e: {  	[tilespmem:s13+$0xFFFFFF60] =	vst v1;
	v1 =	vmul.f32 v10, v6;
	v8 =	vld [tilespmem:s13+$0xFFFFFFD0]  }
0x21f: {  	v2 =	vmul.f32 v2, v6;
	[tilespmem:s13+$0xFFFFFF70] =	vst v3;
	v3 =	vld [tilespmem:s13+$0xFFFFFFE0]  }
0x220: {  	[tilespmem:s13+$0xFFFFFF80] =	vst v1;
	v1 =	vmul.f32 v9, v6;
	v9 =	vld [tilespmem:s13+$0xFFFFFFF0]  }
0x221: {  	v10 =	vld [tilespmem:s13+$0x0];
	[tilespmem:s13+$0xFFFFFF90] =	vst v2;
	v2 =	vmul.f32 v11, v6  }
0x222: {  	[tilespmem:s13+$0xFFFFFFA0] =	vst v1;
	v1 =	vmul.f32 v4, v6;
	v4 =	vld [tilespmem:s13+$0x10]  }
0x223: {  	[tilespmem:s13+$0xFFFFFFB0] =	vst v2;
	v2 =	vmul.f32 v8, v6;
	v8 =	vld [tilespmem:s13+$0x20]  }
0x224: {  	[tilespmem:s13+$0xFFFFFFC0] =	vst v1;
	v1 =	vmul.f32 v3, v6;
	v3 =	vld [tilespmem:s13+$0x30]  }
0x225: {  	[tilespmem:s13+$0xFFFFFFD0] =	vst v2;
	v2 =	vmul.f32 v9, v6;
	v6 =	vld [tilespmem:s13+$0x40]  }
0x226: {  	v9 =	vld [tilespmem:s13+$0x50];
	[tilespmem:s13+$0xFFFFFFE0] =	vst v1;
	v1 =	vmul.f32 v10, v7  }
0x227: {  	[tilespmem:s13+$0xFFFFFFF0] =	vst v2;
	v2 =	vmul.f32 v4, v7;
	v4 =	vld [tilespmem:s13+$0x60]  }
0x228: {  	[tilespmem:s13+$0x0] =	vst v1;
	v1 =	vmul.f32 v8, v7;
	v8 =	vld [tilespmem:s13+$0x80]  }
0x229: {  	[tilespmem:s13+$0x10] =	vst v2;
	v2 =	vmul.f32 v3, v7;
	v3 =	vld [tilespmem:s13+$0x90]  }
0x22a: {  	[tilespmem:s13+$0x20] =	vst v1;
	v1 =	vmul.f32 v6, v7;
	v6 =	vld [tilespmem:s13+$0xA0]  }
0x22b: {  	[tilespmem:s13+$0x30] =	vst v2;
	v2 =	vmul.f32 v9, v7;
	v9 =	vld [tilespmem:s13+$0xB0]  }
0x22c: {  	[tilespmem:s13+$0x40] =	vst v1;
	v1 =	vmul.f32 v4, v7;
	v4 =	vld [tilespmem:s13+$0xC0]  }
0x22d: {  	v7 =	vld [tilespmem:s13+$0xD0];
	[tilespmem:s13+$0x50] =	vst v2;
	v2 =	vmul.f32 v8, v5  }
0x22e: {  	[tilespmem:s13+$0x60] =	vst v1;
	v1 =	vmul.f32 v3, v5;
	v3 =	vld [tilespmem:s13+$0xE0]  }
0x22f: {  	[tilespmem:s13+$0x80] =	vst v2;
	v2 =	vmul.f32 v6, v5;
	v6 =	vld [tilespmem:s13+$0xF0]  }
0x230: {  	[tilespmem:s13+$0x90] =	vst v1;
	v1 =	vmul.f32 v9, v5  }
0x231: {  	[tilespmem:s13+$0xA0] =	vst v2;
	v2 =	vmul.f32 v4, v5  }
0x232: {  	[tilespmem:s13+$0xB0] =	vst v1;
	v1 =	vmul.f32 v7, v5  }
0x233: {  	[tilespmem:s13+$0xC0] =	vst v2;
	v2 =	vmul.f32 v3, v5  }
0x234: {  	[tilespmem:s13+$0xD0] =	vst v1;
	v1 =	vmul.f32 v6, v5  }
0x235: {  	[tilespmem:s13+$0xE0] =	vst v2  }
0x236: {  	s1 =	simm.s32 @!p0 $0x1;
	[tilespmem:s13+$0xF0] =	vst v1  }
0x237: {  	[spmem:s10] =	stream.indirect.scatter.add.f32 [tilespmem:s5], [sflag:$0x8], $0x80, s16, s28, $0xb8;
	[tilespmem:$0x1EB00] =	vst v63  }
0x238: {  	_ =	swait.ge @!p0 [sflag:s1], $0x100  }
0x239: {  	[sflag:s1] =	ssyncset.done @!p0 $0x0  }
0x23a: {  	[sflag:s1] =	ssyncadd.s32 @!p0 $0xFFFFFF00;
	s1 =	simm.s32 @!p0 $0x7  }
0x23b: {  	_ =	swait.ge @!p0 [sflag:s1], $0x50  }
0x23c: {  	[sflag:s1] =	ssyncset.done @!p0 $0x0  }
0x23d: {  	[sflag:s1] =	ssyncadd.s32 @!p0 $0xFFFFFFB0  }
0x23e: {  	_ =	swait.ge @!p0 [sflag:s1], $0x2800  }
0x23f: {  	s14 =	simm.s32 @!p0 $0x2E00;
	[sflag:s1] =	ssyncset.done @!p0 $0x0  }
0x240: {  	s13 =	simm.s32 @!p0 $0x0;
	[sflag:s1] =	ssyncadd.s32 @!p0 $0xFFFFD800;
	s1 =	simm.s32 @!p0 $0x50  }
0x241: {  	[tilespmem:s14], [sflag:$0x4] =	stream.indirect.gather @!p0 [hbm4b:s8+s1], $0x80, s13, s1, $0xb8;
	[tilespmem:$0x1EB00] =	vst v63  }
0x242: {  	s1 =	sadd.s32 @!p0 s29, s4  }
0x243: {  	s1 =	sshrl.u32 @!p0 s1, $0x3  }
0x244: {  	s14 =	simm.s32 @!p0 $0x100;
	s1 =	sadd.s32 @!p0 s15, s1  }
0x245: {  	[tilespmem:s14], [sflag:$0x2] =	stream.linear.gather @!p0 [hbm4b:s1+s13], $0x100, $0x38;
	[tilespmem:$0x1EB00] =	vst v63  }
0x246: {  	_ =	swait.ge [sflag:s18], $0x2800  }
0x247: {  	[sflag:s18] =	ssyncset.done $0x0  }
0x248: {  	[sflag:s18] =	ssyncadd.s32 $0xFFFFD800  }
0x249: {  	v1 =	vld [tilespmem:$0x200]  }
0x24a: {  	v2 =	vld [tilespmem:$0x280];
	_ =	sdelay $0x5  }
0x24b: {  	[tilespmem:$0x400] =	vst v2  }
0x24c: {  	v1 =	vld.idx.msk [tilespmem:v1+s12+$0x0], $0xffff  }
0x24d: {  	v2 =	vld.idx.msk [tilespmem:v2+s12+$0x0], $0xffff;
	_ =	sdelay $0x4  }
0x24e: {  	v1 =	vand.u32 $0xFFFF0000, v1;
	v2 =	vshll.u32 v2, $0x10  }
0x24f: {  	v1 =	vadd.f32 v2, v1;
	_ =	sdelay $0x1  }
0x250: {  	v2 =	vmul.f32 $2.000000030e-01, v1  }
0x251: {  	vm0 =	vge.f32 v1, $0.0e+00  }
0x252: {  	v1 =	vsel vm0, v1, v2  }
0x253: {  	v1 =	vmul.f32 $1.442695020e+00, v1;
	_ =	sdelay $0x1  }
0x254: {  	(erf) = vpow2.f32 v1;
	_ =	sdelay $0x2  }
0x255: {  	v1 =	vld [tilespmem:$0x210]  }
0x256: {  	v2 =	vld [tilespmem:$0x290];
	_ =	sdelay $0x4  }
0x257: {  	[tilespmem:$0x410] =	vst v2;
	v3 =	vpop (erf)  }
0x258: {  	[tilespmem:$0x2D80] =	vst v3  }
0x259: {  	v1 =	vld.idx.msk [tilespmem:v1+s12+$0x0], $0xffff  }
0x25a: {  	v2 =	vld.idx.msk [tilespmem:v2+s12+$0x0], $0xffff;
	_ =	sdelay $0x4  }
0x25b: {  	v1 =	vand.u32 $0xFFFF0000, v1;
	v2 =	vshll.u32 v2, $0x10  }
0x25c: {  	v1 =	vadd.f32 v2, v1;
	_ =	sdelay $0x1  }
0x25d: {  	v2 =	vmul.f32 $2.000000030e-01, v1  }
0x25e: {  	vm12 =	vge.f32 v1, $0.0e+00  }
0x25f: {  	v1 =	vsel vm12, v1, v2  }
0x260: {  	v1 =	vmul.f32 $1.442695020e+00, v1;
	_ =	sdelay $0x1  }
0x261: {  	(erf) = vpow2.f32 v1;
	_ =	sdelay $0x2  }
0x262: {  	v1 =	vld [tilespmem:$0x220]  }
0x263: {  	v2 =	vld [tilespmem:$0x2A0];
	_ =	sdelay $0x4  }
0x264: {  	[tilespmem:$0x420] =	vst v2;
	v3 =	vpop (erf)  }
0x265: {  	[tilespmem:$0x2D90] =	vst v3  }
0x266: {  	v1 =	vld.idx.msk [tilespmem:v1+s12+$0x0], $0xffff  }
0x267: {  	v2 =	vld.idx.msk [tilespmem:v2+s12+$0x0], $0xffff;
	_ =	sdelay $0x4  }
0x268: {  	v1 =	vand.u32 $0xFFFF0000, v1;
	v2 =	vshll.u32 v2, $0x10  }
0x269: {  	v1 =	vadd.f32 v2, v1;
	_ =	sdelay $0x1  }
0x26a: {  	v2 =	vmul.f32 $2.000000030e-01, v1  }
0x26b: {  	vm13 =	vge.f32 v1, $0.0e+00  }
0x26c: {  	v1 =	vsel vm13, v1, v2  }
0x26d: {  	v1 =	vmul.f32 $1.442695020e+00, v1;
	_ =	sdelay $0x1  }
0x26e: {  	(erf) = vpow2.f32 v1;
	_ =	sdelay $0x2  }
0x26f: {  	v1 =	vld [tilespmem:$0x230]  }
0x270: {  	v2 =	vld [tilespmem:$0x2B0];
	_ =	sdelay $0x4  }
0x271: {  	[tilespmem:$0x430] =	vst v2;
	v3 =	vpop (erf)  }
0x272: {  	[tilespmem:$0x2DA0] =	vst v3  }
0x273: {  	v1 =	vld.idx.msk [tilespmem:v1+s12+$0x0], $0xffff  }
0x274: {  	v2 =	vld.idx.msk [tilespmem:v2+s12+$0x0], $0xffff;
	_ =	sdelay $0x4  }
0x275: {  	v1 =	vand.u32 $0xFFFF0000, v1;
	v2 =	vshll.u32 v2, $0x10  }
0x276: {  	v1 =	vadd.f32 v2, v1;
	_ =	sdelay $0x1  }
0x277: {  	v2 =	vmul.f32 $2.000000030e-01, v1  }
0x278: {  	vm14 =	vge.f32 v1, $0.0e+00  }
0x279: {  	v1 =	vsel vm14, v1, v2  }
0x27a: {  	v1 =	vmul.f32 $1.442695020e+00, v1;
	_ =	sdelay $0x1  }
0x27b: {  	(erf) = vpow2.f32 v1;
	_ =	sdelay $0x2  }
0x27c: {  	v1 =	vld [tilespmem:$0x240]  }
0x27d: {  	v2 =	vld [tilespmem:$0x2C0];
	_ =	sdelay $0x4  }
0x27e: {  	[tilespmem:$0x440] =	vst v2;
	v3 =	vpop (erf)  }
0x27f: {  	[tilespmem:$0x2DB0] =	vst v3  }
0x280: {  	v1 =	vld.idx.msk [tilespmem:v1+s12+$0x0], $0xffff  }
0x281: {  	v2 =	vld.idx.msk [tilespmem:v2+s12+$0x0], $0xffff;
	_ =	sdelay $0x4  }
0x282: {  	v1 =	vand.u32 $0xFFFF0000, v1;
	v2 =	vshll.u32 v2, $0x10  }
0x283: {  	v1 =	vadd.f32 v2, v1;
	_ =	sdelay $0x1  }
0x284: {  	v2 =	vmul.f32 $2.000000030e-01, v1  }
0x285: {  	vm15 =	vge.f32 v1, $0.0e+00  }
0x286: {  	v1 =	vsel vm15, v1, v2  }
0x287: {  	v1 =	vmul.f32 $1.442695020e+00, v1;
	_ =	sdelay $0x1  }
0x288: {  	(erf) = vpow2.f32 v1;
	_ =	sdelay $0x2  }
0x289: {  	s13 =	simm.s32 $0x0  }
0x28a: {  	s14 =	simm.s32 $0x2;
	v1 =	vmov s13  }
0x28b: {  	v2 =	vmov s14;
	v1 =	vand.u32 $0xFFFFFFFC, v1  }
0x28c: {  	v2 =	vand.u32 $0xFFFFFFFE, v2;
	v1 =	vbroadcast v1, $0x0  }
0x28d: {  	v2 =	vbroadcast v2, $0x0;
	_ =	sdelay $0x1  }
0x28e: {  	v3 =	vpop (erf)  }
0x28f: {  	[tilespmem:$0x2DC0] =	vst v3  }
0x290: {  	[spmem:s11] =	stream.indirect.scatter.add.f32 [tilespmem:s22], [sflag:$0x9], $0x1, s20, s28, $0xb8;
	[tilespmem:$0x1EB00] =	vst v63  }
0x291: {  	v1 =	vld.idx.msk [tilespmem:v1+s22+$0x0], $0xffff  }
0x292: {  	s1 =	simm.s32 $0x7F00;
	v2 =	vld.idx.msk [tilespmem:v2+s22+$0x0], $0xffff  }
0x293: {  	s31 =	simm.s32 $0x1;
	v4 =	vld [tilespmem:s1+$0x70]  }
0x294: {  	v3 =	vmov s31;
	v5 =	vld [tilespmem:s1+$0xFFFFFF00]  }
0x295: {  	v3 =	vand.u32 $0xFFFFFFFD, v3;
	v6 =	vld [tilespmem:s1+$0xFFFFFF10]  }
0x296: {  	v3 =	vbroadcast v3, $0x0;
	v7 =	vld [tilespmem:s1+$0xFFFFFF20]  }
0x297: {  	v8 =	vld [tilespmem:s1+$0xFFFFFF30]  }
0x298: {  	v9 =	vld [tilespmem:s1+$0xFFFFFF40]  }
0x299: {  	v10 =	vld [tilespmem:s1+$0xFFFFFF50]  }
0x29a: {  	v11 =	vld [tilespmem:s1+$0xFFFFFF60];
	v5 =	vmul.f32 v5, v1  }
0x29b: {  	v13 =	vld [tilespmem:s1+$0x40];
	v4 =	vmul.f32 v4, v2  }
0x29c: {  	v3 =	vld.idx.msk [tilespmem:v3+s22+$0x0], $0xffff;
	[tilespmem:s1+$0xFFFFFF00] =	vst v5;
	v5 =	vmul.f32 v6, v1  }
0x29d: {  	v6 =	vld [tilespmem:s1+$0xFFFFFF70];
	[tilespmem:s1+$0x70] =	vst v4;
	v4 =	vmul.f32 v7, v1  }
0x29e: {  	v7 =	vld [tilespmem:s1+$0xFFFFFF80];
	[tilespmem:s1+$0xFFFFFF10] =	vst v5;
	v5 =	vmul.f32 v8, v1  }
0x29f: {  	v8 =	vld [tilespmem:s1+$0xFFFFFF90];
	[tilespmem:s1+$0xFFFFFF20] =	vst v4;
	v4 =	vmul.f32 v9, v1  }
0x2a0: {  	v9 =	vld [tilespmem:s1+$0xFFFFFFA0];
	[tilespmem:s1+$0xFFFFFF30] =	vst v5;
	v5 =	vmul.f32 v10, v1  }
0x2a1: {  	v10 =	vld [tilespmem:s1+$0xFFFFFFB0];
	[tilespmem:s1+$0xFFFFFF40] =	vst v4;
	v4 =	vmul.f32 v11, v1  }
0x2a2: {  	v11 =	vld [tilespmem:s1+$0xFFFFFFC0];
	v6 =	vmul.f32 v6, v1;
	[tilespmem:s1+$0xFFFFFF50] =	vst v5  }
0x2a3: {  	v5 =	vmul.f32 v7, v3;
	v7 =	vld [tilespmem:s1+$0xFFFFFFD0];
	[tilespmem:s1+$0xFFFFFF60] =	vst v4  }
0x2a4: {  	s14 =	simm.s32 $0x3;
	v4 =	vld [tilespmem:s1+$0xFFFFFFE0];
	v8 =	vmul.f32 v8, v3;
	[tilespmem:s1+$0xFFFFFF70] =	vst v6  }
0x2a5: {  	v12 =	vmov s14;
	v6 =	vld [tilespmem:s1+$0xFFFFFFF0];
	[tilespmem:s1+$0xFFFFFF80] =	vst v5;
	v5 =	vmul.f32 v9, v3  }
0x2a6: {  	v9 =	vld [tilespmem:s1+$0x0];
	[tilespmem:s1+$0xFFFFFF90] =	vst v8;
	v8 =	vmul.f32 v10, v3  }
0x2a7: {  	v10 =	vld [tilespmem:s1+$0x10];
	[tilespmem:s1+$0xFFFFFFA0] =	vst v5;
	v5 =	vmul.f32 v11, v3  }
0x2a8: {  	[tilespmem:s1+$0xFFFFFFB0] =	vst v8;
	v7 =	vmul.f32 v7, v3;
	v8 =	vld [tilespmem:s1+$0x20]  }
0x2a9: {  	v11 =	vld [tilespmem:s1+$0x30];
	v4 =	vmul.f32 v4, v3;
	[tilespmem:s1+$0xFFFFFFC0] =	vst v5  }
0x2aa: {  	v1 =	vld.idx.msk [tilespmem:v12+s22+$0x0], $0xffff;
	v3 =	vmul.f32 v6, v3;
	[tilespmem:s1+$0xFFFFFFD0] =	vst v7  }
0x2ab: {  	[tilespmem:s1+$0xFFFFFFE0] =	vst v4;
	v5 =	vmul.f32 v9, v2;
	v4 =	vld [tilespmem:s1+$0x50]  }
0x2ac: {  	s31 =	simm.s32 $0x4;
	[tilespmem:s1+$0xFFFFFFF0] =	vst v3;
	v6 =	vmul.f32 v10, v2;
	v3 =	vld [tilespmem:s1+$0x60]  }
0x2ad: {  	s14 =	simm.s32 $0x7;
	v7 =	vmov s31;
	[tilespmem:s1+$0x0] =	vst v5;
	v9 =	vmul.f32 v8, v2;
	v8 =	vld [tilespmem:s1+$0x80]  }
0x2ae: {  	s31 =	simm.s32 $0x5;
	v12 =	vand.u32 $0xFFFFFFFC, v7;
	v7 =	vld [tilespmem:s1+$0x90];
	v5 =	vmov s14;
	v10 =	vmul.f32 v11, v2;
	[tilespmem:s1+$0x10] =	vst v6  }
0x2af: {  	s30 =	simm.s32 $0x6;
	s29 =	simm.s32 $0x7F00;
	s13 =	simm.s32 $0x8;
	v11 =	vmul.f32 v13, v2;
	v6 =	vbroadcast v12, $0x0;
	v12 =	vmov s31;
	[tilespmem:s1+$0x20] =	vst v9;
	v9 =	vld [tilespmem:s1+$0xA0]  }
.LBB2_9:
0x2b0: {  	p0 =	slt.u32 s13, $0x4C;
	v12 =	vand.u32 $0xFFFFFFFD, v12;
	v13 =	vmov s30;
	[tilespmem:s1+$0x30] =	vst v10;
	v4 =	vmul.f32 v4, v2;
	v10 =	vld [tilespmem:s1+$0xB0]  }
0x2b1: {  	v12 =	vbroadcast v12, $0x0;
	v13 =	vand.u32 $0xFFFFFFFE, v13;
	[tilespmem:s1+$0x40] =	vst v11;
	v2 =	vmul.f32 v3, v2;
	v3 =	vld [tilespmem:s1+$0xC0]  }
0x2b2: {  	v11 =	vbroadcast v13, $0x0;
	[tilespmem:s1+$0x50] =	vst v4;
	v4 =	vmul.f32 v8, v1;
	v8 =	vld [tilespmem:s1+$0xD0]  }
0x2b3: {  	[tilespmem:s1+$0x60] =	vst v2;
	v2 =	vmul.f32 v7, v1;
	v7 =	vld [tilespmem:s1+$0xE0]  }
0x2b4: {  	[tilespmem:s1+$0x80] =	vst v4;
	v4 =	vmul.f32 v9, v1;
	v9 =	vld [tilespmem:s1+$0xF0]  }
0x2b5: {  	v5 =	vld.idx.msk [tilespmem:v5+s22+$0x0], $0xffff;
	[tilespmem:s1+$0x90] =	vst v2;
	v2 =	vmul.f32 v10, v1  }
0x2b6: {  	v6 =	vld.idx.msk [tilespmem:v6+s22+$0x0], $0xffff;
	[tilespmem:s1+$0xA0] =	vst v4;
	v3 =	vmul.f32 v3, v1  }
0x2b7: {  	v4 =	vld.idx.msk [tilespmem:v12+s22+$0x0], $0xffff;
	[tilespmem:s1+$0xB0] =	vst v2;
	v8 =	vmul.f32 v8, v1  }
0x2b8: {  	s1 =	sadd.s32 $0x200, s1;
	v2 =	vld.idx.msk [tilespmem:v11+s22+$0x0], $0xffff;
	[tilespmem:s29+$0xC0] =	vst v3;
	v3 =	vmul.f32 v7, v1  }
0x2b9: {  	v7 =	vld [tilespmem:s1+$0x70];
	[tilespmem:s29+$0xD0] =	vst v8;
	v9 =	vmul.f32 v9, v1  }
0x2ba: {  	v8 =	vld [tilespmem:s1+$0xFFFFFF00];
	[tilespmem:s29+$0xE0] =	vst v3  }
0x2bb: {  	v1 =	vmov v5;
	v3 =	vld [tilespmem:s1+$0xFFFFFF10];
	[tilespmem:s29+$0xF0] =	vst v9;
	s29 =	smov.u32 s1  }
0x2bc: {  	v5 =	vld [tilespmem:s1+$0xFFFFFF20]  }
0x2bd: {  	v9 =	vld [tilespmem:s1+$0xFFFFFF30]  }
0x2be: {  	v10 =	vld [tilespmem:s1+$0xFFFFFF40];
	v7 =	vmul.f32 v7, v2  }
0x2bf: {  	v8 =	vmul.f32 v8, v6;
	v11 =	vld [tilespmem:s1+$0xFFFFFF50]  }
0x2c0: {  	v3 =	vmul.f32 v3, v6;
	v12 =	vld [tilespmem:s1+$0xFFFFFF60];
	[tilespmem:s1+$0x70] =	vst v7  }
0x2c1: {  	[tilespmem:s1+$0xFFFFFF00] =	vst v8;
	v5 =	vmul.f32 v5, v6;
	v7 =	vld [tilespmem:s1+$0xFFFFFF70]  }
0x2c2: {  	[tilespmem:s1+$0xFFFFFF10] =	vst v3;
	v3 =	vmul.f32 v9, v6;
	v8 =	vld [tilespmem:s1+$0xFFFFFF80]  }
0x2c3: {  	[tilespmem:s1+$0xFFFFFF20] =	vst v5;
	v5 =	vmul.f32 v10, v6;
	v9 =	vld [tilespmem:s1+$0xFFFFFF90]  }
0x2c4: {  	[tilespmem:s1+$0xFFFFFF30] =	vst v3;
	v3 =	vmul.f32 v11, v6;
	v10 =	vld [tilespmem:s1+$0xFFFFFFA0]  }
0x2c5: {  	[tilespmem:s1+$0xFFFFFF40] =	vst v5;
	v5 =	vmul.f32 v12, v6;
	v11 =	vld [tilespmem:s1+$0xFFFFFFB0]  }
0x2c6: {  	[tilespmem:s1+$0xFFFFFF50] =	vst v3;
	v3 =	vmul.f32 v7, v6;
	v6 =	vld [tilespmem:s1+$0xFFFFFFC0]  }
0x2c7: {  	[tilespmem:s1+$0xFFFFFF60] =	vst v5;
	v5 =	vmul.f32 v8, v4;
	v7 =	vld [tilespmem:s1+$0xFFFFFFD0]  }
0x2c8: {  	[tilespmem:s1+$0xFFFFFF70] =	vst v3;
	v3 =	vmul.f32 v9, v4;
	v8 =	vld [tilespmem:s1+$0xFFFFFFE0]  }
0x2c9: {  	[tilespmem:s1+$0xFFFFFF80] =	vst v5;
	v5 =	vmul.f32 v10, v4;
	v9 =	vld [tilespmem:s1+$0xFFFFFFF0]  }
0x2ca: {  	[tilespmem:s1+$0xFFFFFF90] =	vst v3;
	v3 =	vmul.f32 v11, v4;
	v10 =	vld [tilespmem:s1+$0x0]  }
0x2cb: {  	[tilespmem:s1+$0xFFFFFFA0] =	vst v5;
	v5 =	vmul.f32 v6, v4;
	v6 =	vld [tilespmem:s1+$0x10]  }
0x2cc: {  	[tilespmem:s1+$0xFFFFFFB0] =	vst v3;
	v3 =	vmul.f32 v7, v4;
	v7 =	vld [tilespmem:s1+$0x20]  }
0x2cd: {  	[tilespmem:s1+$0xFFFFFFC0] =	vst v5;
	v5 =	vmul.f32 v8, v4;
	v11 =	vld [tilespmem:s1+$0x30]  }
0x2ce: {  	[tilespmem:s1+$0xFFFFFFD0] =	vst v3;
	v3 =	vmul.f32 v9, v4;
	v9 =	vld [tilespmem:s1+$0x40]  }
.Ltmp3:
0x2cf: {  	[tilespmem:s1+$0xFFFFFFE0] =	vst v5;
	v5 =	vmul.f32 v10, v2;
	v4 =	vld [tilespmem:s1+$0x50];
	(pc) =	sbr.rel @p0 .LBB2_9-.Ltmp3, $4  }
0x2d0: {  	[tilespmem:s1+$0xFFFFFFF0] =	vst v3;
	v6 =	vmul.f32 v6, v2;
	v3 =	vld [tilespmem:s1+$0x60]  }
0x2d1: {  	s14 =	sadd.s32 $0x3, s13;
	v10 =	vmov s13;
	[tilespmem:s1+$0x0] =	vst v5;
	v13 =	vmul.f32 v7, v2;
	v8 =	vld [tilespmem:s1+$0x80]  }
0x2d2: {  	s30 =	sadd.s32 $0x1, s13;
	v12 =	vand.u32 $0xFFFFFFFC, v10;
	v5 =	vmov s14;
	[tilespmem:s1+$0x10] =	vst v6;
	v10 =	vmul.f32 v11, v2;
	v7 =	vld [tilespmem:s1+$0x90]  }
0x2d3: {  	v6 =	vbroadcast v12, $0x0;
	v12 =	vmov s30;
	s30 =	sadd.s32 $0x2, s13;
	s13 =	sadd.s32 $0x4, s13;
	[tilespmem:s1+$0x20] =	vst v13;
	v11 =	vmul.f32 v9, v2;
	v9 =	vld [tilespmem:s1+$0xA0]  }
0x2d4: {  	v13 =	vld [tilespmem:s1+$0xB0]  }
0x2d5: {  	v15 =	vld [tilespmem:s1+$0xC0]  }
0x2d6: {  	v16 =	vld [tilespmem:s1+$0xD0]  }
0x2d7: {  	v17 =	vld [tilespmem:s1+$0xE0]  }
0x2d8: {  	v29 =	vld [tilespmem:s1+$0xF0];
	[tilespmem:s1+$0x30] =	vst v10;
	v4 =	vmul.f32 v4, v2  }
0x2d9: {  	v5 =	vld.idx.msk [tilespmem:v5+s22+$0x0], $0xffff;
	[tilespmem:s1+$0x40] =	vst v11;
	v2 =	vmul.f32 v3, v2  }
0x2da: {  	s13 =	sadd.s32 $0x200, s1;
	v3 =	vld.idx.msk [tilespmem:v6+s22+$0x0], $0xffff;
	v8 =	vmul.f32 v8, v1;
	[tilespmem:s1+$0x50] =	vst v4  }
0x2db: {  	v14 =	vmov s30;
	v34 =	vld [tilespmem:s13+$0x70];
	v30 =	vmul.f32 v7, v1;
	[tilespmem:s1+$0x60] =	vst v2  }
0x2dc: {  	v14 =	vand.u32 $0xFFFFFFFE, v14;
	v35 =	vld [tilespmem:s13+$0xFFFFFF00];
	[tilespmem:s1+$0x80] =	vst v8;
	v2 =	vmul.f32 v9, v1  }
0x2dd: {  	v37 =	vld [tilespmem:s13+$0xFFFFFF10];
	v14 =	vbroadcast v14, $0x0;
	[tilespmem:s1+$0x90] =	vst v30;
	v33 =	vmul.f32 v13, v1  }
0x2de: {  	v38 =	vld [tilespmem:s13+$0xFFFFFF20];
	[tilespmem:s1+$0xA0] =	vst v2;
	v2 =	vmul.f32 v15, v1  }
0x2df: {  	v12 =	vand.u32 $0xFFFFFFFD, v12;
	v39 =	vld [tilespmem:s13+$0xFFFFFF30];
	v36 =	vmul.f32 v16, v1;
	[tilespmem:s1+$0xB0] =	vst v33  }
0x2e0: {  	v12 =	vbroadcast v12, $0x0;
	v41 =	vld [tilespmem:s13+$0xFFFFFF50];
	[tilespmem:s29+$0xC0] =	vst v2;
	v2 =	vmul.f32 v17, v1  }
0x2e1: {  	v43 =	vld [tilespmem:s13+$0xFFFFFF60];
	[tilespmem:s29+$0xD0] =	vst v36;
	v1 =	vmul.f32 v29, v1  }
0x2e2: {  	v42 =	vmul.f32 v37, v3;
	[tilespmem:s29+$0xE0] =	vst v2;
	v2 =	vld [tilespmem:s13+$0xFFFFFF40]  }
0x2e3: {  	v32 =	vld.idx.msk [tilespmem:v14+s22+$0x0], $0xffff;
	[tilespmem:s29+$0xF0] =	vst v1;
	v1 =	vmul.f32 v35, v3  }
0x2e4: {  	v44 =	vld [tilespmem:s13+$0xFFFFFF70];
	v4 =	vmul.f32 v39, v3;
	[tilespmem:s13+$0xFFFFFF10] =	vst v42  }
0x2e5: {  	v45 =	vld [tilespmem:s13+$0xFFFFFF80];
	[tilespmem:s13+$0xFFFFFF00] =	vst v1;
	v1 =	vmul.f32 v38, v3  }
0x2e6: {  	v46 =	vmul.f32 v41, v3;
	v31 =	vld.idx.msk [tilespmem:v12+s22+$0x0], $0xffff;
	[tilespmem:s13+$0xFFFFFF30] =	vst v4  }
0x2e7: {  	[tilespmem:s13+$0xFFFFFF20] =	vst v1;
	v1 =	vmul.f32 v2, v3;
	v2 =	vld [tilespmem:s13+$0xFFFFFF90]  }
0x2e8: {  	v47 =	vld [tilespmem:s13+$0xFFFFFFA0];
	[tilespmem:s13+$0xFFFFFF50] =	vst v46;
	v40 =	vmul.f32 v34, v32  }
0x2e9: {  	v48 =	vld [tilespmem:s13+$0xFFFFFFB0];
	[tilespmem:s13+$0xFFFFFF40] =	vst v1;
	v1 =	vmul.f32 v43, v3  }
0x2ea: {  	v49 =	vld [tilespmem:s13+$0xFFFFFFC0];
	[tilespmem:s13+$0x70] =	vst v40;
	v3 =	vmul.f32 v44, v3  }
0x2eb: {  	v50 =	vld [tilespmem:s13+$0xFFFFFFD0];
	[tilespmem:s13+$0xFFFFFF60] =	vst v1;
	v1 =	vmul.f32 v45, v31  }
0x2ec: {  	[tilespmem:s13+$0xFFFFFF70] =	vst v3;
	v3 =	vld [tilespmem:s13+$0xFFFFFFE0];
	v2 =	vmul.f32 v2, v31  }
0x2ed: {  	v51 =	vld [tilespmem:s13+$0xFFFFFFF0];
	[tilespmem:s13+$0xFFFFFF80] =	vst v1;
	v1 =	vmul.f32 v47, v31  }
0x2ee: {  	v52 =	vld [tilespmem:s13+$0x0];
	[tilespmem:s13+$0xFFFFFF90] =	vst v2;
	v2 =	vmul.f32 v48, v31  }
0x2ef: {  	v53 =	vld [tilespmem:s13+$0x10];
	[tilespmem:s13+$0xFFFFFFA0] =	vst v1;
	v1 =	vmul.f32 v49, v31  }
0x2f0: {  	v54 =	vld [tilespmem:s13+$0x20];
	[tilespmem:s13+$0xFFFFFFB0] =	vst v2;
	v2 =	vmul.f32 v50, v31  }
0x2f1: {  	[tilespmem:s13+$0xFFFFFFC0] =	vst v1;
	v1 =	vmul.f32 v3, v31;
	v3 =	vld [tilespmem:s13+$0x30]  }
0x2f2: {  	v55 =	vld [tilespmem:s13+$0x40];
	[tilespmem:s13+$0xFFFFFFD0] =	vst v2;
	v2 =	vmul.f32 v51, v31  }
0x2f3: {  	v56 =	vld [tilespmem:s13+$0x50];
	[tilespmem:s13+$0xFFFFFFE0] =	vst v1;
	v1 =	vmul.f32 v52, v32  }
0x2f4: {  	v57 =	vld [tilespmem:s13+$0x60];
	[tilespmem:s13+$0xFFFFFFF0] =	vst v2;
	v2 =	vmul.f32 v53, v32  }
0x2f5: {  	v58 =	vld [tilespmem:s13+$0x80];
	[tilespmem:s13+$0x0] =	vst v1;
	v1 =	vmul.f32 v54, v32  }
0x2f6: {  	[tilespmem:s13+$0x10] =	vst v2;
	v2 =	vmul.f32 v3, v32;
	v3 =	vld [tilespmem:s13+$0x90]  }
0x2f7: {  	v59 =	vld [tilespmem:s13+$0xA0];
	[tilespmem:s13+$0x20] =	vst v1;
	v1 =	vmul.f32 v55, v32  }
0x2f8: {  	v60 =	vld [tilespmem:s13+$0xB0];
	[tilespmem:s13+$0x30] =	vst v2;
	v2 =	vmul.f32 v56, v32  }
0x2f9: {  	v61 =	vld [tilespmem:s13+$0xC0];
	[tilespmem:s13+$0x40] =	vst v1;
	v1 =	vmul.f32 v57, v32  }
0x2fa: {  	v62 =	vld [tilespmem:s13+$0xD0];
	[tilespmem:s13+$0x50] =	vst v2;
	v2 =	vmul.f32 v58, v5  }
0x2fb: {  	[tilespmem:s13+$0x60] =	vst v1;
	v1 =	vmul.f32 v3, v5;
	v3 =	vld [tilespmem:s13+$0xE0]  }
0x2fc: {  	v63 =	vld [tilespmem:s13+$0xF0];
	[tilespmem:s13+$0x80] =	vst v2;
	v2 =	vmul.f32 v59, v5  }
0x2fd: {  	[tilespmem:s13+$0x90] =	vst v1;
	v1 =	vmul.f32 v60, v5  }
0x2fe: {  	s26 =	sadd.s32 $0x1, s26;
	[tilespmem:s13+$0xA0] =	vst v2;
	v2 =	vmul.f32 v61, v5  }
0x2ff: {  	p0 =	sne.s32 s26, $0x2B;
	[tilespmem:s13+$0xB0] =	vst v1;
	v1 =	vmul.f32 v62, v5  }
.Ltmp4:
0x300: {  	[tilespmem:s13+$0xC0] =	vst v2;
	v2 =	vmul.f32 v3, v5;
	(pc) =	sbr.rel @p0 .LBB2_4-.Ltmp4, $4  }
0x301: {  	[tilespmem:s13+$0xD0] =	vst v1;
	v1 =	vmul.f32 v63, v5  }
0x302: {  	[tilespmem:s13+$0xE0] =	vst v2  }
0x303: {  	[tilespmem:s13+$0xF0] =	vst v1  }
0x304: {  	[spmem:s10] =	stream.indirect.scatter.add.f32 [tilespmem:s25], [sflag:$0x9], $0x80, s20, s28, $0xb8;
	[tilespmem:$0x1EB00] =	vst v63  }
0x305: {  	s1 =	simm.s32 $0x7  }
0x306: {  	_ =	swait.ge [sflag:s1], $0x50  }
0x307: {  	[sflag:s1] =	ssyncset.done $0x0  }
0x308: {  	[sflag:s1] =	ssyncadd.s32 $0xFFFFFFB0  }
0x309: {  	_ =	swait.ge [sflag:s1], $0x2800  }
0x30a: {  	[sflag:s1] =	ssyncset.done $0x0  }
0x30b: {  	s26 =	simm.s32 $0x8;
	[sflag:s1] =	ssyncadd.s32 $0xFFFFD800  }
0x30c: {  	_ =	swait.ge [sflag:s26], $0x50  }
0x30d: {  	[sflag:s26] =	ssyncset.done $0x0  }
0x30e: {  	[sflag:s26] =	ssyncadd.s32 $0xFFFFFFB0  }
0x30f: {  	_ =	swait.ge [sflag:s26], $0x2800  }
0x310: {  	[sflag:s26] =	ssyncset.done $0x0  }
0x311: {  	s6 =	simm.s32 $0x9;
	[sflag:s26] =	ssyncadd.s32 $0xFFFFD800  }
0x312: {  	_ =	swait.ge [sflag:s6], $0x50  }
0x313: {  	[sflag:s6] =	ssyncset.done $0x0  }
0x314: {  	[sflag:s6] =	ssyncadd.s32 $0xFFFFFFB0  }
0x315: {  	_ =	swait.ge [sflag:s6], $0x2800  }
0x316: {  	[sflag:s6] =	ssyncset.done $0x0  }
0x317: {  	[sflag:s6] =	ssyncadd.s32 $0xFFFFD800  }
0x318: {  	[bflag:$0x0] =	sbarrier.arrive $0xFFFF  }
0x319: {  	s24 =	simm.s32 $0x2E00;
	s13 =	simm.s32 $0xA;
	s29 =	rddreg [dreg:$0xe]  }
0x31a: {  	[tilespmem:s24], [sflag:$0xA] =	stream.linear.gather [spmem:s29], $0x2800, $0x38;
	[tilespmem:$0x1EB00] =	vst v63  }
0x31b: {  	_ =	swait.ge [sflag:s13], $0x2800  }
0x31c: {  	[sflag:s13] =	ssyncset.done $0x0  }
0x31d: {  	s26 =	simm.s32 $0x0;
	s7 =	rddreg [dreg:$0x5];
	[sflag:s13] =	ssyncadd.s32 $0xFFFFD800  }
0x31e: {  	[hbm4b:s7+s26] =	stream.linear.scatter [tilespmem:s24], [sflag:$0x4], $0x2800, $0x38;
	[tilespmem:$0x1EB00] =	vst v63  }
0x31f: {  	s31 =	rddreg [dreg:$0x10]  }
0x320: {  	[tilespmem:s5], [sflag:$0xA] =	stream.linear.gather [spmem:s31], $0x2800, $0x38;
	[tilespmem:$0x1EB00] =	vst v63  }
0x321: {  	_ =	swait.ge [sflag:s13], $0x2800  }
0x322: {  	[sflag:s13] =	ssyncset.done $0x0  }
0x323: {  	s14 =	rddreg [dreg:$0x6];
	[sflag:s13] =	ssyncadd.s32 $0xFFFFD800  }
0x324: {  	[hbm4b:s14+s26] =	stream.linear.scatter [tilespmem:s5], [sflag:$0x5], $0x2800, $0x38;
	[tilespmem:$0x1EB00] =	vst v63  }
0x325: {  	s6 =	rddreg [dreg:$0x12]  }
0x326: {  	[tilespmem:s25], [sflag:$0xA] =	stream.linear.gather [spmem:s6], $0x2800, $0x38;
	[tilespmem:$0x1EB00] =	vst v63  }
0x327: {  	_ =	swait.ge [sflag:s13], $0x2800  }
0x328: {  	[sflag:s13] =	ssyncset.done $0x0  }
0x329: {  	s7 =	rddreg [dreg:$0x7];
	[sflag:s13] =	ssyncadd.s32 $0xFFFFD800  }
0x32a: {  	[hbm4b:s7+s26] =	stream.linear.scatter [tilespmem:s25], [sflag:$0x6], $0x2800, $0x38;
	[tilespmem:$0x1EB00] =	vst v63  }
0x32b: {  	_ =	swait.ge [sflag:s21], $0x2800  }
0x32c: {  	[sflag:s21] =	ssyncset.done $0x0  }
0x32d: {  	s14 =	rddreg [dreg:$0x14];
	[sflag:s21] =	ssyncadd.s32 $0xFFFFD800  }
0x32e: {  	[tilespmem:s24], [sflag:$0xA] =	stream.linear.gather [spmem:s14], $0x2800, $0x38;
	[tilespmem:$0x1EB00] =	vst v63  }
0x32f: {  	_ =	swait.ge [sflag:s13], $0x2800  }
0x330: {  	[sflag:s13] =	ssyncset.done $0x0  }
0x331: {  	s6 =	rddreg [dreg:$0x8];
	[sflag:s13] =	ssyncadd.s32 $0xFFFFD800  }
0x332: {  	[hbm4b:s6+s26] =	stream.linear.scatter [tilespmem:s24], [sflag:$0x4], $0x2800, $0x38;
	[tilespmem:$0x1EB00] =	vst v63  }
0x333: {  	_ =	swait.ge [sflag:s23], $0x2800  }
0x334: {  	[sflag:s23] =	ssyncset.done $0x0  }
0x335: {  	s7 =	rddreg [dreg:$0x16];
	[sflag:s23] =	ssyncadd.s32 $0xFFFFD800  }
0x336: {  	[tilespmem:s5], [sflag:$0xA] =	stream.linear.gather [spmem:s7], $0x2800, $0x38;
	[tilespmem:$0x1EB00] =	vst v63  }
0x337: {  	_ =	swait.ge [sflag:s13], $0x2800  }
0x338: {  	[sflag:s13] =	ssyncset.done $0x0  }
0x339: {  	s14 =	rddreg [dreg:$0x9];
	[sflag:s13] =	ssyncadd.s32 $0xFFFFD800  }
0x33a: {  	[hbm4b:s14+s26] =	stream.linear.scatter [tilespmem:s5], [sflag:$0x5], $0x2800, $0x38;
	[tilespmem:$0x1EB00] =	vst v63  }
0x33b: {  	_ =	swait.ge [sflag:s18], $0x2800  }
0x33c: {  	[sflag:s18] =	ssyncset.done $0x0  }
0x33d: {  	s14 =	rddreg [dreg:$0x18];
	[sflag:s18] =	ssyncadd.s32 $0xFFFFD800  }
0x33e: {  	[tilespmem:s25], [sflag:$0xA] =	stream.linear.gather [spmem:s14], $0x2800, $0x38;
	[tilespmem:$0x1EB00] =	vst v63  }
0x33f: {  	_ =	swait.ge [sflag:s13], $0x2800  }
0x340: {  	[sflag:s13] =	ssyncset.done $0x0  }
0x341: {  	s6 =	rddreg [dreg:$0xa];
	[sflag:s13] =	ssyncadd.s32 $0xFFFFD800  }
0x342: {  	[hbm4b:s6+s26] =	stream.linear.scatter [tilespmem:s25], [sflag:$0x6], $0x2800, $0x38;
	[tilespmem:$0x1EB00] =	vst v63  }
0x343: {  	_ =	swait.ge [sflag:s21], $0x2800  }
0x344: {  	[sflag:s21] =	ssyncset.done $0x0  }
0x345: {  	s7 =	rddreg [dreg:$0x1a];
	[sflag:s21] =	ssyncadd.s32 $0xFFFFD800  }
0x346: {  	[tilespmem:s24], [sflag:$0xA] =	stream.linear.gather [spmem:s7], $0x2800, $0x38;
	[tilespmem:$0x1EB00] =	vst v63  }
0x347: {  	_ =	swait.ge [sflag:s13], $0x2800  }
0x348: {  	[sflag:s13] =	ssyncset.done $0x0  }
0x349: {  	s6 =	rddreg [dreg:$0xb];
	[sflag:s13] =	ssyncadd.s32 $0xFFFFD800  }
0x34a: {  	[hbm4b:s6+s26] =	stream.linear.scatter [tilespmem:s24], [sflag:$0x4], $0x2800, $0x38;
	[tilespmem:$0x1EB00] =	vst v63  }
0x34b: {  	_ =	swait.ge [sflag:s23], $0x2800  }
0x34c: {  	[sflag:s23] =	ssyncset.done $0x0  }
0x34d: {  	s7 =	rddreg [dreg:$0x1c];
	[sflag:s23] =	ssyncadd.s32 $0xFFFFD800  }
0x34e: {  	[tilespmem:s5], [sflag:$0xA] =	stream.linear.gather [spmem:s7], $0x2800, $0x38;
	[tilespmem:$0x1EB00] =	vst v63  }
0x34f: {  	_ =	swait.ge [sflag:s13], $0x2800  }
0x350: {  	[sflag:s13] =	ssyncset.done $0x0  }
0x351: {  	s24 =	rddreg [dreg:$0xc];
	[sflag:s13] =	ssyncadd.s32 $0xFFFFD800  }
0x352: {  	[hbm4b:s24+s26] =	stream.linear.scatter [tilespmem:s5], [sflag:$0x5], $0x2800, $0x38;
	[tilespmem:$0x1EB00] =	vst v63  }
0x353: {  	s6 =	simm.s32 $0xA600;
	s30 =	rddreg [dreg:$0xf]  }
0x354: {  	[tilespmem:s6], [sflag:$0xA] =	stream.linear.gather [spmem:s30], $0x280, $0x38;
	[tilespmem:$0x1EB00] =	vst v63  }
0x355: {  	_ =	swait.ge [sflag:s13], $0x280  }
0x356: {  	s7 =	simm.s32 $0x80;
	[sflag:s13] =	ssyncset.done $0x0  }
0x357: {  	s24 =	simm.s32 $0x100;
	s1 =	rddreg [dreg:$0x1f];
	[sflag:s13] =	ssyncadd.s32 $0xFFFFFD80  }
0x358: {  	[hbm4b:s1+s7] =	stream.strided.scatter [tilespmem:s6], [sflag:$0xA], $0x280, s24, s7, $0x38;
	[tilespmem:$0x1EB00] =	vst v63  }
0x359: {  	_ =	swait.ge [sflag:s13], $0x280  }
0x35a: {  	[sflag:s13] =	ssyncset.done $0x0  }
0x35b: {  	[sflag:s13] =	ssyncadd.s32 $0xFFFFFD80  }
0x35c: {  	_ =	swait.ge [sflag:s18], $0x2800  }
0x35d: {  	[sflag:s18] =	ssyncset.done $0x0  }
0x35e: {  	[sflag:s18] =	ssyncadd.s32 $0xFFFFD800  }
0x35f: {  	_ =	swait.ge [sflag:s21], $0x2800  }
0x360: {  	[sflag:s21] =	ssyncset.done $0x0  }
0x361: {  	[sflag:s21] =	ssyncadd.s32 $0xFFFFD800  }
0x362: {  	_ =	swait.ge [sflag:s23], $0x2800  }
0x363: {  	s1 =	sld [smem:$0x7FB];
	_ =	sdelay $0x2  }
0x364: {  	s24 =	sadd.s32 $0x1, s1;
	s1 =	sld [smem:$0x7FC];
	_ =	sdelay $0x2  }
0x365: {  	p0 =	sne.s32 s24, s1  }
.Ltmp5:
0x366: {  	_ = 	snop;
	(pc) =	sbr.rel @p0 .LBB2_1-.Ltmp5, $3  }
0x367: {  	_ =	sdelay $0x1  }
0x368: {  	[sflag:s23] =	ssyncset.done $0x0  }
0x369: {  	s7 =	simm.s32 $0x300;
	s6 =	simm.s32 $0x200;
	[sflag:s23] =	ssyncadd.s32 $0xFFFFD800  }
0x36a: {  	_ =	sfence.sel $0x180000  }
0x36b: {  	[bflag:$0x0] =	sbarrier.arrive $0xFFFF  }
0x36c: {  	_ =	strace $0x90000047  }
0x36d: {  	s0 =	stileid.u32;
	[bflag:$0x2] =	sbarrier.arrive $0xFFFF  }
0x36e: {  	p0 =	sne.s32 s0, $0x0;
	s0 =	rddreg [dreg:$0x4]  }
0x36f: {  	s0 =	sadd.s32 @!p0 $0x100000, s0  }
0x370: {  	[sflag:s0] =	ssyncadd.tile.s32 @!p0 $0x1;
	_ =	shalt  }
.Lfunc_end2:
_tile_overlayer_lowered:
.L_overlay_start_2:
0x371: {  	(tag) =	ssettag $0x2  }
0x372: {  	s0 =	rddreg [dreg:$0x0];
	s2 =	stileid.u32  }
0x373: {  	s1 =	rddreg [dreg:$0x1];
	p0 =	sne.s32 s2, $0x0  }
0x374: {  	s3 =	rddreg [dreg:$0x2];
	[bflag:$0x3] =	sbarrier.arrive $0xFFFF;
	s2 =	simm.s32 @!p0 $0x1C0A  }
0x375: {  	[timem:s3], [sflag:s2] =	dma.local @!p0 [hbm:s0], s1  }
0x376: {  	s0 =	simm.s32 @!p0 $0xA  }
0x377: {  	_ =	swait.ge @!p0 [sflag:s0], s1  }
0x378: {  	s1 =	ssub.s32 @!p0 $0x0, s1;
	[sflag:s0] =	ssyncset.done @!p0 $0x0  }
0x379: {  	[sflag:s0] =	ssyncadd.s32 @!p0 s1  }
0x37a: {  	[bflag:$0x3] =	sbarrier.arrive $0xFFFF  }
0x37b: {  	_ =	shalt  }

</sc_bundles>
